<compile_context>
chip_gen: v7x
topology: tpu7x:2x2x1
jax: 0.10.2.dev20260603
libtpu: 0.0.44.dev20260713+nightly
codegen_flags: <defaults>
</compile_context>

<pallas_src>
import functools

import jax
import jax.numpy as jnp
from jax import lax
from jax.experimental import pallas as pl
from jax.experimental.pallas import tpu as pltpu
from jax.experimental.pallas import tpu_sc as plsc

B = 4
N = 4096
K = 10
BN = B * N
ROWS = BN * K
EPS = 1e-5
_BF = jnp.bfloat16

_NC = 2
_NS = 16
_NW = _NC * _NS


def _leaky(x):
    return jax.nn.leaky_relu(x, 0.2)


def _bn_apply(z, ga, be, m, v):
    return ga * (z - m) / jnp.sqrt(v + EPS) + be


def _stats_update(st_ref, z, first):
    s1 = jnp.sum(z, axis=0)
    s2 = jnp.sum(z * z, axis=0)
    c = s1.shape[0]
    row = lax.broadcasted_iota(jnp.int32, (8, c), 0)
    upd = (jnp.where(row == 0, s1[None, :], 0.0)
           + jnp.where(row == 1, s2[None, :], 0.0))

    @pl.when(first)
    def _():
        st_ref[...] = jnp.zeros((8, c), jnp.float32)

    st_ref[...] += upd


def _finalize_stats(st, count):
    m = st[0] / count
    v = st[1] / count - m * m
    return m.reshape(1, -1), v.reshape(1, -1)


def _stats_tile(st_ref, z):
    s1 = jnp.sum(z, axis=0)
    c = s1.shape[0]
    row = lax.broadcasted_iota(jnp.int32, (8, c), 0)
    st_ref[...] = jnp.where(row == 0, s1[None, :], 0.0)[None]


def _var_pass(z, m, count):
    c = z.shape[-1]
    nt = BN // _TG

    def body(z_ref, m_ref, st_ref):
        diff = z_ref[...].reshape(_TG * K, c) - m_ref[0][None, :]
        _stats_tile(st_ref, diff * diff)

    st = pl.pallas_call(
        body,
        grid=(nt,),
        in_specs=[
            pl.BlockSpec((_TG, K, c), lambda t: (t, 0, 0)),
            pl.BlockSpec((1, c), lambda t: (0, 0)),
        ],
        out_specs=pl.BlockSpec((1, 8, c), lambda t: (t, 0, 0)),
        out_shape=jax.ShapeDtypeStruct((nt, 8, c), jnp.float32),
        compiler_params=pltpu.CompilerParams(
            dimension_semantics=("parallel",)),
    )(z, m)
    return (jnp.sum(st[:, 0, :], axis=0) * (1.0 / count)).reshape(1, -1)



def _knn(xn, xtb, d):
    tn = 256

    def body(xa_ref, xt_ref, xT_ref, out_ref):
        xa = xa_ref[0]
        xt = xt_ref[0]
        sq_all = jnp.sum(xa * xa, axis=1)
        sq_t = jnp.sum(xt * xt, axis=1)
        inner = lax.dot_general(
            xt.astype(_BF), xT_ref[0], (((1,), (0,)), ((), ())),
            preferred_element_type=jnp.float32)
        dist = (sq_t[:, None] + (-2.0 * inner)) + sq_all[None, :]
        lane = lax.broadcasted_iota(jnp.int32, (tn, N), 1)
        dcur = dist
        for j in range(K + 1):
            mval = jnp.min(dcur, axis=1)
            cand = jnp.where(dcur == mval[:, None], lane, jnp.int32(N))
            amin = jnp.min(cand, axis=1)
            if j > 0:
                out_ref[0, j - 1, :] = amin
            if j < K:
                dcur = jnp.where(lane == amin[:, None], jnp.inf, dcur)

    return pl.pallas_call(
        body,
        grid=(B, N // tn),
        in_specs=[
            pl.BlockSpec((1, N, d), lambda b, t: (b, 0, 0)),
            pl.BlockSpec((1, tn, d), lambda b, t: (b, t, 0)),
            pl.BlockSpec((1, d, N), lambda b, t: (b, 0, 0)),
        ],
        out_specs=pl.BlockSpec((1, 16, tn), lambda b, t: (b, 0, t)),
        out_shape=jax.ShapeDtypeStruct((B, 16, N), jnp.int32),
        compiler_params=pltpu.CompilerParams(
            dimension_semantics=("parallel", "parallel")),
    )(xn, xn, xtb)



def _sc_gather(table, idxg, d):
    per_w = ROWS // _NW
    chunk = 512
    n_chunks = per_w // chunk
    mesh = plsc.VectorSubcoreMesh(core_axis_name="c", subcore_axis_name="s")

    @functools.partial(
        pl.kernel,
        mesh=mesh,
        out_type=jax.ShapeDtypeStruct((ROWS, d), jnp.float32),
        compiler_params=pltpu.CompilerParams(use_tc_tiling_on_sc=False),
        scratch_types=[
            pltpu.VMEM((chunk,), jnp.int32),
            pltpu.VMEM((chunk, d), jnp.float32),
            pltpu.SemaphoreType.DMA,
        ],
    )
    def gk(tab_hbm, idx_hbm, out_hbm, idx_v, rows_v, sem):
        wid = lax.axis_index("s") * _NC + lax.axis_index("c")
        base = wid * per_w

        def step(c, carry):
            off = base + c * chunk
            pltpu.sync_copy(idx_hbm.at[pl.ds(off, chunk)], idx_v)
            pltpu.async_copy(tab_hbm.at[idx_v], rows_v, sem).wait()
            pltpu.sync_copy(rows_v, out_hbm.at[pl.ds(off, chunk)])
            return carry

        lax.fori_loop(0, n_chunks, step, 0)

    return gk(table, idxg)



_TG = 512


def _conv0(gath, xflat, xsflat, w2d, d, cout):
    packed = xsflat is not None
    k2 = d if packed else 2 * d

    def body(g_ref, x_ref, *rest):
        if packed:
            xs_ref, w_ref, z_ref, st_ref = rest
        else:
            w_ref, z_ref, st_ref = rest
        x = x_ref[...]
        g = g_ref[...]
        diff = g - x[:, None, :]
        if packed:
            f = diff + xs_ref[...][:, None, :]
        else:
            f = jnp.concatenate(
                [diff, jnp.broadcast_to(x[:, None, :], g.shape)], axis=2)
        fb = f.astype(_BF).reshape(_TG * K, k2)
        z = lax.dot_general(fb, w_ref[...], (((1,), (0,)), ((), ())),
                            preferred_element_type=jnp.float32)
        z_ref[...] = z.reshape(_TG, K, cout)
        _stats_tile(st_ref, z)

    in_specs = [
        pl.BlockSpec((_TG, K, d), lambda t: (t, 0, 0)),
        pl.BlockSpec((_TG, d), lambda t: (t, 0)),
    ]
    args = [gath, xflat]
    if packed:
        in_specs.append(pl.BlockSpec((_TG, d), lambda t: (t, 0)))
        args.append(xsflat)
    in_specs.append(pl.BlockSpec((k2, cout), lambda t: (0, 0)))
    args.append(w2d)
    nt = BN // _TG
    return pl.pallas_call(
        body,
        grid=(nt,),
        in_specs=in_specs,
        out_specs=[
            pl.BlockSpec((_TG, K, cout), lambda t: (t, 0, 0)),
            pl.BlockSpec((1, 8, cout), lambda t: (t, 0, 0)),
        ],
        out_shape=[
            jax.ShapeDtypeStruct((BN, K, cout), jnp.float32),
            jax.ShapeDtypeStruct((nt, 8, cout), jnp.float32),
        ],
        compiler_params=pltpu.CompilerParams(
            dimension_semantics=("parallel",)),
    )(*args)


def _conv_mid(z0, ga, be, m, v, wt, cout):
    cin = z0.shape[-1]

    def body(z0_ref, ga_ref, be_ref, m_ref, v_ref, w_ref, z1_ref, st_ref):
        z0v = z0_ref[...]
        f = _leaky(_bn_apply(z0v, ga_ref[0], be_ref[0], m_ref[0], v_ref[0]))
        fb = f.astype(_BF).reshape(_TG * K, cin)
        z1 = lax.dot_general(fb, w_ref[...], (((1,), (0,)), ((), ())),
                             preferred_element_type=jnp.float32)
        z1_ref[...] = z1.reshape(_TG, K, cout)
        _stats_tile(st_ref, z1)

    nt = BN // _TG
    return pl.pallas_call(
        body,
        grid=(nt,),
        in_specs=[
            pl.BlockSpec((_TG, K, cin), lambda t: (t, 0, 0)),
            pl.BlockSpec((1, cin), lambda t: (0, 0)),
            pl.BlockSpec((1, cin), lambda t: (0, 0)),
            pl.BlockSpec((1, cin), lambda t: (0, 0)),
            pl.BlockSpec((1, cin), lambda t: (0, 0)),
            pl.BlockSpec((cin, cout), lambda t: (0, 0)),
        ],
        out_specs=[
            pl.BlockSpec((_TG, K, cout), lambda t: (t, 0, 0)),
            pl.BlockSpec((1, 8, cout), lambda t: (t, 0, 0)),
        ],
        out_shape=[
            jax.ShapeDtypeStruct((BN, K, cout), jnp.float32),
            jax.ShapeDtypeStruct((nt, 8, cout), jnp.float32),
        ],
        compiler_params=pltpu.CompilerParams(
            dimension_semantics=("parallel",)),
    )(z0, ga, be, m, v, wt)


def _pool(z, ga, be, m, v):
    c = z.shape[-1]

    def body(z_ref, ga_ref, be_ref, m_ref, v_ref, x_ref):
        zmax = jnp.max(z_ref[...], axis=1)
        x_ref[...] = _leaky(
            _bn_apply(zmax, ga_ref[0], be_ref[0], m_ref[0], v_ref[0]))

    return pl.pallas_call(
        body,
        grid=(BN // _TG,),
        in_specs=[
            pl.BlockSpec((_TG, K, c), lambda t: (t, 0, 0)),
            pl.BlockSpec((1, c), lambda t: (0, 0)),
            pl.BlockSpec((1, c), lambda t: (0, 0)),
            pl.BlockSpec((1, c), lambda t: (0, 0)),
            pl.BlockSpec((1, c), lambda t: (0, 0)),
        ],
        out_specs=pl.BlockSpec((_TG, c), lambda t: (t, 0)),
        out_shape=jax.ShapeDtypeStruct((BN, c), jnp.float32),
        compiler_params=pltpu.CompilerParams(
            dimension_semantics=("parallel",)),
    )(z, ga, be, m, v)


def _w5_stats(x1, x2, x3, w5t):
    th = 512
    nt = N // th

    def body(x1_ref, x2_ref, x3_ref, w_ref, st_ref, mx_ref):
        cat = jnp.concatenate([x1_ref[...], x2_ref[...], x3_ref[...]], axis=1)
        z5 = lax.dot_general(cat.astype(_BF), w_ref[...],
                             (((1,), (0,)), ((), ())),
                             preferred_element_type=jnp.float32)
        b = pl.program_id(0)
        t = pl.program_id(1)
        _stats_update(st_ref, z5, (b == 0) & (t == 0))
        tm = jnp.max(z5, axis=0)[None, None, :]

        @pl.when(t == 0)
        def _():
            mx_ref[...] = tm

        @pl.when(t > 0)
        def _():
            mx_ref[...] = jnp.maximum(mx_ref[...], tm)

    xspec = pl.BlockSpec((th, 64), lambda b, t: (b * nt + t, 0))
    return pl.pallas_call(
        body,
        grid=(B, nt),
        in_specs=[xspec, xspec, xspec,
                  pl.BlockSpec((192, 1024), lambda b, t: (0, 0))],
        out_specs=[
            pl.BlockSpec((8, 1024), lambda b, t: (0, 0)),
            pl.BlockSpec((1, 1, 1024), lambda b, t: (b, 0, 0)),
        ],
        out_shape=[
            jax.ShapeDtypeStruct((8, 1024), jnp.float32),
            jax.ShapeDtypeStruct((B, 1, 1024), jnp.float32),
        ],
        compiler_params=pltpu.CompilerParams(
            dimension_semantics=("arbitrary", "arbitrary")),
    )(x1, x2, x3, w5t)


def _head_small(zmax5p, g5, b5, m5, v5, labelp, w6t, g6, b6, p0g, p0l):

    def body(zm_ref, g5_ref, b5_ref, m5_ref, v5_ref, lab_ref, w6_ref,
             g6_ref, b6_ref, p0g_ref, p0l_ref, gl_ref):
        g_act = _leaky(_bn_apply(zm_ref[...], g5_ref[0], b5_ref[0],
                                 m5_ref[0], v5_ref[0]))
        z6 = lax.dot_general(lab_ref[...].astype(_BF), w6_ref[...],
                             (((1,), (0,)), ((), ())),
                             preferred_element_type=jnp.float32)
        row = lax.broadcasted_iota(jnp.int32, (8, 64), 0)
        mask = row < B
        m6 = jnp.sum(jnp.where(mask, z6, 0.0), axis=0) / B
        v6 = jnp.sum(jnp.where(mask, (z6 - m6[None, :]) ** 2, 0.0),
                     axis=0) / B
        l_act = _leaky(g6_ref[0] * (z6 - m6[None, :])
                       / jnp.sqrt(v6[None, :] + EPS) + b6_ref[0])
        gl = (lax.dot_general(g_act.astype(_BF), p0g_ref[...],
                              (((1,), (0,)), ((), ())),
                              preferred_element_type=jnp.float32)
              + lax.dot_general(l_act.astype(_BF), p0l_ref[...],
                                (((1,), (0,)), ((), ())),
                                preferred_element_type=jnp.float32))
        gl_ref[...] = gl

    full = lambda *s: pl.BlockSpec(s, lambda: tuple(0 for _ in s))
    return pl.pallas_call(
        body,
        in_specs=[
            full(8, 1024), full(1, 1024), full(1, 1024), full(1, 1024),
            full(1, 1024), full(8, 16), full(16, 64), full(1, 64),
            full(1, 64), full(1024, 256), full(64, 256),
        ],
        out_specs=full(8, 256),
        out_shape=jax.ShapeDtypeStruct((8, 256), jnp.float32),
    )(zmax5p, g5, b5, m5, v5, labelp, w6t, g6, b6, p0g, p0l)


def _p0(x1, x2, x3, p0xt, gl3):
    th = 512
    nt = N // th

    def body(x1_ref, x2_ref, x3_ref, w_ref, gl_ref, z_ref, st_ref):
        cat = jnp.concatenate([x1_ref[...], x2_ref[...], x3_ref[...]], axis=1)
        z = lax.dot_general(cat.astype(_BF), w_ref[...],
                            (((1,), (0,)), ((), ())),
                            preferred_element_type=jnp.float32)
        z = z + gl_ref[0]
        z_ref[...] = z
        b = pl.program_id(0)
        t = pl.program_id(1)
        _stats_update(st_ref, z, (b == 0) & (t == 0))

    xspec = pl.BlockSpec((th, 64), lambda b, t: (b * nt + t, 0))
    return pl.pallas_call(
        body,
        grid=(B, nt),
        in_specs=[xspec, xspec, xspec,
                  pl.BlockSpec((192, 256), lambda b, t: (0, 0)),
                  pl.BlockSpec((1, 1, 256), lambda b, t: (b, 0, 0))],
        out_specs=[
            pl.BlockSpec((th, 256), lambda b, t: (b * nt + t, 0)),
            pl.BlockSpec((8, 256), lambda b, t: (0, 0)),
        ],
        out_shape=[
            jax.ShapeDtypeStruct((BN, 256), jnp.float32),
            jax.ShapeDtypeStruct((8, 256), jnp.float32),
        ],
        compiler_params=pltpu.CompilerParams(
            dimension_semantics=("arbitrary", "arbitrary")),
    )(x1, x2, x3, p0xt, gl3)


def _p_mid(z_in, ga, be, m, v, wt, cout, want_stats):
    cin = z_in.shape[-1]
    th = 512

    def body(z_ref, ga_ref, be_ref, m_ref, v_ref, w_ref, z_out_ref,
             *maybe_st):
        f = _leaky(_bn_apply(z_ref[...], ga_ref[0], be_ref[0],
                             m_ref[0], v_ref[0]))
        z = lax.dot_general(f.astype(_BF), w_ref[...],
                            (((1,), (0,)), ((), ())),
                            preferred_element_type=jnp.float32)
        z_out_ref[...] = z
        if want_stats:
            _stats_update(maybe_st[0], z, pl.program_id(0) == 0)

    out_specs = [pl.BlockSpec((th, cout), lambda t: (t, 0))]
    out_shape = [jax.ShapeDtypeStruct((BN, cout), jnp.float32)]
    if want_stats:
        out_specs.append(pl.BlockSpec((8, cout), lambda t: (0, 0)))
        out_shape.append(jax.ShapeDtypeStruct((8, cout), jnp.float32))
    res = pl.pallas_call(
        body,
        grid=(BN // th,),
        in_specs=[
            pl.BlockSpec((th, cin), lambda t: (t, 0)),
            pl.BlockSpec((1, cin), lambda t: (0, 0)),
            pl.BlockSpec((1, cin), lambda t: (0, 0)),
            pl.BlockSpec((1, cin), lambda t: (0, 0)),
            pl.BlockSpec((1, cin), lambda t: (0, 0)),
            pl.BlockSpec((cin, cout), lambda t: (0, 0)),
        ],
        out_specs=out_specs,
        out_shape=out_shape,
        compiler_params=pltpu.CompilerParams(
            dimension_semantics=("arbitrary",)),
    )(z_in, ga, be, m, v, wt)
    return res if want_stats else (res[0], None)



def _edge_stage(x, d, w2d, ga0, be0, wt1, ga1, be1, xs=None):
    xtb = jnp.transpose(x, (0, 2, 1)).astype(_BF)
    idx = _knn(x, xtb, d)
    idxg = (jnp.arange(B, dtype=jnp.int32)[:, None, None] * N
            + jnp.transpose(idx[:, :K, :], (0, 2, 1))).reshape(ROWS)
    xflat = x.reshape(BN, d)
    gath = _sc_gather(xflat, idxg, d).reshape(BN, K, d)
    z0, st0 = _conv0(gath, xflat,
                     None if xs is None else xs.reshape(BN, d), w2d, d, 64)
    m0 = (jnp.sum(st0[:, 0, :], axis=0) * (1.0 / ROWS)).reshape(1, -1)
    v0 = _var_pass(z0, m0, float(ROWS))
    if wt1 is None:
        return _pool(z0, ga0, be0, m0, v0)
    z1, st1 = _conv_mid(z0, ga0, be0, m0, v0, wt1, 64)
    m1 = (jnp.sum(st1[:, 0, :], axis=0) * (1.0 / ROWS)).reshape(1, -1)
    v1 = _var_pass(z1, m1, float(ROWS))
    return _pool(z1, ga1, be1, m1, v1)


def kernel(points, label, params):
    p = params
    r1 = lambda a: a.reshape(1, -1)

    x0r = jnp.transpose(points, (0, 2, 1))
    x0 = jnp.pad(x0r, ((0, 0), (0, 0), (0, 13)))
    xs0 = jnp.pad(x0r, ((0, 0), (0, 0), (3, 10)))
    w0 = jnp.pad(p['W0'].T, ((0, 10), (0, 0)))
    x1 = _edge_stage(x0, 16, w0.astype(_BF), r1(p['g0']), r1(p['b0']),
                     p['W1'].T.astype(_BF), r1(p['g1']), r1(p['b1']),
                     xs=xs0)

    w2 = jnp.concatenate([p['W2'][:, :64].T, p['W2'][:, 64:].T], axis=0)
    x2 = _edge_stage(x1.reshape(B, N, 64), 64, w2.astype(_BF),
                     r1(p['g2']), r1(p['b2']),
                     p['W3'].T.astype(_BF), r1(p['g3']), r1(p['b3']))

    w4 = jnp.concatenate([p['W4'][:, :64].T, p['W4'][:, 64:].T], axis=0)
    x3 = _edge_stage(x2.reshape(B, N, 64), 64, w4.astype(_BF),
                     r1(p['g4']), r1(p['b4']), None, None, None)

    st5, zmax5 = _w5_stats(x1, x2, x3, p['W5'].T.astype(_BF))
    m5, v5 = _finalize_stats(st5, float(BN))
    zmax5p = jnp.pad(zmax5.reshape(B, 1024), ((0, 8 - B), (0, 0)))
    labelp = jnp.pad(label[:, :, 0], ((0, 8 - B), (0, 0)))
    gl = _head_small(zmax5p, r1(p['g5']), r1(p['b5']), m5, v5, labelp,
                     p['W6'].T.astype(_BF), r1(p['g6']), r1(p['b6']),
                     p['P0'][:, 192:1216].T.astype(_BF),
                     p['P0'][:, 1216:1280].T.astype(_BF))
    gl3 = gl[:B].reshape(B, 1, 256)

    zp0, stp0 = _p0(x1, x2, x3, p['P0'][:, :192].T.astype(_BF), gl3)
    mp0, vp0 = _finalize_stats(stp0, float(BN))
    zp1, stp1 = _p_mid(zp0, r1(p['pg0']), r1(p['pb0']), mp0, vp0,
                       p['P1'].T.astype(_BF), 256, True)
    mp1, vp1 = _finalize_stats(stp1, float(BN))
    zp2, stp2 = _p_mid(zp1, r1(p['pg1']), r1(p['pb1']), mp1, vp1,
                       p['P2'].T.astype(_BF), 128, True)
    mp2, vp2 = _finalize_stats(stp2, float(BN))
    p3t = jnp.pad(p['P3'].T, ((0, 0), (0, 2)))
    out8, _ = _p_mid(zp2, r1(p['pg2']), r1(p['pb2']), mp2, vp2,
                     p3t.astype(_BF), 8, False)
    return jnp.transpose(out8.reshape(B, N, 8)[:, :, :6], (0, 2, 1))

# --- scband reference (transcript-rebuilt; emitter-appended) ---
"""Pipeline reference for scband-segmentation-model-2894807957809 (READ-ONLY COPY).

The authoritative reference and input builder live on the scoring server;
editing this copy changes nothing except your own understanding.
"""

import jax, jax.numpy as jnp
import numpy as np

K_NEIGH = 10

def knn_feat(x, k=K_NEIGH):
    # x: (B, d, N) -> edge features (B, 2d, N, k)
    B, d, N = x.shape
    xt = jnp.transpose(x, (0, 2, 1))                      # (B, N, d)
    inner = -2.0 * jnp.einsum('bnd,bmd->bnm', xt, xt)
    sq = jnp.sum(xt * xt, axis=-1)
    dist = sq[:, :, None] + inner + sq[:, None, :]        # (B, N, N)
    _, idx = jax.lax.top_k(-dist, k + 1)                  # smallest distances
    idx = jax.lax.stop_gradient(idx[:, :, 1:])            # drop self
    bidx = jnp.arange(B)[:, None, None]
    neigh = xt[bidx, idx]                                 # (B, N, k, d) gather
    center = jnp.broadcast_to(xt[:, :, None, :], neigh.shape)
    f = jnp.concatenate([neigh - center, center], axis=-1)
    return jnp.transpose(f, (0, 3, 1, 2))                 # (B, 2d, N, k)

def bn(x, g, b):
    axes = tuple(i for i in range(x.ndim) if i != 1)
    m = jnp.mean(x, axis=axes, keepdims=True)
    v = jnp.var(x, axis=axes, keepdims=True)
    shp = [1] * x.ndim
    shp[1] = -1
    return g.reshape(shp) * (x - m) / jnp.sqrt(v + 1e-5) + b.reshape(shp)

def lrelu(x):
    return jax.nn.leaky_relu(x, 0.2)

def c2(x, W):
    return jnp.einsum('oi,bink->bonk', W, x)

def c1(x, W):
    return jnp.einsum('oi,bin->bon', W, x)

def _forward(points, label, p):
    f = knn_feat(points)                                   # (B,6,N,k)
    f = lrelu(bn(c2(f, p['W0']), p['g0'], p['b0']))
    f = lrelu(bn(c2(f, p['W1']), p['g1'], p['b1']))
    x1 = jnp.max(f, axis=-1)                               # (B,64,N)
    f = knn_feat(x1)                                       # (B,128,N,k)
    f = lrelu(bn(c2(f, p['W2']), p['g2'], p['b2']))
    f = lrelu(bn(c2(f, p['W3']), p['g3'], p['b3']))
    x2 = jnp.max(f, axis=-1)
    f = knn_feat(x2)
    f = lrelu(bn(c2(f, p['W4']), p['g4'], p['b4']))
    x3 = jnp.max(f, axis=-1)
    cat = jnp.concatenate([x1, x2, x3], axis=1)            # (B,192,N)
    g = lrelu(bn(c1(cat, p['W5']), p['g5'], p['b5']))      # (B,1024,N)
    g = jnp.max(g, axis=-1, keepdims=True)                 # (B,1024,1)
    l = lrelu(bn(c1(label, p['W6']), p['g6'], p['b6']))    # (B,64,1)
    glob = jnp.concatenate([g, l], axis=1)                 # (B,1088,1)
    N = points.shape[2]
    glob = jnp.broadcast_to(glob, (glob.shape[0], glob.shape[1], N))
    h = jnp.concatenate([x1, x2, x3, glob], axis=1)        # (B,1280,N)
    h = lrelu(bn(c1(h, p['P0']), p['pg0'], p['pb0']))
    h = lrelu(bn(c1(h, p['P1']), p['pg1'], p['pb1']))      # dropout = identity (eval)
    h = lrelu(bn(c1(h, p['P2']), p['pg2'], p['pb2']))
    out = c1(h, p['P3'])                                   # (B,num_classes,N)
    return out

def setup_inputs(seed: int = 0):
    key = jax.random.key(seed)
    ks = jax.random.split(key, 16)
    B, N = 4, 4096
    points = jax.random.normal(ks[0], (B, 3, N), dtype=jnp.float32)
    label = jax.random.uniform(ks[1], (B, 16, 1), dtype=jnp.float32)
    def w(k, o, i):
        return jax.random.normal(k, (o, i), dtype=jnp.float32) * (1.0 / np.sqrt(i))
    params = {
        'W0': w(ks[2], 64, 6), 'W1': w(ks[3], 64, 64), 'W2': w(ks[4], 64, 128),
        'W3': w(ks[5], 64, 64), 'W4': w(ks[6], 64, 128), 'W5': w(ks[7], 1024, 192),
        'W6': w(ks[8], 64, 16), 'P0': w(ks[9], 256, 1280), 'P1': w(ks[10], 256, 256),
        'P2': w(ks[11], 128, 256), 'P3': w(ks[12], 6, 128),
    }
    for i, c in enumerate([64, 64, 64, 64, 64, 1024, 64]):
        params['g%d' % i] = jnp.ones((c,), dtype=jnp.float32)
        params['b%d' % i] = jnp.zeros((c,), dtype=jnp.float32)
    for i, c in enumerate([256, 256, 128]):
        params['pg%d' % i] = jnp.ones((c,), dtype=jnp.float32)
        params['pb%d' % i] = jnp.zeros((c,), dtype=jnp.float32)
    return {'points': points, 'label': label, 'params': params}

def reference(points, label, params):
    return _forward(points, label, params)

if __name__ == "__main__":
    import jax
    _d = setup_inputs()
    print(jax.jit(kernel)(*tuple(_d.values())))

</pallas_src>

<mosaic_0001>
#map = affine_map<(d0, d1) -> (0, 0)>
#map1 = affine_map<(d0, d1) -> (0)>
module attributes {stable_mosaic.version = 14 : i64} {
  func.func @gk(%arg0: i32, %arg1: i32, %arg2: memref<16384x16xf32, #tpu.memory_space<hbm>>, %arg3: memref<163840xi32, #tpu.memory_space<hbm>>, %arg4: memref<163840x16xf32, #tpu.memory_space<hbm>>, %arg5: memref<512xi32, #tpu.memory_space<vmem>>, %arg6: memref<512x16xf32, #tpu.memory_space<vmem>>, %arg7: memref<!tpu.dma_semaphore, #tpu.memory_space<semaphore_mem>>) attributes {dimension_semantics = [#tpu.dimension_semantics<core_parallel>, #tpu.dimension_semantics<subcore_parallel>], iteration_bounds = array<i64: 2, 16>, scalar_prefetch = 0 : i64, scratch_operands = 3 : i64, tpu.core_type = #tpu.core_type<sc_vector_subcore>, window_params = [{transform_indices = #map}, {transform_indices = #map1}, {transform_indices = #map}]} {
    %mul3A = arith.constant 2 : i32
    %mul3A_0 = arith.muli %arg1, %mul3A : i32
    %add3A = arith.addi %mul3A_0, %arg0 : i32
    %mul3A_1 = arith.constant 5120 : i32
    %mul3A_2 = arith.muli %add3A, %mul3A_1 : i32
    %scan3A = arith.constant 0 : i32
    %scan3A_3 = arith.constant 0 : i32
    %scan3A_4 = arith.constant 10 : i32
    %scan3A_5 = arith.addi %scan3A_3, %scan3A_4 : i32
    %scan3A_6 = arith.constant 1 : i32
    scf.for %scan3A_8 = %scan3A_3 to %scan3A_5 step %scan3A_6  : i32 {
      %mul3A_9 = arith.constant 512 : i32
      %mul3A_10 = arith.muli %scan3A_8, %mul3A_9 : i32
      %add3A_11 = arith.addi %mul3A_2, %mul3A_10 : i32
      "tpu.region"() ({
        %run_scoped3A = tpu.sem_alloc : memref<!tpu.dma_semaphore, #tpu.memory_space<semaphore_mem>>
        %dma_start3A_16 = tpu.memref_slice %arg3[%add3A_11] : memref<163840xi32, #tpu.memory_space<hbm>> -> memref<512xi32, #tpu.memory_space<hbm>>
        %dma_start3A_17 = tpu.memref_slice %arg3[%add3A_11] : memref<163840xi32, #tpu.memory_space<hbm>> -> memref<512xi32, #tpu.memory_space<hbm>>
        tpu.enqueue_dma source(%dma_start3A_17 : memref<512xi32, #tpu.memory_space<hbm>>) target(%arg5 : memref<512xi32, #tpu.memory_space<vmem>>) target_semaphore(%run_scoped3A : memref<!tpu.dma_semaphore, #tpu.memory_space<semaphore_mem>>)
        %dma_wait3A_18 = tpu.memref_slice %arg3[%add3A_11] : memref<163840xi32, #tpu.memory_space<hbm>> -> memref<512xi32, #tpu.memory_space<hbm>>
        %dma_wait3A_19 = tpu.memref_slice %arg3[%add3A_11] : memref<163840xi32, #tpu.memory_space<hbm>> -> memref<512xi32, #tpu.memory_space<hbm>>
        tpu.wait_dma2 semaphore(%run_scoped3A : memref<!tpu.dma_semaphore, #tpu.memory_space<semaphore_mem>>) src(%dma_wait3A_19 : memref<512xi32, #tpu.memory_space<hbm>>) dst(%arg5 : memref<512xi32, #tpu.memory_space<vmem>>)
        tpu.yield
      }) : () -> ()
      %dma_start3A = arith.constant 0 : i32
      %dma_start3A_12 = arith.constant 0 : i32
      %dma_start3A_13 = tpu.memref_slice %arg2[%dma_start3A, %dma_start3A_12] : memref<16384x16xf32, #tpu.memory_space<hbm>> -> memref<16384x16xf32, #tpu.memory_space<hbm>>
      tpu.enqueue_indirect_dma source(%dma_start3A_13 : memref<16384x16xf32, #tpu.memory_space<hbm>>) target(%arg6 : memref<512x16xf32, #tpu.memory_space<vmem>>) offsets(%arg5 : memref<512xi32, #tpu.memory_space<vmem>>) semaphore(%arg7 : memref<!tpu.dma_semaphore, #tpu.memory_space<semaphore_mem>>)
      %dma_wait3A = arith.constant 0 : i32
      %dma_wait3A_14 = arith.constant 0 : i32
      %dma_wait3A_15 = tpu.memref_slice %arg2[%dma_wait3A, %dma_wait3A_14] : memref<16384x16xf32, #tpu.memory_space<hbm>> -> memref<16384x16xf32, #tpu.memory_space<hbm>>
      tpu.wait_indirect_dma semaphore(%arg7 : memref<!tpu.dma_semaphore, #tpu.memory_space<semaphore_mem>>) src(%dma_wait3A_15 : memref<16384x16xf32, #tpu.memory_space<hbm>>) dst(%arg6 : memref<512x16xf32, #tpu.memory_space<vmem>>)
      "tpu.region"() ({
        %run_scoped3A = tpu.sem_alloc : memref<!tpu.dma_semaphore, #tpu.memory_space<semaphore_mem>>
        %dma_start3A_16 = arith.constant 0 : i32
        %dma_start3A_17 = tpu.memref_slice %arg4[%add3A_11, %dma_start3A_16] : memref<163840x16xf32, #tpu.memory_space<hbm>> -> memref<512x16xf32, #tpu.memory_space<hbm>>
        %dma_start3A_18 = arith.constant 0 : i32
        %dma_start3A_19 = tpu.memref_slice %arg4[%add3A_11, %dma_start3A_18] : memref<163840x16xf32, #tpu.memory_space<hbm>> -> memref<512x16xf32, #tpu.memory_space<hbm>>
        tpu.enqueue_dma source(%arg6 : memref<512x16xf32, #tpu.memory_space<vmem>>) target(%dma_start3A_19 : memref<512x16xf32, #tpu.memory_space<hbm>>) target_semaphore(%run_scoped3A : memref<!tpu.dma_semaphore, #tpu.memory_space<semaphore_mem>>)
        %dma_wait3A_20 = arith.constant 0 : i32
        %dma_wait3A_21 = tpu.memref_slice %arg4[%add3A_11, %dma_wait3A_20] : memref<163840x16xf32, #tpu.memory_space<hbm>> -> memref<512x16xf32, #tpu.memory_space<hbm>>
        %dma_wait3A_22 = arith.constant 0 : i32
        %dma_wait3A_23 = tpu.memref_slice %arg4[%add3A_11, %dma_wait3A_22] : memref<163840x16xf32, #tpu.memory_space<hbm>> -> memref<512x16xf32, #tpu.memory_space<hbm>>
        tpu.wait_dma2 semaphore(%run_scoped3A : memref<!tpu.dma_semaphore, #tpu.memory_space<semaphore_mem>>) src(%arg6 : memref<512x16xf32, #tpu.memory_space<vmem>>) dst(%dma_wait3A_23 : memref<512x16xf32, #tpu.memory_space<hbm>>)
        tpu.yield
      }) : () -> ()
    }
    %scan3A_7 = arith.constant 10 : i32
    return
  }
}

#map = affine_map<(d0, d1) -> (0, 0)>
#map1 = affine_map<(d0, d1) -> (0)>
module attributes {stable_mosaic.version = 14 : i64} {
  func.func @gk(%arg0: i32, %arg1: i32, %arg2: memref<16384x64xf32, #tpu.memory_space<hbm>>, %arg3: memref<163840xi32, #tpu.memory_space<hbm>>, %arg4: memref<163840x64xf32, #tpu.memory_space<hbm>>, %arg5: memref<512xi32, #tpu.memory_space<vmem>>, %arg6: memref<512x64xf32, #tpu.memory_space<vmem>>, %arg7: memref<!tpu.dma_semaphore, #tpu.memory_space<semaphore_mem>>) attributes {dimension_semantics = [#tpu.dimension_semantics<core_parallel>, #tpu.dimension_semantics<subcore_parallel>], iteration_bounds = array<i64: 2, 16>, scalar_prefetch = 0 : i64, scratch_operands = 3 : i64, tpu.core_type = #tpu.core_type<sc_vector_subcore>, window_params = [{transform_indices = #map}, {transform_indices = #map1}, {transform_indices = #map}]} {
    %mul3A = arith.constant 2 : i32
    %mul3A_0 = arith.muli %arg1, %mul3A : i32
    %add3A = arith.addi %mul3A_0, %arg0 : i32
    %mul3A_1 = arith.constant 5120 : i32
    %mul3A_2 = arith.muli %add3A, %mul3A_1 : i32
    %scan3A = arith.constant 0 : i32
    %scan3A_3 = arith.constant 0 : i32
    %scan3A_4 = arith.constant 10 : i32
    %scan3A_5 = arith.addi %scan3A_3, %scan3A_4 : i32
    %scan3A_6 = arith.constant 1 : i32
    scf.for %scan3A_8 = %scan3A_3 to %scan3A_5 step %scan3A_6  : i32 {
      %mul3A_9 = arith.constant 512 : i32
      %mul3A_10 = arith.muli %scan3A_8, %mul3A_9 : i32
      %add3A_11 = arith.addi %mul3A_2, %mul3A_10 : i32
      "tpu.region"() ({
        %run_scoped3A = tpu.sem_alloc : memref<!tpu.dma_semaphore, #tpu.memory_space<semaphore_mem>>
        %dma_start3A_16 = tpu.memref_slice %arg3[%add3A_11] : memref<163840xi32, #tpu.memory_space<hbm>> -> memref<512xi32, #tpu.memory_space<hbm>>
        %dma_start3A_17 = tpu.memref_slice %arg3[%add3A_11] : memref<163840xi32, #tpu.memory_space<hbm>> -> memref<512xi32, #tpu.memory_space<hbm>>
        tpu.enqueue_dma source(%dma_start3A_17 : memref<512xi32, #tpu.memory_space<hbm>>) target(%arg5 : memref<512xi32, #tpu.memory_space<vmem>>) target_semaphore(%run_scoped3A : memref<!tpu.dma_semaphore, #tpu.memory_space<semaphore_mem>>)
        %dma_wait3A_18 = tpu.memref_slice %arg3[%add3A_11] : memref<163840xi32, #tpu.memory_space<hbm>> -> memref<512xi32, #tpu.memory_space<hbm>>
        %dma_wait3A_19 = tpu.memref_slice %arg3[%add3A_11] : memref<163840xi32, #tpu.memory_space<hbm>> -> memref<512xi32, #tpu.memory_space<hbm>>
        tpu.wait_dma2 semaphore(%run_scoped3A : memref<!tpu.dma_semaphore, #tpu.memory_space<semaphore_mem>>) src(%dma_wait3A_19 : memref<512xi32, #tpu.memory_space<hbm>>) dst(%arg5 : memref<512xi32, #tpu.memory_space<vmem>>)
        tpu.yield
      }) : () -> ()
      %dma_start3A = arith.constant 0 : i32
      %dma_start3A_12 = arith.constant 0 : i32
      %dma_start3A_13 = tpu.memref_slice %arg2[%dma_start3A, %dma_start3A_12] : memref<16384x64xf32, #tpu.memory_space<hbm>> -> memref<16384x64xf32, #tpu.memory_space<hbm>>
      tpu.enqueue_indirect_dma source(%dma_start3A_13 : memref<16384x64xf32, #tpu.memory_space<hbm>>) target(%arg6 : memref<512x64xf32, #tpu.memory_space<vmem>>) offsets(%arg5 : memref<512xi32, #tpu.memory_space<vmem>>) semaphore(%arg7 : memref<!tpu.dma_semaphore, #tpu.memory_space<semaphore_mem>>)
      %dma_wait3A = arith.constant 0 : i32
      %dma_wait3A_14 = arith.constant 0 : i32
      %dma_wait3A_15 = tpu.memref_slice %arg2[%dma_wait3A, %dma_wait3A_14] : memref<16384x64xf32, #tpu.memory_space<hbm>> -> memref<16384x64xf32, #tpu.memory_space<hbm>>
      tpu.wait_indirect_dma semaphore(%arg7 : memref<!tpu.dma_semaphore, #tpu.memory_space<semaphore_mem>>) src(%dma_wait3A_15 : memref<16384x64xf32, #tpu.memory_space<hbm>>) dst(%arg6 : memref<512x64xf32, #tpu.memory_space<vmem>>)
      "tpu.region"() ({
        %run_scoped3A = tpu.sem_alloc : memref<!tpu.dma_semaphore, #tpu.memory_space<semaphore_mem>>
        %dma_start3A_16 = arith.constant 0 : i32
        %dma_start3A_17 = tpu.memref_slice %arg4[%add3A_11, %dma_start3A_16] : memref<163840x64xf32, #tpu.memory_space<hbm>> -> memref<512x64xf32, #tpu.memory_space<hbm>>
        %dma_start3A_18 = arith.constant 0 : i32
        %dma_start3A_19 = tpu.memref_slice %arg4[%add3A_11, %dma_start3A_18] : memref<163840x64xf32, #tpu.memory_space<hbm>> -> memref<512x64xf32, #tpu.memory_space<hbm>>
        tpu.enqueue_dma source(%arg6 : memref<512x64xf32, #tpu.memory_space<vmem>>) target(%dma_start3A_19 : memref<512x64xf32, #tpu.memory_space<hbm>>) target_semaphore(%run_scoped3A : memref<!tpu.dma_semaphore, #tpu.memory_space<semaphore_mem>>)
        %dma_wait3A_20 = arith.constant 0 : i32
        %dma_wait3A_21 = tpu.memref_slice %arg4[%add3A_11, %dma_wait3A_20] : memref<163840x64xf32, #tpu.memory_space<hbm>> -> memref<512x64xf32, #tpu.memory_space<hbm>>
        %dma_wait3A_22 = arith.constant 0 : i32
        %dma_wait3A_23 = tpu.memref_slice %arg4[%add3A_11, %dma_wait3A_22] : memref<163840x64xf32, #tpu.memory_space<hbm>> -> memref<512x64xf32, #tpu.memory_space<hbm>>
        tpu.wait_dma2 semaphore(%run_scoped3A : memref<!tpu.dma_semaphore, #tpu.memory_space<semaphore_mem>>) src(%arg6 : memref<512x64xf32, #tpu.memory_space<vmem>>) dst(%dma_wait3A_23 : memref<512x64xf32, #tpu.memory_space<hbm>>)
        tpu.yield
      }) : () -> ()
    }
    %scan3A_7 = arith.constant 10 : i32
    return
  }
}

#map = affine_map<(d0, d1) -> (0, 0)>
#map1 = affine_map<(d0, d1) -> (0)>
module attributes {stable_mosaic.version = 14 : i64} {
  func.func @gk(%arg0: i32, %arg1: i32, %arg2: memref<16384x64xf32, #tpu.memory_space<hbm>>, %arg3: memref<163840xi32, #tpu.memory_space<hbm>>, %arg4: memref<163840x64xf32, #tpu.memory_space<hbm>>, %arg5: memref<512xi32, #tpu.memory_space<vmem>>, %arg6: memref<512x64xf32, #tpu.memory_space<vmem>>, %arg7: memref<!tpu.dma_semaphore, #tpu.memory_space<semaphore_mem>>) attributes {dimension_semantics = [#tpu.dimension_semantics<core_parallel>, #tpu.dimension_semantics<subcore_parallel>], iteration_bounds = array<i64: 2, 16>, scalar_prefetch = 0 : i64, scratch_operands = 3 : i64, tpu.core_type = #tpu.core_type<sc_vector_subcore>, window_params = [{transform_indices = #map}, {transform_indices = #map1}, {transform_indices = #map}]} {
    %mul3A = arith.constant 2 : i32
    %mul3A_0 = arith.muli %arg1, %mul3A : i32
    %add3A = arith.addi %mul3A_0, %arg0 : i32
    %mul3A_1 = arith.constant 5120 : i32
    %mul3A_2 = arith.muli %add3A, %mul3A_1 : i32
    %scan3A = arith.constant 0 : i32
    %scan3A_3 = arith.constant 0 : i32
    %scan3A_4 = arith.constant 10 : i32
    %scan3A_5 = arith.addi %scan3A_3, %scan3A_4 : i32
    %scan3A_6 = arith.constant 1 : i32
    scf.for %scan3A_8 = %scan3A_3 to %scan3A_5 step %scan3A_6  : i32 {
      %mul3A_9 = arith.constant 512 : i32
      %mul3A_10 = arith.muli %scan3A_8, %mul3A_9 : i32
      %add3A_11 = arith.addi %mul3A_2, %mul3A_10 : i32
      "tpu.region"() ({
        %run_scoped3A = tpu.sem_alloc : memref<!tpu.dma_semaphore, #tpu.memory_space<semaphore_mem>>
        %dma_start3A_16 = tpu.memref_slice %arg3[%add3A_11] : memref<163840xi32, #tpu.memory_space<hbm>> -> memref<512xi32, #tpu.memory_space<hbm>>
        %dma_start3A_17 = tpu.memref_slice %arg3[%add3A_11] : memref<163840xi32, #tpu.memory_space<hbm>> -> memref<512xi32, #tpu.memory_space<hbm>>
        tpu.enqueue_dma source(%dma_start3A_17 : memref<512xi32, #tpu.memory_space<hbm>>) target(%arg5 : memref<512xi32, #tpu.memory_space<vmem>>) target_semaphore(%run_scoped3A : memref<!tpu.dma_semaphore, #tpu.memory_space<semaphore_mem>>)
        %dma_wait3A_18 = tpu.memref_slice %arg3[%add3A_11] : memref<163840xi32, #tpu.memory_space<hbm>> -> memref<512xi32, #tpu.memory_space<hbm>>
        %dma_wait3A_19 = tpu.memref_slice %arg3[%add3A_11] : memref<163840xi32, #tpu.memory_space<hbm>> -> memref<512xi32, #tpu.memory_space<hbm>>
        tpu.wait_dma2 semaphore(%run_scoped3A : memref<!tpu.dma_semaphore, #tpu.memory_space<semaphore_mem>>) src(%dma_wait3A_19 : memref<512xi32, #tpu.memory_space<hbm>>) dst(%arg5 : memref<512xi32, #tpu.memory_space<vmem>>)
        tpu.yield
      }) : () -> ()
      %dma_start3A = arith.constant 0 : i32
      %dma_start3A_12 = arith.constant 0 : i32
      %dma_start3A_13 = tpu.memref_slice %arg2[%dma_start3A, %dma_start3A_12] : memref<16384x64xf32, #tpu.memory_space<hbm>> -> memref<16384x64xf32, #tpu.memory_space<hbm>>
      tpu.enqueue_indirect_dma source(%dma_start3A_13 : memref<16384x64xf32, #tpu.memory_space<hbm>>) target(%arg6 : memref<512x64xf32, #tpu.memory_space<vmem>>) offsets(%arg5 : memref<512xi32, #tpu.memory_space<vmem>>) semaphore(%arg7 : memref<!tpu.dma_semaphore, #tpu.memory_space<semaphore_mem>>)
      %dma_wait3A = arith.constant 0 : i32
      %dma_wait3A_14 = arith.constant 0 : i32
      %dma_wait3A_15 = tpu.memref_slice %arg2[%dma_wait3A, %dma_wait3A_14] : memref<16384x64xf32, #tpu.memory_space<hbm>> -> memref<16384x64xf32, #tpu.memory_space<hbm>>
      tpu.wait_indirect_dma semaphore(%arg7 : memref<!tpu.dma_semaphore, #tpu.memory_space<semaphore_mem>>) src(%dma_wait3A_15 : memref<16384x64xf32, #tpu.memory_space<hbm>>) dst(%arg6 : memref<512x64xf32, #tpu.memory_space<vmem>>)
      "tpu.region"() ({
        %run_scoped3A = tpu.sem_alloc : memref<!tpu.dma_semaphore, #tpu.memory_space<semaphore_mem>>
        %dma_start3A_16 = arith.constant 0 : i32
        %dma_start3A_17 = tpu.memref_slice %arg4[%add3A_11, %dma_start3A_16] : memref<163840x64xf32, #tpu.memory_space<hbm>> -> memref<512x64xf32, #tpu.memory_space<hbm>>
        %dma_start3A_18 = arith.constant 0 : i32
        %dma_start3A_19 = tpu.memref_slice %arg4[%add3A_11, %dma_start3A_18] : memref<163840x64xf32, #tpu.memory_space<hbm>> -> memref<512x64xf32, #tpu.memory_space<hbm>>
        tpu.enqueue_dma source(%arg6 : memref<512x64xf32, #tpu.memory_space<vmem>>) target(%dma_start3A_19 : memref<512x64xf32, #tpu.memory_space<hbm>>) target_semaphore(%run_scoped3A : memref<!tpu.dma_semaphore, #tpu.memory_space<semaphore_mem>>)
        %dma_wait3A_20 = arith.constant 0 : i32
        %dma_wait3A_21 = tpu.memref_slice %arg4[%add3A_11, %dma_wait3A_20] : memref<163840x64xf32, #tpu.memory_space<hbm>> -> memref<512x64xf32, #tpu.memory_space<hbm>>
        %dma_wait3A_22 = arith.constant 0 : i32
        %dma_wait3A_23 = tpu.memref_slice %arg4[%add3A_11, %dma_wait3A_22] : memref<163840x64xf32, #tpu.memory_space<hbm>> -> memref<512x64xf32, #tpu.memory_space<hbm>>
        tpu.wait_dma2 semaphore(%run_scoped3A : memref<!tpu.dma_semaphore, #tpu.memory_space<semaphore_mem>>) src(%arg6 : memref<512x64xf32, #tpu.memory_space<vmem>>) dst(%dma_wait3A_23 : memref<512x64xf32, #tpu.memory_space<hbm>>)
        tpu.yield
      }) : () -> ()
    }
    %scan3A_7 = arith.constant 10 : i32
    return
  }
}

module attributes {stable_mosaic.version = 14 : i64} {
  func.func @body(%arg0: i32, %arg1: i32, %arg2: memref<1x4096x16xf32, #tpu.memory_space<vmem>>, %arg3: memref<1x256x16xf32, #tpu.memory_space<vmem>>, %arg4: memref<1x16x4096xbf16, #tpu.memory_space<vmem>>, %arg5: memref<1x16x256xi32, #tpu.memory_space<vmem>>) attributes {dimension_semantics = [#tpu.dimension_semantics<parallel>, #tpu.dimension_semantics<parallel>], iteration_bounds = array<i64: 4, 16>, scalar_prefetch = 0 : i64, scratch_operands = 0 : i64, tpu.core_type = #tpu.core_type<tc>, window_params = [{transform_indices = @transform_0, window_bounds = array<i64: 1, 4096, 16>}, {transform_indices = @transform_1, window_bounds = array<i64: 1, 256, 16>}, {transform_indices = @transform_2, window_bounds = array<i64: 1, 16, 4096>}, {transform_indices = @transform_3, window_bounds = array<i64: 1, 16, 256>}]} {
    %get3A = arith.constant 0 : index
    %get3A_0 = arith.constant 0 : index
    %get3A_1 = arith.constant 0 : index
    %get3A_2 = vector.load %arg2[%get3A, %get3A_0, %get3A_1] : memref<1x4096x16xf32, #tpu.memory_space<vmem>>, vector<1x4096x16xf32>
    %get3A_3 = vector.shape_cast %get3A_2 : vector<1x4096x16xf32> to vector<4096x16xf32>
    %get3A_4 = arith.constant 0 : index
    %get3A_5 = arith.constant 0 : index
    %get3A_6 = arith.constant 0 : index
    %get3A_7 = vector.load %arg3[%get3A_4, %get3A_5, %get3A_6] : memref<1x256x16xf32, #tpu.memory_space<vmem>>, vector<1x256x16xf32>
    %get3A_8 = vector.shape_cast %get3A_7 : vector<1x256x16xf32> to vector<256x16xf32>
    %mul3A = arith.mulf %get3A_3, %get3A_3 : vector<4096x16xf32>
    %reduce_sum3A = arith.constant dense<0.000000e+00> : vector<4096xf32>
    %reduce_sum3A_9 = vector.multi_reduction <add>, %mul3A, %reduce_sum3A [1] : vector<4096x16xf32> to vector<4096xf32>
    %mul3A_10 = arith.mulf %get3A_8, %get3A_8 : vector<256x16xf32>
    %reduce_sum3A_11 = arith.constant dense<0.000000e+00> : vector<256xf32>
    %reduce_sum3A_12 = vector.multi_reduction <add>, %mul3A_10, %reduce_sum3A_11 [1] : vector<256x16xf32> to vector<256xf32>
    %convert_element_type3A = arith.truncf %get3A_8 : vector<256x16xf32> to vector<256x16xbf16>
    %get3A_13 = arith.constant 0 : index
    %get3A_14 = arith.constant 0 : index
    %get3A_15 = arith.constant 0 : index
    %get3A_16 = vector.load %arg4[%get3A_13, %get3A_14, %get3A_15] : memref<1x16x4096xbf16, #tpu.memory_space<vmem>>, vector<1x16x4096xbf16>
    %get3A_17 = vector.shape_cast %get3A_16 : vector<1x16x4096xbf16> to vector<16x4096xbf16>
    %dot_general3A = arith.constant dense<0.000000e+00> : vector<256x4096xf32>
    %dot_general3A_18 = tpu.matmul %convert_element_type3A, %get3A_17, %dot_general3A {dimension_numbers = #tpu.dot_dimension_numbers<[1], [0], [0], [1], [0, 0, 1, 1], [], []>, transpose_lhs_hint = false} : vector<256x16xbf16>, vector<16x4096xbf16>, vector<256x4096xf32> -> vector<256x4096xf32>
    %broadcast_in_dim3A = vector.shape_cast %reduce_sum3A_12 : vector<256xf32> to vector<256x1xf32>
    %mul3A_19 = arith.constant -2.000000e+00 : f32
    %mul3A_20 = vector.broadcast %mul3A_19 : f32 to vector<256x4096xf32>
    %mul3A_21 = arith.mulf %mul3A_20, %dot_general3A_18 : vector<256x4096xf32>
    %add3A = vector.broadcast %broadcast_in_dim3A : vector<256x1xf32> to vector<256x4096xf32>
    %add3A_22 = arith.addf %add3A, %mul3A_21 : vector<256x4096xf32>
    %broadcast_in_dim3A_23 = vector.shape_cast %reduce_sum3A_9 : vector<4096xf32> to vector<1x4096xf32>
    %add3A_24 = vector.broadcast %broadcast_in_dim3A_23 : vector<1x4096xf32> to vector<256x4096xf32>
    %add3A_25 = arith.addf %add3A_22, %add3A_24 : vector<256x4096xf32>
    %iota3A = tpu.iota {dimensions = array<i32: 1>} : vector<256x4096xi32>
    %reduce_min3A = arith.constant dense<0x7F800000> : vector<256xf32>
    %reduce_min3A_26 = vector.multi_reduction <minimumf>, %add3A_25, %reduce_min3A [1] : vector<256x4096xf32> to vector<256xf32>
    %broadcast_in_dim3A_27 = vector.shape_cast %reduce_min3A_26 : vector<256xf32> to vector<256x1xf32>
    %eq3A = vector.broadcast %broadcast_in_dim3A_27 : vector<256x1xf32> to vector<256x4096xf32>
    %eq3A_28 = arith.cmpf oeq, %add3A_25, %eq3A : vector<256x4096xf32>
    %jit3A = arith.constant 4096 : i32
    %broadcast_in_dim3A_29 = vector.broadcast %jit3A : i32 to vector<256x4096xi32>
    %select_n3A = arith.select %eq3A_28, %iota3A, %broadcast_in_dim3A_29 : vector<256x4096xi1>, vector<256x4096xi32>
    %reduce_min3A_30 = arith.constant dense<2147483647> : vector<256xi32>
    %reduce_min3A_31 = vector.multi_reduction <minsi>, %select_n3A, %reduce_min3A_30 [1] : vector<256x4096xi32> to vector<256xi32>
    %broadcast_in_dim3A_32 = vector.shape_cast %reduce_min3A_31 : vector<256xi32> to vector<256x1xi32>
    %eq3A_33 = vector.broadcast %broadcast_in_dim3A_32 : vector<256x1xi32> to vector<256x4096xi32>
    %eq3A_34 = arith.cmpi eq, %iota3A, %eq3A_33 : vector<256x4096xi32>
    %jit3A_35 = arith.constant 0x7F800000 : f32
    %broadcast_in_dim3A_36 = vector.broadcast %jit3A_35 : f32 to vector<256x4096xf32>
    %select_n3A_37 = arith.select %eq3A_34, %broadcast_in_dim3A_36, %add3A_25 : vector<256x4096xi1>, vector<256x4096xf32>
    %reduce_min3A_38 = arith.constant dense<0x7F800000> : vector<256xf32>
    %reduce_min3A_39 = vector.multi_reduction <minimumf>, %select_n3A_37, %reduce_min3A_38 [1] : vector<256x4096xf32> to vector<256xf32>
    %broadcast_in_dim3A_40 = vector.shape_cast %reduce_min3A_39 : vector<256xf32> to vector<256x1xf32>
    %eq3A_41 = vector.broadcast %broadcast_in_dim3A_40 : vector<256x1xf32> to vector<256x4096xf32>
    %eq3A_42 = arith.cmpf oeq, %select_n3A_37, %eq3A_41 : vector<256x4096xf32>
    %jit3A_43 = arith.constant 4096 : i32
    %broadcast_in_dim3A_44 = vector.broadcast %jit3A_43 : i32 to vector<256x4096xi32>
    %select_n3A_45 = arith.select %eq3A_42, %iota3A, %broadcast_in_dim3A_44 : vector<256x4096xi1>, vector<256x4096xi32>
    %reduce_min3A_46 = arith.constant dense<2147483647> : vector<256xi32>
    %reduce_min3A_47 = vector.multi_reduction <minsi>, %select_n3A_45, %reduce_min3A_46 [1] : vector<256x4096xi32> to vector<256xi32>
    %swap3A = arith.constant 0 : index
    %swap3A_48 = arith.constant 0 : index
    %swap3A_49 = arith.constant 0 : index
    %swap3A_50 = vector.load %arg5[%swap3A, %swap3A_48, %swap3A_49] : memref<1x16x256xi32, #tpu.memory_space<vmem>>, vector<1x1x256xi32>
    %swap3A_51 = vector.shape_cast %swap3A_50 : vector<1x1x256xi32> to vector<256xi32>
    %swap3A_52 = vector.shape_cast %reduce_min3A_47 : vector<256xi32> to vector<1x1x256xi32>
    tpu.vector_store %arg5[%swap3A, %swap3A_48, %swap3A_49], %swap3A_52 {strides = array<i32>} : memref<1x16x256xi32, #tpu.memory_space<vmem>>, vector<1x1x256xi32>,
    %broadcast_in_dim3A_53 = vector.shape_cast %reduce_min3A_47 : vector<256xi32> to vector<256x1xi32>
    %eq3A_54 = vector.broadcast %broadcast_in_dim3A_53 : vector<256x1xi32> to vector<256x4096xi32>
    %eq3A_55 = arith.cmpi eq, %iota3A, %eq3A_54 : vector<256x4096xi32>
    %jit3A_56 = arith.constant 0x7F800000 : f32
    %broadcast_in_dim3A_57 = vector.broadcast %jit3A_56 : f32 to vector<256x4096xf32>
    %select_n3A_58 = arith.select %eq3A_55, %broadcast_in_dim3A_57, %select_n3A_37 : vector<256x4096xi1>, vector<256x4096xf32>
    %reduce_min3A_59 = arith.constant dense<0x7F800000> : vector<256xf32>
    %reduce_min3A_60 = vector.multi_reduction <minimumf>, %select_n3A_58, %reduce_min3A_59 [1] : vector<256x4096xf32> to vector<256xf32>
    %broadcast_in_dim3A_61 = vector.shape_cast %reduce_min3A_60 : vector<256xf32> to vector<256x1xf32>
    %eq3A_62 = vector.broadcast %broadcast_in_dim3A_61 : vector<256x1xf32> to vector<256x4096xf32>
    %eq3A_63 = arith.cmpf oeq, %select_n3A_58, %eq3A_62 : vector<256x4096xf32>
    %jit3A_64 = arith.constant 4096 : i32
    %broadcast_in_dim3A_65 = vector.broadcast %jit3A_64 : i32 to vector<256x4096xi32>
    %select_n3A_66 = arith.select %eq3A_63, %iota3A, %broadcast_in_dim3A_65 : vector<256x4096xi1>, vector<256x4096xi32>
    %reduce_min3A_67 = arith.constant dense<2147483647> : vector<256xi32>
    %reduce_min3A_68 = vector.multi_reduction <minsi>, %select_n3A_66, %reduce_min3A_67 [1] : vector<256x4096xi32> to vector<256xi32>
    %swap3A_69 = arith.constant 0 : index
    %swap3A_70 = arith.constant 1 : index
    %swap3A_71 = arith.constant 0 : index
    %swap3A_72 = vector.load %arg5[%swap3A_69, %swap3A_70, %swap3A_71] : memref<1x16x256xi32, #tpu.memory_space<vmem>>, vector<1x1x256xi32>
    %swap3A_73 = vector.shape_cast %swap3A_72 : vector<1x1x256xi32> to vector<256xi32>
    %swap3A_74 = vector.shape_cast %reduce_min3A_68 : vector<256xi32> to vector<1x1x256xi32>
    tpu.vector_store %arg5[%swap3A_69, %swap3A_70, %swap3A_71], %swap3A_74 {strides = array<i32>} : memref<1x16x256xi32, #tpu.memory_space<vmem>>, vector<1x1x256xi32>,
    %broadcast_in_dim3A_75 = vector.shape_cast %reduce_min3A_68 : vector<256xi32> to vector<256x1xi32>
    %eq3A_76 = vector.broadcast %broadcast_in_dim3A_75 : vector<256x1xi32> to vector<256x4096xi32>
    %eq3A_77 = arith.cmpi eq, %iota3A, %eq3A_76 : vector<256x4096xi32>
    %jit3A_78 = arith.constant 0x7F800000 : f32
    %broadcast_in_dim3A_79 = vector.broadcast %jit3A_78 : f32 to vector<256x4096xf32>
    %select_n3A_80 = arith.select %eq3A_77, %broadcast_in_dim3A_79, %select_n3A_58 : vector<256x4096xi1>, vector<256x4096xf32>
    %reduce_min3A_81 = arith.constant dense<0x7F800000> : vector<256xf32>
    %reduce_min3A_82 = vector.multi_reduction <minimumf>, %select_n3A_80, %reduce_min3A_81 [1] : vector<256x4096xf32> to vector<256xf32>
    %broadcast_in_dim3A_83 = vector.shape_cast %reduce_min3A_82 : vector<256xf32> to vector<256x1xf32>
    %eq3A_84 = vector.broadcast %broadcast_in_dim3A_83 : vector<256x1xf32> to vector<256x4096xf32>
    %eq3A_85 = arith.cmpf oeq, %select_n3A_80, %eq3A_84 : vector<256x4096xf32>
    %jit3A_86 = arith.constant 4096 : i32
    %broadcast_in_dim3A_87 = vector.broadcast %jit3A_86 : i32 to vector<256x4096xi32>
    %select_n3A_88 = arith.select %eq3A_85, %iota3A, %broadcast_in_dim3A_87 : vector<256x4096xi1>, vector<256x4096xi32>
    %reduce_min3A_89 = arith.constant dense<2147483647> : vector<256xi32>
    %reduce_min3A_90 = vector.multi_reduction <minsi>, %select_n3A_88, %reduce_min3A_89 [1] : vector<256x4096xi32> to vector<256xi32>
    %swap3A_91 = arith.constant 0 : index
    %swap3A_92 = arith.constant 2 : index
    %swap3A_93 = arith.constant 0 : index
    %swap3A_94 = vector.load %arg5[%swap3A_91, %swap3A_92, %swap3A_93] : memref<1x16x256xi32, #tpu.memory_space<vmem>>, vector<1x1x256xi32>
    %swap3A_95 = vector.shape_cast %swap3A_94 : vector<1x1x256xi32> to vector<256xi32>
    %swap3A_96 = vector.shape_cast %reduce_min3A_90 : vector<256xi32> to vector<1x1x256xi32>
    tpu.vector_store %arg5[%swap3A_91, %swap3A_92, %swap3A_93], %swap3A_96 {strides = array<i32>} : memref<1x16x256xi32, #tpu.memory_space<vmem>>, vector<1x1x256xi32>,
    %broadcast_in_dim3A_97 = vector.shape_cast %reduce_min3A_90 : vector<256xi32> to vector<256x1xi32>
    %eq3A_98 = vector.broadcast %broadcast_in_dim3A_97 : vector<256x1xi32> to vector<256x4096xi32>
    %eq3A_99 = arith.cmpi eq, %iota3A, %eq3A_98 : vector<256x4096xi32>
    %jit3A_100 = arith.constant 0x7F800000 : f32
    %broadcast_in_dim3A_101 = vector.broadcast %jit3A_100 : f32 to vector<256x4096xf32>
    %select_n3A_102 = arith.select %eq3A_99, %broadcast_in_dim3A_101, %select_n3A_80 : vector<256x4096xi1>, vector<256x4096xf32>
    %reduce_min3A_103 = arith.constant dense<0x7F800000> : vector<256xf32>
    %reduce_min3A_104 = vector.multi_reduction <minimumf>, %select_n3A_102, %reduce_min3A_103 [1] : vector<256x4096xf32> to vector<256xf32>
    %broadcast_in_dim3A_105 = vector.shape_cast %reduce_min3A_104 : vector<256xf32> to vector<256x1xf32>
    %eq3A_106 = vector.broadcast %broadcast_in_dim3A_105 : vector<256x1xf32> to vector<256x4096xf32>
    %eq3A_107 = arith.cmpf oeq, %select_n3A_102, %eq3A_106 : vector<256x4096xf32>
    %jit3A_108 = arith.constant 4096 : i32
    %broadcast_in_dim3A_109 = vector.broadcast %jit3A_108 : i32 to vector<256x4096xi32>
    %select_n3A_110 = arith.select %eq3A_107, %iota3A, %broadcast_in_dim3A_109 : vector<256x4096xi1>, vector<256x4096xi32>
    %reduce_min3A_111 = arith.constant dense<2147483647> : vector<256xi32>
    %reduce_min3A_112 = vector.multi_reduction <minsi>, %select_n3A_110, %reduce_min3A_111 [1] : vector<256x4096xi32> to vector<256xi32>
    %swap3A_113 = arith.constant 0 : index
    %swap3A_114 = arith.constant 3 : index
    %swap3A_115 = arith.constant 0 : index
    %swap3A_116 = vector.load %arg5[%swap3A_113, %swap3A_114, %swap3A_115] : memref<1x16x256xi32, #tpu.memory_space<vmem>>, vector<1x1x256xi32>
    %swap3A_117 = vector.shape_cast %swap3A_116 : vector<1x1x256xi32> to vector<256xi32>
    %swap3A_118 = vector.shape_cast %reduce_min3A_112 : vector<256xi32> to vector<1x1x256xi32>
    tpu.vector_store %arg5[%swap3A_113, %swap3A_114, %swap3A_115], %swap3A_118 {strides = array<i32>} : memref<1x16x256xi32, #tpu.memory_space<vmem>>, vector<1x1x256xi32>,
    %broadcast_in_dim3A_119 = vector.shape_cast %reduce_min3A_112 : vector<256xi32> to vector<256x1xi32>
    %eq3A_120 = vector.broadcast %broadcast_in_dim3A_119 : vector<256x1xi32> to vector<256x4096xi32>
    %eq3A_121 = arith.cmpi eq, %iota3A, %eq3A_120 : vector<256x4096xi32>
    %jit3A_122 = arith.constant 0x7F800000 : f32
    %broadcast_in_dim3A_123 = vector.broadcast %jit3A_122 : f32 to vector<256x4096xf32>
    %select_n3A_124 = arith.select %eq3A_121, %broadcast_in_dim3A_123, %select_n3A_102 : vector<256x4096xi1>, vector<256x4096xf32>
    %reduce_min3A_125 = arith.constant dense<0x7F800000> : vector<256xf32>
    %reduce_min3A_126 = vector.multi_reduction <minimumf>, %select_n3A_124, %reduce_min3A_125 [1] : vector<256x4096xf32> to vector<256xf32>
    %broadcast_in_dim3A_127 = vector.shape_cast %reduce_min3A_126 : vector<256xf32> to vector<256x1xf32>
    %eq3A_128 = vector.broadcast %broadcast_in_dim3A_127 : vector<256x1xf32> to vector<256x4096xf32>
    %eq3A_129 = arith.cmpf oeq, %select_n3A_124, %eq3A_128 : vector<256x4096xf32>
    %jit3A_130 = arith.constant 4096 : i32
    %broadcast_in_dim3A_131 = vector.broadcast %jit3A_130 : i32 to vector<256x4096xi32>
    %select_n3A_132 = arith.select %eq3A_129, %iota3A, %broadcast_in_dim3A_131 : vector<256x4096xi1>, vector<256x4096xi32>
    %reduce_min3A_133 = arith.constant dense<2147483647> : vector<256xi32>
    %reduce_min3A_134 = vector.multi_reduction <minsi>, %select_n3A_132, %reduce_min3A_133 [1] : vector<256x4096xi32> to vector<256xi32>
    %swap3A_135 = arith.constant 0 : index
    %swap3A_136 = arith.constant 4 : index
    %swap3A_137 = arith.constant 0 : index
    %swap3A_138 = vector.load %arg5[%swap3A_135, %swap3A_136, %swap3A_137] : memref<1x16x256xi32, #tpu.memory_space<vmem>>, vector<1x1x256xi32>
    %swap3A_139 = vector.shape_cast %swap3A_138 : vector<1x1x256xi32> to vector<256xi32>
    %swap3A_140 = vector.shape_cast %reduce_min3A_134 : vector<256xi32> to vector<1x1x256xi32>
    tpu.vector_store %arg5[%swap3A_135, %swap3A_136, %swap3A_137], %swap3A_140 {strides = array<i32>} : memref<1x16x256xi32, #tpu.memory_space<vmem>>, vector<1x1x256xi32>,
    %broadcast_in_dim3A_141 = vector.shape_cast %reduce_min3A_134 : vector<256xi32> to vector<256x1xi32>
    %eq3A_142 = vector.broadcast %broadcast_in_dim3A_141 : vector<256x1xi32> to vector<256x4096xi32>
    %eq3A_143 = arith.cmpi eq, %iota3A, %eq3A_142 : vector<256x4096xi32>
    %jit3A_144 = arith.constant 0x7F800000 : f32
    %broadcast_in_dim3A_145 = vector.broadcast %jit3A_144 : f32 to vector<256x4096xf32>
    %select_n3A_146 = arith.select %eq3A_143, %broadcast_in_dim3A_145, %select_n3A_124 : vector<256x4096xi1>, vector<256x4096xf32>
    %reduce_min3A_147 = arith.constant dense<0x7F800000> : vector<256xf32>
    %reduce_min3A_148 = vector.multi_reduction <minimumf>, %select_n3A_146, %reduce_min3A_147 [1] : vector<256x4096xf32> to vector<256xf32>
    %broadcast_in_dim3A_149 = vector.shape_cast %reduce_min3A_148 : vector<256xf32> to vector<256x1xf32>
    %eq3A_150 = vector.broadcast %broadcast_in_dim3A_149 : vector<256x1xf32> to vector<256x4096xf32>
    %eq3A_151 = arith.cmpf oeq, %select_n3A_146, %eq3A_150 : vector<256x4096xf32>
    %jit3A_152 = arith.constant 4096 : i32
    %broadcast_in_dim3A_153 = vector.broadcast %jit3A_152 : i32 to vector<256x4096xi32>
    %select_n3A_154 = arith.select %eq3A_151, %iota3A, %broadcast_in_dim3A_153 : vector<256x4096xi1>, vector<256x4096xi32>
    %reduce_min3A_155 = arith.constant dense<2147483647> : vector<256xi32>
    %reduce_min3A_156 = vector.multi_reduction <minsi>, %select_n3A_154, %reduce_min3A_155 [1] : vector<256x4096xi32> to vector<256xi32>
    %swap3A_157 = arith.constant 0 : index
    %swap3A_158 = arith.constant 5 : index
    %swap3A_159 = arith.constant 0 : index
    %swap3A_160 = vector.load %arg5[%swap3A_157, %swap3A_158, %swap3A_159] : memref<1x16x256xi32, #tpu.memory_space<vmem>>, vector<1x1x256xi32>
    %swap3A_161 = vector.shape_cast %swap3A_160 : vector<1x1x256xi32> to vector<256xi32>
    %swap3A_162 = vector.shape_cast %reduce_min3A_156 : vector<256xi32> to vector<1x1x256xi32>
    tpu.vector_store %arg5[%swap3A_157, %swap3A_158, %swap3A_159], %swap3A_162 {strides = array<i32>} : memref<1x16x256xi32, #tpu.memory_space<vmem>>, vector<1x1x256xi32>,
    %broadcast_in_dim3A_163 = vector.shape_cast %reduce_min3A_156 : vector<256xi32> to vector<256x1xi32>
    %eq3A_164 = vector.broadcast %broadcast_in_dim3A_163 : vector<256x1xi32> to vector<256x4096xi32>
    %eq3A_165 = arith.cmpi eq, %iota3A, %eq3A_164 : vector<256x4096xi32>
    %jit3A_166 = arith.constant 0x7F800000 : f32
    %broadcast_in_dim3A_167 = vector.broadcast %jit3A_166 : f32 to vector<256x4096xf32>
    %select_n3A_168 = arith.select %eq3A_165, %broadcast_in_dim3A_167, %select_n3A_146 : vector<256x4096xi1>, vector<256x4096xf32>
    %reduce_min3A_169 = arith.constant dense<0x7F800000> : vector<256xf32>
    %reduce_min3A_170 = vector.multi_reduction <minimumf>, %select_n3A_168, %reduce_min3A_169 [1] : vector<256x4096xf32> to vector<256xf32>
    %broadcast_in_dim3A_171 = vector.shape_cast %reduce_min3A_170 : vector<256xf32> to vector<256x1xf32>
    %eq3A_172 = vector.broadcast %broadcast_in_dim3A_171 : vector<256x1xf32> to vector<256x4096xf32>
    %eq3A_173 = arith.cmpf oeq, %select_n3A_168, %eq3A_172 : vector<256x4096xf32>
    %jit3A_174 = arith.constant 4096 : i32
    %broadcast_in_dim3A_175 = vector.broadcast %jit3A_174 : i32 to vector<256x4096xi32>
    %select_n3A_176 = arith.select %eq3A_173, %iota3A, %broadcast_in_dim3A_175 : vector<256x4096xi1>, vector<256x4096xi32>
    %reduce_min3A_177 = arith.constant dense<2147483647> : vector<256xi32>
    %reduce_min3A_178 = vector.multi_reduction <minsi>, %select_n3A_176, %reduce_min3A_177 [1] : vector<256x4096xi32> to vector<256xi32>
    %swap3A_179 = arith.constant 0 : index
    %swap3A_180 = arith.constant 6 : index
    %swap3A_181 = arith.constant 0 : index
    %swap3A_182 = vector.load %arg5[%swap3A_179, %swap3A_180, %swap3A_181] : memref<1x16x256xi32, #tpu.memory_space<vmem>>, vector<1x1x256xi32>
    %swap3A_183 = vector.shape_cast %swap3A_182 : vector<1x1x256xi32> to vector<256xi32>
    %swap3A_184 = vector.shape_cast %reduce_min3A_178 : vector<256xi32> to vector<1x1x256xi32>
    tpu.vector_store %arg5[%swap3A_179, %swap3A_180, %swap3A_181], %swap3A_184 {strides = array<i32>} : memref<1x16x256xi32, #tpu.memory_space<vmem>>, vector<1x1x256xi32>,
    %broadcast_in_dim3A_185 = vector.shape_cast %reduce_min3A_178 : vector<256xi32> to vector<256x1xi32>
    %eq3A_186 = vector.broadcast %broadcast_in_dim3A_185 : vector<256x1xi32> to vector<256x4096xi32>
    %eq3A_187 = arith.cmpi eq, %iota3A, %eq3A_186 : vector<256x4096xi32>
    %jit3A_188 = arith.constant 0x7F800000 : f32
    %broadcast_in_dim3A_189 = vector.broadcast %jit3A_188 : f32 to vector<256x4096xf32>
    %select_n3A_190 = arith.select %eq3A_187, %broadcast_in_dim3A_189, %select_n3A_168 : vector<256x4096xi1>, vector<256x4096xf32>
    %reduce_min3A_191 = arith.constant dense<0x7F800000> : vector<256xf32>
    %reduce_min3A_192 = vector.multi_reduction <minimumf>, %select_n3A_190, %reduce_min3A_191 [1] : vector<256x4096xf32> to vector<256xf32>
    %broadcast_in_dim3A_193 = vector.shape_cast %reduce_min3A_192 : vector<256xf32> to vector<256x1xf32>
    %eq3A_194 = vector.broadcast %broadcast_in_dim3A_193 : vector<256x1xf32> to vector<256x4096xf32>
    %eq3A_195 = arith.cmpf oeq, %select_n3A_190, %eq3A_194 : vector<256x4096xf32>
    %jit3A_196 = arith.constant 4096 : i32
    %broadcast_in_dim3A_197 = vector.broadcast %jit3A_196 : i32 to vector<256x4096xi32>
    %select_n3A_198 = arith.select %eq3A_195, %iota3A, %broadcast_in_dim3A_197 : vector<256x4096xi1>, vector<256x4096xi32>
    %reduce_min3A_199 = arith.constant dense<2147483647> : vector<256xi32>
    %reduce_min3A_200 = vector.multi_reduction <minsi>, %select_n3A_198, %reduce_min3A_199 [1] : vector<256x4096xi32> to vector<256xi32>
    %swap3A_201 = arith.constant 0 : index
    %swap3A_202 = arith.constant 7 : index
    %swap3A_203 = arith.constant 0 : index
    %swap3A_204 = vector.load %arg5[%swap3A_201, %swap3A_202, %swap3A_203] : memref<1x16x256xi32, #tpu.memory_space<vmem>>, vector<1x1x256xi32>
    %swap3A_205 = vector.shape_cast %swap3A_204 : vector<1x1x256xi32> to vector<256xi32>
    %swap3A_206 = vector.shape_cast %reduce_min3A_200 : vector<256xi32> to vector<1x1x256xi32>
    tpu.vector_store %arg5[%swap3A_201, %swap3A_202, %swap3A_203], %swap3A_206 {strides = array<i32>} : memref<1x16x256xi32, #tpu.memory_space<vmem>>, vector<1x1x256xi32>,
    %broadcast_in_dim3A_207 = vector.shape_cast %reduce_min3A_200 : vector<256xi32> to vector<256x1xi32>
    %eq3A_208 = vector.broadcast %broadcast_in_dim3A_207 : vector<256x1xi32> to vector<256x4096xi32>
    %eq3A_209 = arith.cmpi eq, %iota3A, %eq3A_208 : vector<256x4096xi32>
    %jit3A_210 = arith.constant 0x7F800000 : f32
    %broadcast_in_dim3A_211 = vector.broadcast %jit3A_210 : f32 to vector<256x4096xf32>
    %select_n3A_212 = arith.select %eq3A_209, %broadcast_in_dim3A_211, %select_n3A_190 : vector<256x4096xi1>, vector<256x4096xf32>
    %reduce_min3A_213 = arith.constant dense<0x7F800000> : vector<256xf32>
    %reduce_min3A_214 = vector.multi_reduction <minimumf>, %select_n3A_212, %reduce_min3A_213 [1] : vector<256x4096xf32> to vector<256xf32>
    %broadcast_in_dim3A_215 = vector.shape_cast %reduce_min3A_214 : vector<256xf32> to vector<256x1xf32>
    %eq3A_216 = vector.broadcast %broadcast_in_dim3A_215 : vector<256x1xf32> to vector<256x4096xf32>
    %eq3A_217 = arith.cmpf oeq, %select_n3A_212, %eq3A_216 : vector<256x4096xf32>
    %jit3A_218 = arith.constant 4096 : i32
    %broadcast_in_dim3A_219 = vector.broadcast %jit3A_218 : i32 to vector<256x4096xi32>
    %select_n3A_220 = arith.select %eq3A_217, %iota3A, %broadcast_in_dim3A_219 : vector<256x4096xi1>, vector<256x4096xi32>
    %reduce_min3A_221 = arith.constant dense<2147483647> : vector<256xi32>
    %reduce_min3A_222 = vector.multi_reduction <minsi>, %select_n3A_220, %reduce_min3A_221 [1] : vector<256x4096xi32> to vector<256xi32>
    %swap3A_223 = arith.constant 0 : index
    %swap3A_224 = arith.constant 8 : index
    %swap3A_225 = arith.constant 0 : index
    %swap3A_226 = vector.load %arg5[%swap3A_223, %swap3A_224, %swap3A_225] : memref<1x16x256xi32, #tpu.memory_space<vmem>>, vector<1x1x256xi32>
    %swap3A_227 = vector.shape_cast %swap3A_226 : vector<1x1x256xi32> to vector<256xi32>
    %swap3A_228 = vector.shape_cast %reduce_min3A_222 : vector<256xi32> to vector<1x1x256xi32>
    tpu.vector_store %arg5[%swap3A_223, %swap3A_224, %swap3A_225], %swap3A_228 {strides = array<i32>} : memref<1x16x256xi32, #tpu.memory_space<vmem>>, vector<1x1x256xi32>,
    %broadcast_in_dim3A_229 = vector.shape_cast %reduce_min3A_222 : vector<256xi32> to vector<256x1xi32>
    %eq3A_230 = vector.broadcast %broadcast_in_dim3A_229 : vector<256x1xi32> to vector<256x4096xi32>
    %eq3A_231 = arith.cmpi eq, %iota3A, %eq3A_230 : vector<256x4096xi32>
    %jit3A_232 = arith.constant 0x7F800000 : f32
    %broadcast_in_dim3A_233 = vector.broadcast %jit3A_232 : f32 to vector<256x4096xf32>
    %select_n3A_234 = arith.select %eq3A_231, %broadcast_in_dim3A_233, %select_n3A_212 : vector<256x4096xi1>, vector<256x4096xf32>
    %reduce_min3A_235 = arith.constant dense<0x7F800000> : vector<256xf32>
    %reduce_min3A_236 = vector.multi_reduction <minimumf>, %select_n3A_234, %reduce_min3A_235 [1] : vector<256x4096xf32> to vector<256xf32>
    %broadcast_in_dim3A_237 = vector.shape_cast %reduce_min3A_236 : vector<256xf32> to vector<256x1xf32>
    %eq3A_238 = vector.broadcast %broadcast_in_dim3A_237 : vector<256x1xf32> to vector<256x4096xf32>
    %eq3A_239 = arith.cmpf oeq, %select_n3A_234, %eq3A_238 : vector<256x4096xf32>
    %jit3A_240 = arith.constant 4096 : i32
    %broadcast_in_dim3A_241 = vector.broadcast %jit3A_240 : i32 to vector<256x4096xi32>
    %select_n3A_242 = arith.select %eq3A_239, %iota3A, %broadcast_in_dim3A_241 : vector<256x4096xi1>, vector<256x4096xi32>
    %reduce_min3A_243 = arith.constant dense<2147483647> : vector<256xi32>
    %reduce_min3A_244 = vector.multi_reduction <minsi>, %select_n3A_242, %reduce_min3A_243 [1] : vector<256x4096xi32> to vector<256xi32>
    %swap3A_245 = arith.constant 0 : index
    %swap3A_246 = arith.constant 9 : index
    %swap3A_247 = arith.constant 0 : index
    %swap3A_248 = vector.load %arg5[%swap3A_245, %swap3A_246, %swap3A_247] : memref<1x16x256xi32, #tpu.memory_space<vmem>>, vector<1x1x256xi32>
    %swap3A_249 = vector.shape_cast %swap3A_248 : vector<1x1x256xi32> to vector<256xi32>
    %swap3A_250 = vector.shape_cast %reduce_min3A_244 : vector<256xi32> to vector<1x1x256xi32>
    tpu.vector_store %arg5[%swap3A_245, %swap3A_246, %swap3A_247], %swap3A_250 {strides = array<i32>} : memref<1x16x256xi32, #tpu.memory_space<vmem>>, vector<1x1x256xi32>,
    return
  }
  func.func @transform_0(%arg0: i32, %arg1: i32) -> (i32, i32, i32) {
    %c0_i32 = arith.constant 0 : i32
    %c0_i32_0 = arith.constant 0 : i32
    %c0_i32_1 = arith.constant 0 : i32
    return %arg0, %c0_i32, %c0_i32_0 : i32, i32, i32
  }
  func.func @transform_1(%arg0: i32, %arg1: i32) -> (i32, i32, i32) {
    %c0_i32 = arith.constant 0 : i32
    %c0_i32_0 = arith.constant 0 : i32
    return %arg0, %arg1, %c0_i32 : i32, i32, i32
  }
  func.func @transform_2(%arg0: i32, %arg1: i32) -> (i32, i32, i32) {
    %c0_i32 = arith.constant 0 : i32
    %c0_i32_0 = arith.constant 0 : i32
    %c0_i32_1 = arith.constant 0 : i32
    return %arg0, %c0_i32, %c0_i32_0 : i32, i32, i32
  }
  func.func @transform_3(%arg0: i32, %arg1: i32) -> (i32, i32, i32) {
    %c0_i32 = arith.constant 0 : i32
    %c0_i32_0 = arith.constant 0 : i32
    return %arg0, %c0_i32, %arg1 : i32, i32, i32
  }
}

module attributes {stable_mosaic.version = 14 : i64} {
  func.func @body(%arg0: i32, %arg1: memref<512x10x16xf32, #tpu.memory_space<vmem>>, %arg2: memref<512x16xf32, #tpu.memory_space<vmem>>, %arg3: memref<512x16xf32, #tpu.memory_space<vmem>>, %arg4: memref<16x64xbf16, #tpu.memory_space<vmem>>, %arg5: memref<512x10x64xf32, #tpu.memory_space<vmem>>, %arg6: memref<1x8x64xf32, #tpu.memory_space<vmem>>) attributes {dimension_semantics = [#tpu.dimension_semantics<parallel>], iteration_bounds = array<i64: 32>, scalar_prefetch = 0 : i64, scratch_operands = 0 : i64, tpu.core_type = #tpu.core_type<tc>, window_params = [{transform_indices = @transform_0, window_bounds = array<i64: 512, 10, 16>}, {transform_indices = @transform_1, window_bounds = array<i64: 512, 16>}, {transform_indices = @transform_2, window_bounds = array<i64: 512, 16>}, {pipeline_mode = #tpu.pipeline_mode<synchronous>, transform_indices = @transform_3, window_bounds = array<i64: 16, 64>}, {transform_indices = @transform_4, window_bounds = array<i64: 512, 10, 64>}, {transform_indices = @transform_5, window_bounds = array<i64: 1, 8, 64>}]} {
    %get3A = arith.constant 0 : index
    %get3A_0 = arith.constant 0 : index
    %get3A_1 = vector.load %arg2[%get3A, %get3A_0] : memref<512x16xf32, #tpu.memory_space<vmem>>, vector<512x16xf32>
    %get3A_2 = arith.constant 0 : index
    %get3A_3 = arith.constant 0 : index
    %get3A_4 = arith.constant 0 : index
    %get3A_5 = vector.load %arg1[%get3A_2, %get3A_3, %get3A_4] : memref<512x10x16xf32, #tpu.memory_space<vmem>>, vector<512x10x16xf32>
    %broadcast_in_dim3A = vector.shape_cast %get3A_1 : vector<512x16xf32> to vector<512x1x16xf32>
    %sub3A = vector.broadcast %broadcast_in_dim3A : vector<512x1x16xf32> to vector<512x10x16xf32>
    %sub3A_6 = arith.subf %get3A_5, %sub3A : vector<512x10x16xf32>
    %get3A_7 = arith.constant 0 : index
    %get3A_8 = arith.constant 0 : index
    %get3A_9 = vector.load %arg3[%get3A_7, %get3A_8] : memref<512x16xf32, #tpu.memory_space<vmem>>, vector<512x16xf32>
    %broadcast_in_dim3A_10 = vector.shape_cast %get3A_9 : vector<512x16xf32> to vector<512x1x16xf32>
    %add3A = vector.broadcast %broadcast_in_dim3A_10 : vector<512x1x16xf32> to vector<512x10x16xf32>
    %add3A_11 = arith.addf %sub3A_6, %add3A : vector<512x10x16xf32>
    %convert_element_type3A = arith.truncf %add3A_11 : vector<512x10x16xf32> to vector<512x10x16xbf16>
    %reshape3A = vector.shape_cast %convert_element_type3A : vector<512x10x16xbf16> to vector<5120x16xbf16>
    %get3A_12 = arith.constant 0 : index
    %get3A_13 = arith.constant 0 : index
    %get3A_14 = vector.load %arg4[%get3A_12, %get3A_13] : memref<16x64xbf16, #tpu.memory_space<vmem>>, vector<16x64xbf16>
    %dot_general3A = arith.constant dense<0.000000e+00> : vector<5120x64xf32>
    %dot_general3A_15 = tpu.matmul %reshape3A, %get3A_14, %dot_general3A {dimension_numbers = #tpu.dot_dimension_numbers<[1], [0], [0], [1], [0, 0, 1, 1], [], []>, transpose_lhs_hint = false} : vector<5120x16xbf16>, vector<16x64xbf16>, vector<5120x64xf32> -> vector<5120x64xf32>
    %reshape3A_16 = vector.shape_cast %dot_general3A_15 : vector<5120x64xf32> to vector<512x10x64xf32>
    %swap3A = arith.constant 0 : index
    %swap3A_17 = arith.constant 0 : index
    %swap3A_18 = arith.constant 0 : index
    %swap3A_19 = vector.load %arg5[%swap3A, %swap3A_17, %swap3A_18] : memref<512x10x64xf32, #tpu.memory_space<vmem>>, vector<512x10x64xf32>
    tpu.vector_store %arg5[%swap3A, %swap3A_17, %swap3A_18], %reshape3A_16 {strides = array<i32>} : memref<512x10x64xf32, #tpu.memory_space<vmem>>, vector<512x10x64xf32>,
    %reduce_sum3A = arith.constant dense<0.000000e+00> : vector<64xf32>
    %reduce_sum3A_20 = vector.multi_reduction <add>, %dot_general3A_15, %reduce_sum3A [0] : vector<5120x64xf32> to vector<64xf32>
    %iota3A = tpu.iota {dimensions = array<i32: 0>} : vector<8x64xi32>
    %eq3A = arith.constant 0 : i32
    %eq3A_21 = vector.broadcast %eq3A : i32 to vector<8x64xi32>
    %eq3A_22 = arith.cmpi eq, %iota3A, %eq3A_21 : vector<8x64xi32>
    %broadcast_in_dim3A_23 = vector.shape_cast %reduce_sum3A_20 : vector<64xf32> to vector<1x64xf32>
    %jit3A = arith.constant 0.000000e+00 : f32
    %broadcast_in_dim3A_24 = vector.shape_cast %broadcast_in_dim3A_23 : vector<1x64xf32> to vector<1x64xf32>
    %broadcast_in_dim3A_25 = vector.broadcast %broadcast_in_dim3A_24 : vector<1x64xf32> to vector<8x64xf32>
    %broadcast_in_dim3A_26 = vector.broadcast %jit3A : f32 to vector<8x64xf32>
    %select_n3A = arith.select %eq3A_22, %broadcast_in_dim3A_25, %broadcast_in_dim3A_26 : vector<8x64xi1>, vector<8x64xf32>
    %broadcast_in_dim3A_27 = vector.shape_cast %select_n3A : vector<8x64xf32> to vector<1x8x64xf32>
    %swap3A_28 = arith.constant 0 : index
    %swap3A_29 = arith.constant 0 : index
    %swap3A_30 = arith.constant 0 : index
    %swap3A_31 = vector.load %arg6[%swap3A_28, %swap3A_29, %swap3A_30] : memref<1x8x64xf32, #tpu.memory_space<vmem>>, vector<1x8x64xf32>
    tpu.vector_store %arg6[%swap3A_28, %swap3A_29, %swap3A_30], %broadcast_in_dim3A_27 {strides = array<i32>} : memref<1x8x64xf32, #tpu.memory_space<vmem>>, vector<1x8x64xf32>,
    return
  }
  func.func @transform_0(%arg0: i32) -> (i32, i32, i32) {
    %c0_i32 = arith.constant 0 : i32
    %c0_i32_0 = arith.constant 0 : i32
    %c0_i32_1 = arith.constant 0 : i32
    return %arg0, %c0_i32, %c0_i32_0 : i32, i32, i32
  }
  func.func @transform_1(%arg0: i32) -> (i32, i32) {
    %c0_i32 = arith.constant 0 : i32
    %c0_i32_0 = arith.constant 0 : i32
    return %arg0, %c0_i32 : i32, i32
  }
  func.func @transform_2(%arg0: i32) -> (i32, i32) {
    %c0_i32 = arith.constant 0 : i32
    %c0_i32_0 = arith.constant 0 : i32
    return %arg0, %c0_i32 : i32, i32
  }
  func.func @transform_3(%arg0: i32) -> (i32, i32) {
    %c0_i32 = arith.constant 0 : i32
    %c0_i32_0 = arith.constant 0 : i32
    %c0_i32_1 = arith.constant 0 : i32
    return %c0_i32, %c0_i32_0 : i32, i32
  }
  func.func @transform_4(%arg0: i32) -> (i32, i32, i32) {
    %c0_i32 = arith.constant 0 : i32
    %c0_i32_0 = arith.constant 0 : i32
    %c0_i32_1 = arith.constant 0 : i32
    return %arg0, %c0_i32, %c0_i32_0 : i32, i32, i32
  }
  func.func @transform_5(%arg0: i32) -> (i32, i32, i32) {
    %c0_i32 = arith.constant 0 : i32
    %c0_i32_0 = arith.constant 0 : i32
    %c0_i32_1 = arith.constant 0 : i32
    return %arg0, %c0_i32, %c0_i32_0 : i32, i32, i32
  }
}

module attributes {stable_mosaic.version = 14 : i64} {
  func.func @body(%arg0: i32, %arg1: memref<512x10x64xf32, #tpu.memory_space<vmem>>, %arg2: memref<1x64xf32, #tpu.memory_space<vmem>>, %arg3: memref<1x8x64xf32, #tpu.memory_space<vmem>>) attributes {dimension_semantics = [#tpu.dimension_semantics<parallel>], iteration_bounds = array<i64: 32>, scalar_prefetch = 0 : i64, scratch_operands = 0 : i64, tpu.core_type = #tpu.core_type<tc>, window_params = [{transform_indices = @transform_0, window_bounds = array<i64: 512, 10, 64>}, {pipeline_mode = #tpu.pipeline_mode<synchronous>, transform_indices = @transform_1, window_bounds = array<i64: 1, 64>}, {transform_indices = @transform_2, window_bounds = array<i64: 1, 8, 64>}]} {
    %get3A = arith.constant 0 : index
    %get3A_0 = arith.constant 0 : index
    %get3A_1 = arith.constant 0 : index
    %get3A_2 = vector.load %arg1[%get3A, %get3A_0, %get3A_1] : memref<512x10x64xf32, #tpu.memory_space<vmem>>, vector<512x10x64xf32>
    %reshape3A = vector.shape_cast %get3A_2 : vector<512x10x64xf32> to vector<5120x64xf32>
    %get3A_3 = arith.constant 0 : index
    %get3A_4 = arith.constant 0 : index
    %get3A_5 = vector.load %arg2[%get3A_3, %get3A_4] : memref<1x64xf32, #tpu.memory_space<vmem>>, vector<1x64xf32>
    %get3A_6 = vector.shape_cast %get3A_5 : vector<1x64xf32> to vector<64xf32>
    %broadcast_in_dim3A = vector.shape_cast %get3A_6 : vector<64xf32> to vector<1x64xf32>
    %sub3A = vector.broadcast %broadcast_in_dim3A : vector<1x64xf32> to vector<5120x64xf32>
    %sub3A_7 = arith.subf %reshape3A, %sub3A : vector<5120x64xf32>
    %mul3A = arith.mulf %sub3A_7, %sub3A_7 : vector<5120x64xf32>
    %reduce_sum3A = arith.constant dense<0.000000e+00> : vector<64xf32>
    %reduce_sum3A_8 = vector.multi_reduction <add>, %mul3A, %reduce_sum3A [0] : vector<5120x64xf32> to vector<64xf32>
    %iota3A = tpu.iota {dimensions = array<i32: 0>} : vector<8x64xi32>
    %eq3A = arith.constant 0 : i32
    %eq3A_9 = vector.broadcast %eq3A : i32 to vector<8x64xi32>
    %eq3A_10 = arith.cmpi eq, %iota3A, %eq3A_9 : vector<8x64xi32>
    %broadcast_in_dim3A_11 = vector.shape_cast %reduce_sum3A_8 : vector<64xf32> to vector<1x64xf32>
    %jit3A = arith.constant 0.000000e+00 : f32
    %broadcast_in_dim3A_12 = vector.shape_cast %broadcast_in_dim3A_11 : vector<1x64xf32> to vector<1x64xf32>
    %broadcast_in_dim3A_13 = vector.broadcast %broadcast_in_dim3A_12 : vector<1x64xf32> to vector<8x64xf32>
    %broadcast_in_dim3A_14 = vector.broadcast %jit3A : f32 to vector<8x64xf32>
    %select_n3A = arith.select %eq3A_10, %broadcast_in_dim3A_13, %broadcast_in_dim3A_14 : vector<8x64xi1>, vector<8x64xf32>
    %broadcast_in_dim3A_15 = vector.shape_cast %select_n3A : vector<8x64xf32> to vector<1x8x64xf32>
    %swap3A = arith.constant 0 : index
    %swap3A_16 = arith.constant 0 : index
    %swap3A_17 = arith.constant 0 : index
    %swap3A_18 = vector.load %arg3[%swap3A, %swap3A_16, %swap3A_17] : memref<1x8x64xf32, #tpu.memory_space<vmem>>, vector<1x8x64xf32>
    tpu.vector_store %arg3[%swap3A, %swap3A_16, %swap3A_17], %broadcast_in_dim3A_15 {strides = array<i32>} : memref<1x8x64xf32, #tpu.memory_space<vmem>>, vector<1x8x64xf32>,
    return
  }
  func.func @transform_0(%arg0: i32) -> (i32, i32, i32) {
    %c0_i32 = arith.constant 0 : i32
    %c0_i32_0 = arith.constant 0 : i32
    %c0_i32_1 = arith.constant 0 : i32
    return %arg0, %c0_i32, %c0_i32_0 : i32, i32, i32
  }
  func.func @transform_1(%arg0: i32) -> (i32, i32) {
    %c0_i32 = arith.constant 0 : i32
    %c0_i32_0 = arith.constant 0 : i32
    %c0_i32_1 = arith.constant 0 : i32
    return %c0_i32, %c0_i32_0 : i32, i32
  }
  func.func @transform_2(%arg0: i32) -> (i32, i32, i32) {
    %c0_i32 = arith.constant 0 : i32
    %c0_i32_0 = arith.constant 0 : i32
    %c0_i32_1 = arith.constant 0 : i32
    return %arg0, %c0_i32, %c0_i32_0 : i32, i32, i32
  }
}

module attributes {stable_mosaic.version = 14 : i64} {
  func.func @body(%arg0: i32, %arg1: memref<512x10x64xf32, #tpu.memory_space<vmem>>, %arg2: memref<1x64xf32, #tpu.memory_space<vmem>>, %arg3: memref<1x64xf32, #tpu.memory_space<vmem>>, %arg4: memref<1x64xf32, #tpu.memory_space<vmem>>, %arg5: memref<1x64xf32, #tpu.memory_space<vmem>>, %arg6: memref<64x64xbf16, #tpu.memory_space<vmem>>, %arg7: memref<512x10x64xf32, #tpu.memory_space<vmem>>, %arg8: memref<1x8x64xf32, #tpu.memory_space<vmem>>) attributes {dimension_semantics = [#tpu.dimension_semantics<parallel>], iteration_bounds = array<i64: 32>, scalar_prefetch = 0 : i64, scratch_operands = 0 : i64, tpu.core_type = #tpu.core_type<tc>, window_params = [{transform_indices = @transform_0, window_bounds = array<i64: 512, 10, 64>}, {pipeline_mode = #tpu.pipeline_mode<synchronous>, transform_indices = @transform_1, window_bounds = array<i64: 1, 64>}, {pipeline_mode = #tpu.pipeline_mode<synchronous>, transform_indices = @transform_2, window_bounds = array<i64: 1, 64>}, {pipeline_mode = #tpu.pipeline_mode<synchronous>, transform_indices = @transform_3, window_bounds = array<i64: 1, 64>}, {pipeline_mode = #tpu.pipeline_mode<synchronous>, transform_indices = @transform_4, window_bounds = array<i64: 1, 64>}, {pipeline_mode = #tpu.pipeline_mode<synchronous>, transform_indices = @transform_5, window_bounds = array<i64: 64, 64>}, {transform_indices = @transform_6, window_bounds = array<i64: 512, 10, 64>}, {transform_indices = @transform_7, window_bounds = array<i64: 1, 8, 64>}]} {
    %get3A = arith.constant 0 : index
    %get3A_0 = arith.constant 0 : index
    %get3A_1 = arith.constant 0 : index
    %get3A_2 = vector.load %arg1[%get3A, %get3A_0, %get3A_1] : memref<512x10x64xf32, #tpu.memory_space<vmem>>, vector<512x10x64xf32>
    %get3A_3 = arith.constant 0 : index
    %get3A_4 = arith.constant 0 : index
    %get3A_5 = vector.load %arg2[%get3A_3, %get3A_4] : memref<1x64xf32, #tpu.memory_space<vmem>>, vector<1x64xf32>
    %get3A_6 = vector.shape_cast %get3A_5 : vector<1x64xf32> to vector<64xf32>
    %get3A_7 = arith.constant 0 : index
    %get3A_8 = arith.constant 0 : index
    %get3A_9 = vector.load %arg3[%get3A_7, %get3A_8] : memref<1x64xf32, #tpu.memory_space<vmem>>, vector<1x64xf32>
    %get3A_10 = vector.shape_cast %get3A_9 : vector<1x64xf32> to vector<64xf32>
    %get3A_11 = arith.constant 0 : index
    %get3A_12 = arith.constant 0 : index
    %get3A_13 = vector.load %arg4[%get3A_11, %get3A_12] : memref<1x64xf32, #tpu.memory_space<vmem>>, vector<1x64xf32>
    %get3A_14 = vector.shape_cast %get3A_13 : vector<1x64xf32> to vector<64xf32>
    %get3A_15 = arith.constant 0 : index
    %get3A_16 = arith.constant 0 : index
    %get3A_17 = vector.load %arg5[%get3A_15, %get3A_16] : memref<1x64xf32, #tpu.memory_space<vmem>>, vector<1x64xf32>
    %get3A_18 = vector.shape_cast %get3A_17 : vector<1x64xf32> to vector<64xf32>
    %broadcast_in_dim3A = vector.shape_cast %get3A_14 : vector<64xf32> to vector<1x1x64xf32>
    %sub3A = vector.broadcast %broadcast_in_dim3A : vector<1x1x64xf32> to vector<512x10x64xf32>
    %sub3A_19 = arith.subf %get3A_2, %sub3A : vector<512x10x64xf32>
    %broadcast_in_dim3A_20 = vector.shape_cast %get3A_6 : vector<64xf32> to vector<1x1x64xf32>
    %mul3A = vector.broadcast %broadcast_in_dim3A_20 : vector<1x1x64xf32> to vector<512x10x64xf32>
    %mul3A_21 = arith.mulf %mul3A, %sub3A_19 : vector<512x10x64xf32>
    %add3A = arith.constant 9.99999974E-6 : f32
    %add3A_22 = vector.broadcast %add3A : f32 to vector<64xf32>
    %add3A_23 = arith.addf %get3A_18, %add3A_22 : vector<64xf32>
    %sqrt3A = math.sqrt %add3A_23 : vector<64xf32>
    %broadcast_in_dim3A_24 = vector.shape_cast %sqrt3A : vector<64xf32> to vector<1x1x64xf32>
    %div3A = vector.broadcast %broadcast_in_dim3A_24 : vector<1x1x64xf32> to vector<512x10x64xf32>
    %div3A_25 = arith.divf %mul3A_21, %div3A : vector<512x10x64xf32>
    %broadcast_in_dim3A_26 = vector.shape_cast %get3A_10 : vector<64xf32> to vector<1x1x64xf32>
    %add3A_27 = vector.broadcast %broadcast_in_dim3A_26 : vector<1x1x64xf32> to vector<512x10x64xf32>
    %add3A_28 = arith.addf %div3A_25, %add3A_27 : vector<512x10x64xf32>
    %jit3A = arith.constant 2.000000e-01 : f32
    %ge3A = arith.constant 0.000000e+00 : f32
    %ge3A_29 = vector.broadcast %ge3A : f32 to vector<512x10x64xf32>
    %ge3A_30 = arith.cmpf oge, %add3A_28, %ge3A_29 : vector<512x10x64xf32>
    %mul3A_31 = vector.broadcast %jit3A : f32 to vector<512x10x64xf32>
    %mul3A_32 = arith.mulf %mul3A_31, %add3A_28 : vector<512x10x64xf32>
    %select_n3A = arith.select %ge3A_30, %add3A_28, %mul3A_32 : vector<512x10x64xi1>, vector<512x10x64xf32>
    %convert_element_type3A = arith.truncf %select_n3A : vector<512x10x64xf32> to vector<512x10x64xbf16>
    %reshape3A = vector.shape_cast %convert_element_type3A : vector<512x10x64xbf16> to vector<5120x64xbf16>
    %get3A_33 = arith.constant 0 : index
    %get3A_34 = arith.constant 0 : index
    %get3A_35 = vector.load %arg6[%get3A_33, %get3A_34] : memref<64x64xbf16, #tpu.memory_space<vmem>>, vector<64x64xbf16>
    %dot_general3A = arith.constant dense<0.000000e+00> : vector<5120x64xf32>
    %dot_general3A_36 = tpu.matmul %reshape3A, %get3A_35, %dot_general3A {dimension_numbers = #tpu.dot_dimension_numbers<[1], [0], [0], [1], [0, 0, 1, 1], [], []>, transpose_lhs_hint = false} : vector<5120x64xbf16>, vector<64x64xbf16>, vector<5120x64xf32> -> vector<5120x64xf32>
    %reshape3A_37 = vector.shape_cast %dot_general3A_36 : vector<5120x64xf32> to vector<512x10x64xf32>
    %swap3A = arith.constant 0 : index
    %swap3A_38 = arith.constant 0 : index
    %swap3A_39 = arith.constant 0 : index
    %swap3A_40 = vector.load %arg7[%swap3A, %swap3A_38, %swap3A_39] : memref<512x10x64xf32, #tpu.memory_space<vmem>>, vector<512x10x64xf32>
    tpu.vector_store %arg7[%swap3A, %swap3A_38, %swap3A_39], %reshape3A_37 {strides = array<i32>} : memref<512x10x64xf32, #tpu.memory_space<vmem>>, vector<512x10x64xf32>,
    %reduce_sum3A = arith.constant dense<0.000000e+00> : vector<64xf32>
    %reduce_sum3A_41 = vector.multi_reduction <add>, %dot_general3A_36, %reduce_sum3A [0] : vector<5120x64xf32> to vector<64xf32>
    %iota3A = tpu.iota {dimensions = array<i32: 0>} : vector<8x64xi32>
    %eq3A = arith.constant 0 : i32
    %eq3A_42 = vector.broadcast %eq3A : i32 to vector<8x64xi32>
    %eq3A_43 = arith.cmpi eq, %iota3A, %eq3A_42 : vector<8x64xi32>
    %broadcast_in_dim3A_44 = vector.shape_cast %reduce_sum3A_41 : vector<64xf32> to vector<1x64xf32>
    %jit3A_45 = arith.constant 0.000000e+00 : f32
    %broadcast_in_dim3A_46 = vector.shape_cast %broadcast_in_dim3A_44 : vector<1x64xf32> to vector<1x64xf32>
    %broadcast_in_dim3A_47 = vector.broadcast %broadcast_in_dim3A_46 : vector<1x64xf32> to vector<8x64xf32>
    %broadcast_in_dim3A_48 = vector.broadcast %jit3A_45 : f32 to vector<8x64xf32>
    %select_n3A_49 = arith.select %eq3A_43, %broadcast_in_dim3A_47, %broadcast_in_dim3A_48 : vector<8x64xi1>, vector<8x64xf32>
    %broadcast_in_dim3A_50 = vector.shape_cast %select_n3A_49 : vector<8x64xf32> to vector<1x8x64xf32>
    %swap3A_51 = arith.constant 0 : index
    %swap3A_52 = arith.constant 0 : index
    %swap3A_53 = arith.constant 0 : index
    %swap3A_54 = vector.load %arg8[%swap3A_51, %swap3A_52, %swap3A_53] : memref<1x8x64xf32, #tpu.memory_space<vmem>>, vector<1x8x64xf32>
    tpu.vector_store %arg8[%swap3A_51, %swap3A_52, %swap3A_53], %broadcast_in_dim3A_50 {strides = array<i32>} : memref<1x8x64xf32, #tpu.memory_space<vmem>>, vector<1x8x64xf32>,
    return
  }
  func.func @transform_0(%arg0: i32) -> (i32, i32, i32) {
    %c0_i32 = arith.constant 0 : i32
    %c0_i32_0 = arith.constant 0 : i32
    %c0_i32_1 = arith.constant 0 : i32
    return %arg0, %c0_i32, %c0_i32_0 : i32, i32, i32
  }
  func.func @transform_1(%arg0: i32) -> (i32, i32) {
    %c0_i32 = arith.constant 0 : i32
    %c0_i32_0 = arith.constant 0 : i32
    %c0_i32_1 = arith.constant 0 : i32
    return %c0_i32, %c0_i32_0 : i32, i32
  }
  func.func @transform_2(%arg0: i32) -> (i32, i32) {
    %c0_i32 = arith.constant 0 : i32
    %c0_i32_0 = arith.constant 0 : i32
    %c0_i32_1 = arith.constant 0 : i32
    return %c0_i32, %c0_i32_0 : i32, i32
  }
  func.func @transform_3(%arg0: i32) -> (i32, i32) {
    %c0_i32 = arith.constant 0 : i32
    %c0_i32_0 = arith.constant 0 : i32
    %c0_i32_1 = arith.constant 0 : i32
    return %c0_i32, %c0_i32_0 : i32, i32
  }
  func.func @transform_4(%arg0: i32) -> (i32, i32) {
    %c0_i32 = arith.constant 0 : i32
    %c0_i32_0 = arith.constant 0 : i32
    %c0_i32_1 = arith.constant 0 : i32
    return %c0_i32, %c0_i32_0 : i32, i32
  }
  func.func @transform_5(%arg0: i32) -> (i32, i32) {
    %c0_i32 = arith.constant 0 : i32
    %c0_i32_0 = arith.constant 0 : i32
    %c0_i32_1 = arith.constant 0 : i32
    return %c0_i32, %c0_i32_0 : i32, i32
  }
  func.func @transform_6(%arg0: i32) -> (i32, i32, i32) {
    %c0_i32 = arith.constant 0 : i32
    %c0_i32_0 = arith.constant 0 : i32
    %c0_i32_1 = arith.constant 0 : i32
    return %arg0, %c0_i32, %c0_i32_0 : i32, i32, i32
  }
  func.func @transform_7(%arg0: i32) -> (i32, i32, i32) {
    %c0_i32 = arith.constant 0 : i32
    %c0_i32_0 = arith.constant 0 : i32
    %c0_i32_1 = arith.constant 0 : i32
    return %arg0, %c0_i32, %c0_i32_0 : i32, i32, i32
  }
}

module attributes {stable_mosaic.version = 14 : i64} {
  func.func @body(%arg0: i32, %arg1: memref<512x10x64xf32, #tpu.memory_space<vmem>>, %arg2: memref<1x64xf32, #tpu.memory_space<vmem>>, %arg3: memref<1x64xf32, #tpu.memory_space<vmem>>, %arg4: memref<1x64xf32, #tpu.memory_space<vmem>>, %arg5: memref<1x64xf32, #tpu.memory_space<vmem>>, %arg6: memref<512x64xf32, #tpu.memory_space<vmem>>) attributes {dimension_semantics = [#tpu.dimension_semantics<parallel>], iteration_bounds = array<i64: 32>, scalar_prefetch = 0 : i64, scratch_operands = 0 : i64, tpu.core_type = #tpu.core_type<tc>, window_params = [{transform_indices = @transform_0, window_bounds = array<i64: 512, 10, 64>}, {pipeline_mode = #tpu.pipeline_mode<synchronous>, transform_indices = @transform_1, window_bounds = array<i64: 1, 64>}, {pipeline_mode = #tpu.pipeline_mode<synchronous>, transform_indices = @transform_2, window_bounds = array<i64: 1, 64>}, {pipeline_mode = #tpu.pipeline_mode<synchronous>, transform_indices = @transform_3, window_bounds = array<i64: 1, 64>}, {pipeline_mode = #tpu.pipeline_mode<synchronous>, transform_indices = @transform_4, window_bounds = array<i64: 1, 64>}, {transform_indices = @transform_5, window_bounds = array<i64: 512, 64>}]} {
    %get3A = arith.constant 0 : index
    %get3A_0 = arith.constant 0 : index
    %get3A_1 = arith.constant 0 : index
    %get3A_2 = vector.load %arg1[%get3A, %get3A_0, %get3A_1] : memref<512x10x64xf32, #tpu.memory_space<vmem>>, vector<512x10x64xf32>
    %reduce_max3A = arith.constant dense<0xFF800000> : vector<512x64xf32>
    %reduce_max3A_3 = vector.multi_reduction <maximumf>, %get3A_2, %reduce_max3A [1] : vector<512x10x64xf32> to vector<512x64xf32>
    %get3A_4 = arith.constant 0 : index
    %get3A_5 = arith.constant 0 : index
    %get3A_6 = vector.load %arg2[%get3A_4, %get3A_5] : memref<1x64xf32, #tpu.memory_space<vmem>>, vector<1x64xf32>
    %get3A_7 = vector.shape_cast %get3A_6 : vector<1x64xf32> to vector<64xf32>
    %get3A_8 = arith.constant 0 : index
    %get3A_9 = arith.constant 0 : index
    %get3A_10 = vector.load %arg3[%get3A_8, %get3A_9] : memref<1x64xf32, #tpu.memory_space<vmem>>, vector<1x64xf32>
    %get3A_11 = vector.shape_cast %get3A_10 : vector<1x64xf32> to vector<64xf32>
    %get3A_12 = arith.constant 0 : index
    %get3A_13 = arith.constant 0 : index
    %get3A_14 = vector.load %arg4[%get3A_12, %get3A_13] : memref<1x64xf32, #tpu.memory_space<vmem>>, vector<1x64xf32>
    %get3A_15 = vector.shape_cast %get3A_14 : vector<1x64xf32> to vector<64xf32>
    %get3A_16 = arith.constant 0 : index
    %get3A_17 = arith.constant 0 : index
    %get3A_18 = vector.load %arg5[%get3A_16, %get3A_17] : memref<1x64xf32, #tpu.memory_space<vmem>>, vector<1x64xf32>
    %get3A_19 = vector.shape_cast %get3A_18 : vector<1x64xf32> to vector<64xf32>
    %broadcast_in_dim3A = vector.shape_cast %get3A_15 : vector<64xf32> to vector<1x64xf32>
    %sub3A = vector.broadcast %broadcast_in_dim3A : vector<1x64xf32> to vector<512x64xf32>
    %sub3A_20 = arith.subf %reduce_max3A_3, %sub3A : vector<512x64xf32>
    %broadcast_in_dim3A_21 = vector.shape_cast %get3A_7 : vector<64xf32> to vector<1x64xf32>
    %mul3A = vector.broadcast %broadcast_in_dim3A_21 : vector<1x64xf32> to vector<512x64xf32>
    %mul3A_22 = arith.mulf %mul3A, %sub3A_20 : vector<512x64xf32>
    %add3A = arith.constant 9.99999974E-6 : f32
    %add3A_23 = vector.broadcast %add3A : f32 to vector<64xf32>
    %add3A_24 = arith.addf %get3A_19, %add3A_23 : vector<64xf32>
    %sqrt3A = math.sqrt %add3A_24 : vector<64xf32>
    %broadcast_in_dim3A_25 = vector.shape_cast %sqrt3A : vector<64xf32> to vector<1x64xf32>
    %div3A = vector.broadcast %broadcast_in_dim3A_25 : vector<1x64xf32> to vector<512x64xf32>
    %div3A_26 = arith.divf %mul3A_22, %div3A : vector<512x64xf32>
    %broadcast_in_dim3A_27 = vector.shape_cast %get3A_11 : vector<64xf32> to vector<1x64xf32>
    %add3A_28 = vector.broadcast %broadcast_in_dim3A_27 : vector<1x64xf32> to vector<512x64xf32>
    %add3A_29 = arith.addf %div3A_26, %add3A_28 : vector<512x64xf32>
    %jit3A = arith.constant 2.000000e-01 : f32
    %ge3A = arith.constant 0.000000e+00 : f32
    %ge3A_30 = vector.broadcast %ge3A : f32 to vector<512x64xf32>
    %ge3A_31 = arith.cmpf oge, %add3A_29, %ge3A_30 : vector<512x64xf32>
    %mul3A_32 = vector.broadcast %jit3A : f32 to vector<512x64xf32>
    %mul3A_33 = arith.mulf %mul3A_32, %add3A_29 : vector<512x64xf32>
    %select_n3A = arith.select %ge3A_31, %add3A_29, %mul3A_33 : vector<512x64xi1>, vector<512x64xf32>
    %swap3A = arith.constant 0 : index
    %swap3A_34 = arith.constant 0 : index
    %swap3A_35 = vector.load %arg6[%swap3A, %swap3A_34] : memref<512x64xf32, #tpu.memory_space<vmem>>, vector<512x64xf32>
    tpu.vector_store %arg6[%swap3A, %swap3A_34], %select_n3A {strides = array<i32>} : memref<512x64xf32, #tpu.memory_space<vmem>>, vector<512x64xf32>,
    return
  }
  func.func @transform_0(%arg0: i32) -> (i32, i32, i32) {
    %c0_i32 = arith.constant 0 : i32
    %c0_i32_0 = arith.constant 0 : i32
    %c0_i32_1 = arith.constant 0 : i32
    return %arg0, %c0_i32, %c0_i32_0 : i32, i32, i32
  }
  func.func @transform_1(%arg0: i32) -> (i32, i32) {
    %c0_i32 = arith.constant 0 : i32
    %c0_i32_0 = arith.constant 0 : i32
    %c0_i32_1 = arith.constant 0 : i32
    return %c0_i32, %c0_i32_0 : i32, i32
  }
  func.func @transform_2(%arg0: i32) -> (i32, i32) {
    %c0_i32 = arith.constant 0 : i32
    %c0_i32_0 = arith.constant 0 : i32
    %c0_i32_1 = arith.constant 0 : i32
    return %c0_i32, %c0_i32_0 : i32, i32
  }
  func.func @transform_3(%arg0: i32) -> (i32, i32) {
    %c0_i32 = arith.constant 0 : i32
    %c0_i32_0 = arith.constant 0 : i32
    %c0_i32_1 = arith.constant 0 : i32
    return %c0_i32, %c0_i32_0 : i32, i32
  }
  func.func @transform_4(%arg0: i32) -> (i32, i32) {
    %c0_i32 = arith.constant 0 : i32
    %c0_i32_0 = arith.constant 0 : i32
    %c0_i32_1 = arith.constant 0 : i32
    return %c0_i32, %c0_i32_0 : i32, i32
  }
  func.func @transform_5(%arg0: i32) -> (i32, i32) {
    %c0_i32 = arith.constant 0 : i32
    %c0_i32_0 = arith.constant 0 : i32
    return %arg0, %c0_i32 : i32, i32
  }
}

module attributes {stable_mosaic.version = 14 : i64} {
  func.func @body(%arg0: i32, %arg1: i32, %arg2: memref<1x4096x64xf32, #tpu.memory_space<vmem>>, %arg3: memref<1x256x64xf32, #tpu.memory_space<vmem>>, %arg4: memref<1x64x4096xbf16, #tpu.memory_space<vmem>>, %arg5: memref<1x16x256xi32, #tpu.memory_space<vmem>>) attributes {dimension_semantics = [#tpu.dimension_semantics<parallel>, #tpu.dimension_semantics<parallel>], iteration_bounds = array<i64: 4, 16>, scalar_prefetch = 0 : i64, scratch_operands = 0 : i64, tpu.core_type = #tpu.core_type<tc>, window_params = [{transform_indices = @transform_0, window_bounds = array<i64: 1, 4096, 64>}, {transform_indices = @transform_1, window_bounds = array<i64: 1, 256, 64>}, {transform_indices = @transform_2, window_bounds = array<i64: 1, 64, 4096>}, {transform_indices = @transform_3, window_bounds = array<i64: 1, 16, 256>}]} {
    %get3A = arith.constant 0 : index
    %get3A_0 = arith.constant 0 : index
    %get3A_1 = arith.constant 0 : index
    %get3A_2 = vector.load %arg2[%get3A, %get3A_0, %get3A_1] : memref<1x4096x64xf32, #tpu.memory_space<vmem>>, vector<1x4096x64xf32>
    %get3A_3 = vector.shape_cast %get3A_2 : vector<1x4096x64xf32> to vector<4096x64xf32>
    %get3A_4 = arith.constant 0 : index
    %get3A_5 = arith.constant 0 : index
    %get3A_6 = arith.constant 0 : index
    %get3A_7 = vector.load %arg3[%get3A_4, %get3A_5, %get3A_6] : memref<1x256x64xf32, #tpu.memory_space<vmem>>, vector<1x256x64xf32>
    %get3A_8 = vector.shape_cast %get3A_7 : vector<1x256x64xf32> to vector<256x64xf32>
    %mul3A = arith.mulf %get3A_3, %get3A_3 : vector<4096x64xf32>
    %reduce_sum3A = arith.constant dense<0.000000e+00> : vector<4096xf32>
    %reduce_sum3A_9 = vector.multi_reduction <add>, %mul3A, %reduce_sum3A [1] : vector<4096x64xf32> to vector<4096xf32>
    %mul3A_10 = arith.mulf %get3A_8, %get3A_8 : vector<256x64xf32>
    %reduce_sum3A_11 = arith.constant dense<0.000000e+00> : vector<256xf32>
    %reduce_sum3A_12 = vector.multi_reduction <add>, %mul3A_10, %reduce_sum3A_11 [1] : vector<256x64xf32> to vector<256xf32>
    %convert_element_type3A = arith.truncf %get3A_8 : vector<256x64xf32> to vector<256x64xbf16>
    %get3A_13 = arith.constant 0 : index
    %get3A_14 = arith.constant 0 : index
    %get3A_15 = arith.constant 0 : index
    %get3A_16 = vector.load %arg4[%get3A_13, %get3A_14, %get3A_15] : memref<1x64x4096xbf16, #tpu.memory_space<vmem>>, vector<1x64x4096xbf16>
    %get3A_17 = vector.shape_cast %get3A_16 : vector<1x64x4096xbf16> to vector<64x4096xbf16>
    %dot_general3A = arith.constant dense<0.000000e+00> : vector<256x4096xf32>
    %dot_general3A_18 = tpu.matmul %convert_element_type3A, %get3A_17, %dot_general3A {dimension_numbers = #tpu.dot_dimension_numbers<[1], [0], [0], [1], [0, 0, 1, 1], [], []>, transpose_lhs_hint = false} : vector<256x64xbf16>, vector<64x4096xbf16>, vector<256x4096xf32> -> vector<256x4096xf32>
    %broadcast_in_dim3A = vector.shape_cast %reduce_sum3A_12 : vector<256xf32> to vector<256x1xf32>
    %mul3A_19 = arith.constant -2.000000e+00 : f32
    %mul3A_20 = vector.broadcast %mul3A_19 : f32 to vector<256x4096xf32>
    %mul3A_21 = arith.mulf %mul3A_20, %dot_general3A_18 : vector<256x4096xf32>
    %add3A = vector.broadcast %broadcast_in_dim3A : vector<256x1xf32> to vector<256x4096xf32>
    %add3A_22 = arith.addf %add3A, %mul3A_21 : vector<256x4096xf32>
    %broadcast_in_dim3A_23 = vector.shape_cast %reduce_sum3A_9 : vector<4096xf32> to vector<1x4096xf32>
    %add3A_24 = vector.broadcast %broadcast_in_dim3A_23 : vector<1x4096xf32> to vector<256x4096xf32>
    %add3A_25 = arith.addf %add3A_22, %add3A_24 : vector<256x4096xf32>
    %iota3A = tpu.iota {dimensions = array<i32: 1>} : vector<256x4096xi32>
    %reduce_min3A = arith.constant dense<0x7F800000> : vector<256xf32>
    %reduce_min3A_26 = vector.multi_reduction <minimumf>, %add3A_25, %reduce_min3A [1] : vector<256x4096xf32> to vector<256xf32>
    %broadcast_in_dim3A_27 = vector.shape_cast %reduce_min3A_26 : vector<256xf32> to vector<256x1xf32>
    %eq3A = vector.broadcast %broadcast_in_dim3A_27 : vector<256x1xf32> to vector<256x4096xf32>
    %eq3A_28 = arith.cmpf oeq, %add3A_25, %eq3A : vector<256x4096xf32>
    %jit3A = arith.constant 4096 : i32
    %broadcast_in_dim3A_29 = vector.broadcast %jit3A : i32 to vector<256x4096xi32>
    %select_n3A = arith.select %eq3A_28, %iota3A, %broadcast_in_dim3A_29 : vector<256x4096xi1>, vector<256x4096xi32>
    %reduce_min3A_30 = arith.constant dense<2147483647> : vector<256xi32>
    %reduce_min3A_31 = vector.multi_reduction <minsi>, %select_n3A, %reduce_min3A_30 [1] : vector<256x4096xi32> to vector<256xi32>
    %broadcast_in_dim3A_32 = vector.shape_cast %reduce_min3A_31 : vector<256xi32> to vector<256x1xi32>
    %eq3A_33 = vector.broadcast %broadcast_in_dim3A_32 : vector<256x1xi32> to vector<256x4096xi32>
    %eq3A_34 = arith.cmpi eq, %iota3A, %eq3A_33 : vector<256x4096xi32>
    %jit3A_35 = arith.constant 0x7F800000 : f32
    %broadcast_in_dim3A_36 = vector.broadcast %jit3A_35 : f32 to vector<256x4096xf32>
    %select_n3A_37 = arith.select %eq3A_34, %broadcast_in_dim3A_36, %add3A_25 : vector<256x4096xi1>, vector<256x4096xf32>
    %reduce_min3A_38 = arith.constant dense<0x7F800000> : vector<256xf32>
    %reduce_min3A_39 = vector.multi_reduction <minimumf>, %select_n3A_37, %reduce_min3A_38 [1] : vector<256x4096xf32> to vector<256xf32>
    %broadcast_in_dim3A_40 = vector.shape_cast %reduce_min3A_39 : vector<256xf32> to vector<256x1xf32>
    %eq3A_41 = vector.broadcast %broadcast_in_dim3A_40 : vector<256x1xf32> to vector<256x4096xf32>
    %eq3A_42 = arith.cmpf oeq, %select_n3A_37, %eq3A_41 : vector<256x4096xf32>
    %jit3A_43 = arith.constant 4096 : i32
    %broadcast_in_dim3A_44 = vector.broadcast %jit3A_43 : i32 to vector<256x4096xi32>
    %select_n3A_45 = arith.select %eq3A_42, %iota3A, %broadcast_in_dim3A_44 : vector<256x4096xi1>, vector<256x4096xi32>
    %reduce_min3A_46 = arith.constant dense<2147483647> : vector<256xi32>
    %reduce_min3A_47 = vector.multi_reduction <minsi>, %select_n3A_45, %reduce_min3A_46 [1] : vector<256x4096xi32> to vector<256xi32>
    %swap3A = arith.constant 0 : index
    %swap3A_48 = arith.constant 0 : index
    %swap3A_49 = arith.constant 0 : index
    %swap3A_50 = vector.load %arg5[%swap3A, %swap3A_48, %swap3A_49] : memref<1x16x256xi32, #tpu.memory_space<vmem>>, vector<1x1x256xi32>
    %swap3A_51 = vector.shape_cast %swap3A_50 : vector<1x1x256xi32> to vector<256xi32>
    %swap3A_52 = vector.shape_cast %reduce_min3A_47 : vector<256xi32> to vector<1x1x256xi32>
    tpu.vector_store %arg5[%swap3A, %swap3A_48, %swap3A_49], %swap3A_52 {strides = array<i32>} : memref<1x16x256xi32, #tpu.memory_space<vmem>>, vector<1x1x256xi32>,
    %broadcast_in_dim3A_53 = vector.shape_cast %reduce_min3A_47 : vector<256xi32> to vector<256x1xi32>
    %eq3A_54 = vector.broadcast %broadcast_in_dim3A_53 : vector<256x1xi32> to vector<256x4096xi32>
    %eq3A_55 = arith.cmpi eq, %iota3A, %eq3A_54 : vector<256x4096xi32>
    %jit3A_56 = arith.constant 0x7F800000 : f32
    %broadcast_in_dim3A_57 = vector.broadcast %jit3A_56 : f32 to vector<256x4096xf32>
    %select_n3A_58 = arith.select %eq3A_55, %broadcast_in_dim3A_57, %select_n3A_37 : vector<256x4096xi1>, vector<256x4096xf32>
    %reduce_min3A_59 = arith.constant dense<0x7F800000> : vector<256xf32>
    %reduce_min3A_60 = vector.multi_reduction <minimumf>, %select_n3A_58, %reduce_min3A_59 [1] : vector<256x4096xf32> to vector<256xf32>
    %broadcast_in_dim3A_61 = vector.shape_cast %reduce_min3A_60 : vector<256xf32> to vector<256x1xf32>
    %eq3A_62 = vector.broadcast %broadcast_in_dim3A_61 : vector<256x1xf32> to vector<256x4096xf32>
    %eq3A_63 = arith.cmpf oeq, %select_n3A_58, %eq3A_62 : vector<256x4096xf32>
    %jit3A_64 = arith.constant 4096 : i32
    %broadcast_in_dim3A_65 = vector.broadcast %jit3A_64 : i32 to vector<256x4096xi32>
    %select_n3A_66 = arith.select %eq3A_63, %iota3A, %broadcast_in_dim3A_65 : vector<256x4096xi1>, vector<256x4096xi32>
    %reduce_min3A_67 = arith.constant dense<2147483647> : vector<256xi32>
    %reduce_min3A_68 = vector.multi_reduction <minsi>, %select_n3A_66, %reduce_min3A_67 [1] : vector<256x4096xi32> to vector<256xi32>
    %swap3A_69 = arith.constant 0 : index
    %swap3A_70 = arith.constant 1 : index
    %swap3A_71 = arith.constant 0 : index
    %swap3A_72 = vector.load %arg5[%swap3A_69, %swap3A_70, %swap3A_71] : memref<1x16x256xi32, #tpu.memory_space<vmem>>, vector<1x1x256xi32>
    %swap3A_73 = vector.shape_cast %swap3A_72 : vector<1x1x256xi32> to vector<256xi32>
    %swap3A_74 = vector.shape_cast %reduce_min3A_68 : vector<256xi32> to vector<1x1x256xi32>
    tpu.vector_store %arg5[%swap3A_69, %swap3A_70, %swap3A_71], %swap3A_74 {strides = array<i32>} : memref<1x16x256xi32, #tpu.memory_space<vmem>>, vector<1x1x256xi32>,
    %broadcast_in_dim3A_75 = vector.shape_cast %reduce_min3A_68 : vector<256xi32> to vector<256x1xi32>
    %eq3A_76 = vector.broadcast %broadcast_in_dim3A_75 : vector<256x1xi32> to vector<256x4096xi32>
    %eq3A_77 = arith.cmpi eq, %iota3A, %eq3A_76 : vector<256x4096xi32>
    %jit3A_78 = arith.constant 0x7F800000 : f32
    %broadcast_in_dim3A_79 = vector.broadcast %jit3A_78 : f32 to vector<256x4096xf32>
    %select_n3A_80 = arith.select %eq3A_77, %broadcast_in_dim3A_79, %select_n3A_58 : vector<256x4096xi1>, vector<256x4096xf32>
    %reduce_min3A_81 = arith.constant dense<0x7F800000> : vector<256xf32>
    %reduce_min3A_82 = vector.multi_reduction <minimumf>, %select_n3A_80, %reduce_min3A_81 [1] : vector<256x4096xf32> to vector<256xf32>
    %broadcast_in_dim3A_83 = vector.shape_cast %reduce_min3A_82 : vector<256xf32> to vector<256x1xf32>
    %eq3A_84 = vector.broadcast %broadcast_in_dim3A_83 : vector<256x1xf32> to vector<256x4096xf32>
    %eq3A_85 = arith.cmpf oeq, %select_n3A_80, %eq3A_84 : vector<256x4096xf32>
    %jit3A_86 = arith.constant 4096 : i32
    %broadcast_in_dim3A_87 = vector.broadcast %jit3A_86 : i32 to vector<256x4096xi32>
    %select_n3A_88 = arith.select %eq3A_85, %iota3A, %broadcast_in_dim3A_87 : vector<256x4096xi1>, vector<256x4096xi32>
    %reduce_min3A_89 = arith.constant dense<2147483647> : vector<256xi32>
    %reduce_min3A_90 = vector.multi_reduction <minsi>, %select_n3A_88, %reduce_min3A_89 [1] : vector<256x4096xi32> to vector<256xi32>
    %swap3A_91 = arith.constant 0 : index
    %swap3A_92 = arith.constant 2 : index
    %swap3A_93 = arith.constant 0 : index
    %swap3A_94 = vector.load %arg5[%swap3A_91, %swap3A_92, %swap3A_93] : memref<1x16x256xi32, #tpu.memory_space<vmem>>, vector<1x1x256xi32>
    %swap3A_95 = vector.shape_cast %swap3A_94 : vector<1x1x256xi32> to vector<256xi32>
    %swap3A_96 = vector.shape_cast %reduce_min3A_90 : vector<256xi32> to vector<1x1x256xi32>
    tpu.vector_store %arg5[%swap3A_91, %swap3A_92, %swap3A_93], %swap3A_96 {strides = array<i32>} : memref<1x16x256xi32, #tpu.memory_space<vmem>>, vector<1x1x256xi32>,
    %broadcast_in_dim3A_97 = vector.shape_cast %reduce_min3A_90 : vector<256xi32> to vector<256x1xi32>
    %eq3A_98 = vector.broadcast %broadcast_in_dim3A_97 : vector<256x1xi32> to vector<256x4096xi32>
    %eq3A_99 = arith.cmpi eq, %iota3A, %eq3A_98 : vector<256x4096xi32>
    %jit3A_100 = arith.constant 0x7F800000 : f32
    %broadcast_in_dim3A_101 = vector.broadcast %jit3A_100 : f32 to vector<256x4096xf32>
    %select_n3A_102 = arith.select %eq3A_99, %broadcast_in_dim3A_101, %select_n3A_80 : vector<256x4096xi1>, vector<256x4096xf32>
    %reduce_min3A_103 = arith.constant dense<0x7F800000> : vector<256xf32>
    %reduce_min3A_104 = vector.multi_reduction <minimumf>, %select_n3A_102, %reduce_min3A_103 [1] : vector<256x4096xf32> to vector<256xf32>
    %broadcast_in_dim3A_105 = vector.shape_cast %reduce_min3A_104 : vector<256xf32> to vector<256x1xf32>
    %eq3A_106 = vector.broadcast %broadcast_in_dim3A_105 : vector<256x1xf32> to vector<256x4096xf32>
    %eq3A_107 = arith.cmpf oeq, %select_n3A_102, %eq3A_106 : vector<256x4096xf32>
    %jit3A_108 = arith.constant 4096 : i32
    %broadcast_in_dim3A_109 = vector.broadcast %jit3A_108 : i32 to vector<256x4096xi32>
    %select_n3A_110 = arith.select %eq3A_107, %iota3A, %broadcast_in_dim3A_109 : vector<256x4096xi1>, vector<256x4096xi32>
    %reduce_min3A_111 = arith.constant dense<2147483647> : vector<256xi32>
    %reduce_min3A_112 = vector.multi_reduction <minsi>, %select_n3A_110, %reduce_min3A_111 [1] : vector<256x4096xi32> to vector<256xi32>
    %swap3A_113 = arith.constant 0 : index
    %swap3A_114 = arith.constant 3 : index
    %swap3A_115 = arith.constant 0 : index
    %swap3A_116 = vector.load %arg5[%swap3A_113, %swap3A_114, %swap3A_115] : memref<1x16x256xi32, #tpu.memory_space<vmem>>, vector<1x1x256xi32>
    %swap3A_117 = vector.shape_cast %swap3A_116 : vector<1x1x256xi32> to vector<256xi32>
    %swap3A_118 = vector.shape_cast %reduce_min3A_112 : vector<256xi32> to vector<1x1x256xi32>
    tpu.vector_store %arg5[%swap3A_113, %swap3A_114, %swap3A_115], %swap3A_118 {strides = array<i32>} : memref<1x16x256xi32, #tpu.memory_space<vmem>>, vector<1x1x256xi32>,
    %broadcast_in_dim3A_119 = vector.shape_cast %reduce_min3A_112 : vector<256xi32> to vector<256x1xi32>
    %eq3A_120 = vector.broadcast %broadcast_in_dim3A_119 : vector<256x1xi32> to vector<256x4096xi32>
    %eq3A_121 = arith.cmpi eq, %iota3A, %eq3A_120 : vector<256x4096xi32>
    %jit3A_122 = arith.constant 0x7F800000 : f32
    %broadcast_in_dim3A_123 = vector.broadcast %jit3A_122 : f32 to vector<256x4096xf32>
    %select_n3A_124 = arith.select %eq3A_121, %broadcast_in_dim3A_123, %select_n3A_102 : vector<256x4096xi1>, vector<256x4096xf32>
    %reduce_min3A_125 = arith.constant dense<0x7F800000> : vector<256xf32>
    %reduce_min3A_126 = vector.multi_reduction <minimumf>, %select_n3A_124, %reduce_min3A_125 [1] : vector<256x4096xf32> to vector<256xf32>
    %broadcast_in_dim3A_127 = vector.shape_cast %reduce_min3A_126 : vector<256xf32> to vector<256x1xf32>
    %eq3A_128 = vector.broadcast %broadcast_in_dim3A_127 : vector<256x1xf32> to vector<256x4096xf32>
    %eq3A_129 = arith.cmpf oeq, %select_n3A_124, %eq3A_128 : vector<256x4096xf32>
    %jit3A_130 = arith.constant 4096 : i32
    %broadcast_in_dim3A_131 = vector.broadcast %jit3A_130 : i32 to vector<256x4096xi32>
    %select_n3A_132 = arith.select %eq3A_129, %iota3A, %broadcast_in_dim3A_131 : vector<256x4096xi1>, vector<256x4096xi32>
    %reduce_min3A_133 = arith.constant dense<2147483647> : vector<256xi32>
    %reduce_min3A_134 = vector.multi_reduction <minsi>, %select_n3A_132, %reduce_min3A_133 [1] : vector<256x4096xi32> to vector<256xi32>
    %swap3A_135 = arith.constant 0 : index
    %swap3A_136 = arith.constant 4 : index
    %swap3A_137 = arith.constant 0 : index
    %swap3A_138 = vector.load %arg5[%swap3A_135, %swap3A_136, %swap3A_137] : memref<1x16x256xi32, #tpu.memory_space<vmem>>, vector<1x1x256xi32>
    %swap3A_139 = vector.shape_cast %swap3A_138 : vector<1x1x256xi32> to vector<256xi32>
    %swap3A_140 = vector.shape_cast %reduce_min3A_134 : vector<256xi32> to vector<1x1x256xi32>
    tpu.vector_store %arg5[%swap3A_135, %swap3A_136, %swap3A_137], %swap3A_140 {strides = array<i32>} : memref<1x16x256xi32, #tpu.memory_space<vmem>>, vector<1x1x256xi32>,
    %broadcast_in_dim3A_141 = vector.shape_cast %reduce_min3A_134 : vector<256xi32> to vector<256x1xi32>
    %eq3A_142 = vector.broadcast %broadcast_in_dim3A_141 : vector<256x1xi32> to vector<256x4096xi32>
    %eq3A_143 = arith.cmpi eq, %iota3A, %eq3A_142 : vector<256x4096xi32>
    %jit3A_144 = arith.constant 0x7F800000 : f32
    %broadcast_in_dim3A_145 = vector.broadcast %jit3A_144 : f32 to vector<256x4096xf32>
    %select_n3A_146 = arith.select %eq3A_143, %broadcast_in_dim3A_145, %select_n3A_124 : vector<256x4096xi1>, vector<256x4096xf32>
    %reduce_min3A_147 = arith.constant dense<0x7F800000> : vector<256xf32>
    %reduce_min3A_148 = vector.multi_reduction <minimumf>, %select_n3A_146, %reduce_min3A_147 [1] : vector<256x4096xf32> to vector<256xf32>
    %broadcast_in_dim3A_149 = vector.shape_cast %reduce_min3A_148 : vector<256xf32> to vector<256x1xf32>
    %eq3A_150 = vector.broadcast %broadcast_in_dim3A_149 : vector<256x1xf32> to vector<256x4096xf32>
    %eq3A_151 = arith.cmpf oeq, %select_n3A_146, %eq3A_150 : vector<256x4096xf32>
    %jit3A_152 = arith.constant 4096 : i32
    %broadcast_in_dim3A_153 = vector.broadcast %jit3A_152 : i32 to vector<256x4096xi32>
    %select_n3A_154 = arith.select %eq3A_151, %iota3A, %broadcast_in_dim3A_153 : vector<256x4096xi1>, vector<256x4096xi32>
    %reduce_min3A_155 = arith.constant dense<2147483647> : vector<256xi32>
    %reduce_min3A_156 = vector.multi_reduction <minsi>, %select_n3A_154, %reduce_min3A_155 [1] : vector<256x4096xi32> to vector<256xi32>
    %swap3A_157 = arith.constant 0 : index
    %swap3A_158 = arith.constant 5 : index
    %swap3A_159 = arith.constant 0 : index
    %swap3A_160 = vector.load %arg5[%swap3A_157, %swap3A_158, %swap3A_159] : memref<1x16x256xi32, #tpu.memory_space<vmem>>, vector<1x1x256xi32>
    %swap3A_161 = vector.shape_cast %swap3A_160 : vector<1x1x256xi32> to vector<256xi32>
    %swap3A_162 = vector.shape_cast %reduce_min3A_156 : vector<256xi32> to vector<1x1x256xi32>
    tpu.vector_store %arg5[%swap3A_157, %swap3A_158, %swap3A_159], %swap3A_162 {strides = array<i32>} : memref<1x16x256xi32, #tpu.memory_space<vmem>>, vector<1x1x256xi32>,
    %broadcast_in_dim3A_163 = vector.shape_cast %reduce_min3A_156 : vector<256xi32> to vector<256x1xi32>
    %eq3A_164 = vector.broadcast %broadcast_in_dim3A_163 : vector<256x1xi32> to vector<256x4096xi32>
    %eq3A_165 = arith.cmpi eq, %iota3A, %eq3A_164 : vector<256x4096xi32>
    %jit3A_166 = arith.constant 0x7F800000 : f32
    %broadcast_in_dim3A_167 = vector.broadcast %jit3A_166 : f32 to vector<256x4096xf32>
    %select_n3A_168 = arith.select %eq3A_165, %broadcast_in_dim3A_167, %select_n3A_146 : vector<256x4096xi1>, vector<256x4096xf32>
    %reduce_min3A_169 = arith.constant dense<0x7F800000> : vector<256xf32>
    %reduce_min3A_170 = vector.multi_reduction <minimumf>, %select_n3A_168, %reduce_min3A_169 [1] : vector<256x4096xf32> to vector<256xf32>
    %broadcast_in_dim3A_171 = vector.shape_cast %reduce_min3A_170 : vector<256xf32> to vector<256x1xf32>
    %eq3A_172 = vector.broadcast %broadcast_in_dim3A_171 : vector<256x1xf32> to vector<256x4096xf32>
    %eq3A_173 = arith.cmpf oeq, %select_n3A_168, %eq3A_172 : vector<256x4096xf32>
    %jit3A_174 = arith.constant 4096 : i32
    %broadcast_in_dim3A_175 = vector.broadcast %jit3A_174 : i32 to vector<256x4096xi32>
    %select_n3A_176 = arith.select %eq3A_173, %iota3A, %broadcast_in_dim3A_175 : vector<256x4096xi1>, vector<256x4096xi32>
    %reduce_min3A_177 = arith.constant dense<2147483647> : vector<256xi32>
    %reduce_min3A_178 = vector.multi_reduction <minsi>, %select_n3A_176, %reduce_min3A_177 [1] : vector<256x4096xi32> to vector<256xi32>
    %swap3A_179 = arith.constant 0 : index
    %swap3A_180 = arith.constant 6 : index
    %swap3A_181 = arith.constant 0 : index
    %swap3A_182 = vector.load %arg5[%swap3A_179, %swap3A_180, %swap3A_181] : memref<1x16x256xi32, #tpu.memory_space<vmem>>, vector<1x1x256xi32>
    %swap3A_183 = vector.shape_cast %swap3A_182 : vector<1x1x256xi32> to vector<256xi32>
    %swap3A_184 = vector.shape_cast %reduce_min3A_178 : vector<256xi32> to vector<1x1x256xi32>
    tpu.vector_store %arg5[%swap3A_179, %swap3A_180, %swap3A_181], %swap3A_184 {strides = array<i32>} : memref<1x16x256xi32, #tpu.memory_space<vmem>>, vector<1x1x256xi32>,
    %broadcast_in_dim3A_185 = vector.shape_cast %reduce_min3A_178 : vector<256xi32> to vector<256x1xi32>
    %eq3A_186 = vector.broadcast %broadcast_in_dim3A_185 : vector<256x1xi32> to vector<256x4096xi32>
    %eq3A_187 = arith.cmpi eq, %iota3A, %eq3A_186 : vector<256x4096xi32>
    %jit3A_188 = arith.constant 0x7F800000 : f32
    %broadcast_in_dim3A_189 = vector.broadcast %jit3A_188 : f32 to vector<256x4096xf32>
    %select_n3A_190 = arith.select %eq3A_187, %broadcast_in_dim3A_189, %select_n3A_168 : vector<256x4096xi1>, vector<256x4096xf32>
    %reduce_min3A_191 = arith.constant dense<0x7F800000> : vector<256xf32>
    %reduce_min3A_192 = vector.multi_reduction <minimumf>, %select_n3A_190, %reduce_min3A_191 [1] : vector<256x4096xf32> to vector<256xf32>
    %broadcast_in_dim3A_193 = vector.shape_cast %reduce_min3A_192 : vector<256xf32> to vector<256x1xf32>
    %eq3A_194 = vector.broadcast %broadcast_in_dim3A_193 : vector<256x1xf32> to vector<256x4096xf32>
    %eq3A_195 = arith.cmpf oeq, %select_n3A_190, %eq3A_194 : vector<256x4096xf32>
    %jit3A_196 = arith.constant 4096 : i32
    %broadcast_in_dim3A_197 = vector.broadcast %jit3A_196 : i32 to vector<256x4096xi32>
    %select_n3A_198 = arith.select %eq3A_195, %iota3A, %broadcast_in_dim3A_197 : vector<256x4096xi1>, vector<256x4096xi32>
    %reduce_min3A_199 = arith.constant dense<2147483647> : vector<256xi32>
    %reduce_min3A_200 = vector.multi_reduction <minsi>, %select_n3A_198, %reduce_min3A_199 [1] : vector<256x4096xi32> to vector<256xi32>
    %swap3A_201 = arith.constant 0 : index
    %swap3A_202 = arith.constant 7 : index
    %swap3A_203 = arith.constant 0 : index
    %swap3A_204 = vector.load %arg5[%swap3A_201, %swap3A_202, %swap3A_203] : memref<1x16x256xi32, #tpu.memory_space<vmem>>, vector<1x1x256xi32>
    %swap3A_205 = vector.shape_cast %swap3A_204 : vector<1x1x256xi32> to vector<256xi32>
    %swap3A_206 = vector.shape_cast %reduce_min3A_200 : vector<256xi32> to vector<1x1x256xi32>
    tpu.vector_store %arg5[%swap3A_201, %swap3A_202, %swap3A_203], %swap3A_206 {strides = array<i32>} : memref<1x16x256xi32, #tpu.memory_space<vmem>>, vector<1x1x256xi32>,
    %broadcast_in_dim3A_207 = vector.shape_cast %reduce_min3A_200 : vector<256xi32> to vector<256x1xi32>
    %eq3A_208 = vector.broadcast %broadcast_in_dim3A_207 : vector<256x1xi32> to vector<256x4096xi32>
    %eq3A_209 = arith.cmpi eq, %iota3A, %eq3A_208 : vector<256x4096xi32>
    %jit3A_210 = arith.constant 0x7F800000 : f32
    %broadcast_in_dim3A_211 = vector.broadcast %jit3A_210 : f32 to vector<256x4096xf32>
    %select_n3A_212 = arith.select %eq3A_209, %broadcast_in_dim3A_211, %select_n3A_190 : vector<256x4096xi1>, vector<256x4096xf32>
    %reduce_min3A_213 = arith.constant dense<0x7F800000> : vector<256xf32>
    %reduce_min3A_214 = vector.multi_reduction <minimumf>, %select_n3A_212, %reduce_min3A_213 [1] : vector<256x4096xf32> to vector<256xf32>
    %broadcast_in_dim3A_215 = vector.shape_cast %reduce_min3A_214 : vector<256xf32> to vector<256x1xf32>
    %eq3A_216 = vector.broadcast %broadcast_in_dim3A_215 : vector<256x1xf32> to vector<256x4096xf32>
    %eq3A_217 = arith.cmpf oeq, %select_n3A_212, %eq3A_216 : vector<256x4096xf32>
    %jit3A_218 = arith.constant 4096 : i32
    %broadcast_in_dim3A_219 = vector.broadcast %jit3A_218 : i32 to vector<256x4096xi32>
    %select_n3A_220 = arith.select %eq3A_217, %iota3A, %broadcast_in_dim3A_219 : vector<256x4096xi1>, vector<256x4096xi32>
    %reduce_min3A_221 = arith.constant dense<2147483647> : vector<256xi32>
    %reduce_min3A_222 = vector.multi_reduction <minsi>, %select_n3A_220, %reduce_min3A_221 [1] : vector<256x4096xi32> to vector<256xi32>
    %swap3A_223 = arith.constant 0 : index
    %swap3A_224 = arith.constant 8 : index
    %swap3A_225 = arith.constant 0 : index
    %swap3A_226 = vector.load %arg5[%swap3A_223, %swap3A_224, %swap3A_225] : memref<1x16x256xi32, #tpu.memory_space<vmem>>, vector<1x1x256xi32>
    %swap3A_227 = vector.shape_cast %swap3A_226 : vector<1x1x256xi32> to vector<256xi32>
    %swap3A_228 = vector.shape_cast %reduce_min3A_222 : vector<256xi32> to vector<1x1x256xi32>
    tpu.vector_store %arg5[%swap3A_223, %swap3A_224, %swap3A_225], %swap3A_228 {strides = array<i32>} : memref<1x16x256xi32, #tpu.memory_space<vmem>>, vector<1x1x256xi32>,
    %broadcast_in_dim3A_229 = vector.shape_cast %reduce_min3A_222 : vector<256xi32> to vector<256x1xi32>
    %eq3A_230 = vector.broadcast %broadcast_in_dim3A_229 : vector<256x1xi32> to vector<256x4096xi32>
    %eq3A_231 = arith.cmpi eq, %iota3A, %eq3A_230 : vector<256x4096xi32>
    %jit3A_232 = arith.constant 0x7F800000 : f32
    %broadcast_in_dim3A_233 = vector.broadcast %jit3A_232 : f32 to vector<256x4096xf32>
    %select_n3A_234 = arith.select %eq3A_231, %broadcast_in_dim3A_233, %select_n3A_212 : vector<256x4096xi1>, vector<256x4096xf32>
    %reduce_min3A_235 = arith.constant dense<0x7F800000> : vector<256xf32>
    %reduce_min3A_236 = vector.multi_reduction <minimumf>, %select_n3A_234, %reduce_min3A_235 [1] : vector<256x4096xf32> to vector<256xf32>
    %broadcast_in_dim3A_237 = vector.shape_cast %reduce_min3A_236 : vector<256xf32> to vector<256x1xf32>
    %eq3A_238 = vector.broadcast %broadcast_in_dim3A_237 : vector<256x1xf32> to vector<256x4096xf32>
    %eq3A_239 = arith.cmpf oeq, %select_n3A_234, %eq3A_238 : vector<256x4096xf32>
    %jit3A_240 = arith.constant 4096 : i32
    %broadcast_in_dim3A_241 = vector.broadcast %jit3A_240 : i32 to vector<256x4096xi32>
    %select_n3A_242 = arith.select %eq3A_239, %iota3A, %broadcast_in_dim3A_241 : vector<256x4096xi1>, vector<256x4096xi32>
    %reduce_min3A_243 = arith.constant dense<2147483647> : vector<256xi32>
    %reduce_min3A_244 = vector.multi_reduction <minsi>, %select_n3A_242, %reduce_min3A_243 [1] : vector<256x4096xi32> to vector<256xi32>
    %swap3A_245 = arith.constant 0 : index
    %swap3A_246 = arith.constant 9 : index
    %swap3A_247 = arith.constant 0 : index
    %swap3A_248 = vector.load %arg5[%swap3A_245, %swap3A_246, %swap3A_247] : memref<1x16x256xi32, #tpu.memory_space<vmem>>, vector<1x1x256xi32>
    %swap3A_249 = vector.shape_cast %swap3A_248 : vector<1x1x256xi32> to vector<256xi32>
    %swap3A_250 = vector.shape_cast %reduce_min3A_244 : vector<256xi32> to vector<1x1x256xi32>
    tpu.vector_store %arg5[%swap3A_245, %swap3A_246, %swap3A_247], %swap3A_250 {strides = array<i32>} : memref<1x16x256xi32, #tpu.memory_space<vmem>>, vector<1x1x256xi32>,
    return
  }
  func.func @transform_0(%arg0: i32, %arg1: i32) -> (i32, i32, i32) {
    %c0_i32 = arith.constant 0 : i32
    %c0_i32_0 = arith.constant 0 : i32
    %c0_i32_1 = arith.constant 0 : i32
    return %arg0, %c0_i32, %c0_i32_0 : i32, i32, i32
  }
  func.func @transform_1(%arg0: i32, %arg1: i32) -> (i32, i32, i32) {
    %c0_i32 = arith.constant 0 : i32
    %c0_i32_0 = arith.constant 0 : i32
    return %arg0, %arg1, %c0_i32 : i32, i32, i32
  }
  func.func @transform_2(%arg0: i32, %arg1: i32) -> (i32, i32, i32) {
    %c0_i32 = arith.constant 0 : i32
    %c0_i32_0 = arith.constant 0 : i32
    %c0_i32_1 = arith.constant 0 : i32
    return %arg0, %c0_i32, %c0_i32_0 : i32, i32, i32
  }
  func.func @transform_3(%arg0: i32, %arg1: i32) -> (i32, i32, i32) {
    %c0_i32 = arith.constant 0 : i32
    %c0_i32_0 = arith.constant 0 : i32
    return %arg0, %c0_i32, %arg1 : i32, i32, i32
  }
}

module attributes {stable_mosaic.version = 14 : i64} {
  func.func @body(%arg0: i32, %arg1: memref<512x10x64xf32, #tpu.memory_space<vmem>>, %arg2: memref<512x64xf32, #tpu.memory_space<vmem>>, %arg3: memref<128x64xbf16, #tpu.memory_space<vmem>>, %arg4: memref<512x10x64xf32, #tpu.memory_space<vmem>>, %arg5: memref<1x8x64xf32, #tpu.memory_space<vmem>>) attributes {dimension_semantics = [#tpu.dimension_semantics<parallel>], iteration_bounds = array<i64: 32>, scalar_prefetch = 0 : i64, scratch_operands = 0 : i64, tpu.core_type = #tpu.core_type<tc>, window_params = [{transform_indices = @transform_0, window_bounds = array<i64: 512, 10, 64>}, {transform_indices = @transform_1, window_bounds = array<i64: 512, 64>}, {pipeline_mode = #tpu.pipeline_mode<synchronous>, transform_indices = @transform_2, window_bounds = array<i64: 128, 64>}, {transform_indices = @transform_3, window_bounds = array<i64: 512, 10, 64>}, {transform_indices = @transform_4, window_bounds = array<i64: 1, 8, 64>}]} {
    %get3A = arith.constant 0 : index
    %get3A_0 = arith.constant 0 : index
    %get3A_1 = vector.load %arg2[%get3A, %get3A_0] : memref<512x64xf32, #tpu.memory_space<vmem>>, vector<512x64xf32>
    %get3A_2 = arith.constant 0 : index
    %get3A_3 = arith.constant 0 : index
    %get3A_4 = arith.constant 0 : index
    %get3A_5 = vector.load %arg1[%get3A_2, %get3A_3, %get3A_4] : memref<512x10x64xf32, #tpu.memory_space<vmem>>, vector<512x10x64xf32>
    %broadcast_in_dim3A = vector.shape_cast %get3A_1 : vector<512x64xf32> to vector<512x1x64xf32>
    %sub3A = vector.broadcast %broadcast_in_dim3A : vector<512x1x64xf32> to vector<512x10x64xf32>
    %sub3A_6 = arith.subf %get3A_5, %sub3A : vector<512x10x64xf32>
    %broadcast_in_dim3A_7 = vector.shape_cast %get3A_1 : vector<512x64xf32> to vector<512x1x64xf32>
    %broadcast_in_dim3A_8 = vector.shape_cast %broadcast_in_dim3A_7 : vector<512x1x64xf32> to vector<512x1x64xf32>
    %broadcast_in_dim3A_9 = vector.broadcast %broadcast_in_dim3A_8 : vector<512x1x64xf32> to vector<512x10x64xf32>
    %concatenate3A = tpu.concatenate %sub3A_6, %broadcast_in_dim3A_9 in 2 : vector<512x10x64xf32>, vector<512x10x64xf32> -> vector<512x10x128xf32>
    %convert_element_type3A = arith.truncf %concatenate3A : vector<512x10x128xf32> to vector<512x10x128xbf16>
    %reshape3A = vector.shape_cast %convert_element_type3A : vector<512x10x128xbf16> to vector<5120x128xbf16>
    %get3A_10 = arith.constant 0 : index
    %get3A_11 = arith.constant 0 : index
    %get3A_12 = vector.load %arg3[%get3A_10, %get3A_11] : memref<128x64xbf16, #tpu.memory_space<vmem>>, vector<128x64xbf16>
    %dot_general3A = arith.constant dense<0.000000e+00> : vector<5120x64xf32>
    %dot_general3A_13 = tpu.matmul %reshape3A, %get3A_12, %dot_general3A {dimension_numbers = #tpu.dot_dimension_numbers<[1], [0], [0], [1], [0, 0, 1, 1], [], []>, transpose_lhs_hint = false} : vector<5120x128xbf16>, vector<128x64xbf16>, vector<5120x64xf32> -> vector<5120x64xf32>
    %reshape3A_14 = vector.shape_cast %dot_general3A_13 : vector<5120x64xf32> to vector<512x10x64xf32>
    %swap3A = arith.constant 0 : index
    %swap3A_15 = arith.constant 0 : index
    %swap3A_16 = arith.constant 0 : index
    %swap3A_17 = vector.load %arg4[%swap3A, %swap3A_15, %swap3A_16] : memref<512x10x64xf32, #tpu.memory_space<vmem>>, vector<512x10x64xf32>
    tpu.vector_store %arg4[%swap3A, %swap3A_15, %swap3A_16], %reshape3A_14 {strides = array<i32>} : memref<512x10x64xf32, #tpu.memory_space<vmem>>, vector<512x10x64xf32>,
    %reduce_sum3A = arith.constant dense<0.000000e+00> : vector<64xf32>
    %reduce_sum3A_18 = vector.multi_reduction <add>, %dot_general3A_13, %reduce_sum3A [0] : vector<5120x64xf32> to vector<64xf32>
    %iota3A = tpu.iota {dimensions = array<i32: 0>} : vector<8x64xi32>
    %eq3A = arith.constant 0 : i32
    %eq3A_19 = vector.broadcast %eq3A : i32 to vector<8x64xi32>
    %eq3A_20 = arith.cmpi eq, %iota3A, %eq3A_19 : vector<8x64xi32>
    %broadcast_in_dim3A_21 = vector.shape_cast %reduce_sum3A_18 : vector<64xf32> to vector<1x64xf32>
    %jit3A = arith.constant 0.000000e+00 : f32
    %broadcast_in_dim3A_22 = vector.shape_cast %broadcast_in_dim3A_21 : vector<1x64xf32> to vector<1x64xf32>
    %broadcast_in_dim3A_23 = vector.broadcast %broadcast_in_dim3A_22 : vector<1x64xf32> to vector<8x64xf32>
    %broadcast_in_dim3A_24 = vector.broadcast %jit3A : f32 to vector<8x64xf32>
    %select_n3A = arith.select %eq3A_20, %broadcast_in_dim3A_23, %broadcast_in_dim3A_24 : vector<8x64xi1>, vector<8x64xf32>
    %broadcast_in_dim3A_25 = vector.shape_cast %select_n3A : vector<8x64xf32> to vector<1x8x64xf32>
    %swap3A_26 = arith.constant 0 : index
    %swap3A_27 = arith.constant 0 : index
    %swap3A_28 = arith.constant 0 : index
    %swap3A_29 = vector.load %arg5[%swap3A_26, %swap3A_27, %swap3A_28] : memref<1x8x64xf32, #tpu.memory_space<vmem>>, vector<1x8x64xf32>
    tpu.vector_store %arg5[%swap3A_26, %swap3A_27, %swap3A_28], %broadcast_in_dim3A_25 {strides = array<i32>} : memref<1x8x64xf32, #tpu.memory_space<vmem>>, vector<1x8x64xf32>,
    return
  }
  func.func @transform_0(%arg0: i32) -> (i32, i32, i32) {
    %c0_i32 = arith.constant 0 : i32
    %c0_i32_0 = arith.constant 0 : i32
    %c0_i32_1 = arith.constant 0 : i32
    return %arg0, %c0_i32, %c0_i32_0 : i32, i32, i32
  }
  func.func @transform_1(%arg0: i32) -> (i32, i32) {
    %c0_i32 = arith.constant 0 : i32
    %c0_i32_0 = arith.constant 0 : i32
    return %arg0, %c0_i32 : i32, i32
  }
  func.func @transform_2(%arg0: i32) -> (i32, i32) {
    %c0_i32 = arith.constant 0 : i32
    %c0_i32_0 = arith.constant 0 : i32
    %c0_i32_1 = arith.constant 0 : i32
    return %c0_i32, %c0_i32_0 : i32, i32
  }
  func.func @transform_3(%arg0: i32) -> (i32, i32, i32) {
    %c0_i32 = arith.constant 0 : i32
    %c0_i32_0 = arith.constant 0 : i32
    %c0_i32_1 = arith.constant 0 : i32
    return %arg0, %c0_i32, %c0_i32_0 : i32, i32, i32
  }
  func.func @transform_4(%arg0: i32) -> (i32, i32, i32) {
    %c0_i32 = arith.constant 0 : i32
    %c0_i32_0 = arith.constant 0 : i32
    %c0_i32_1 = arith.constant 0 : i32
    return %arg0, %c0_i32, %c0_i32_0 : i32, i32, i32
  }
}

module attributes {stable_mosaic.version = 14 : i64} {
  func.func @body(%arg0: i32, %arg1: i32, %arg2: memref<512x64xf32, #tpu.memory_space<vmem>>, %arg3: memref<512x64xf32, #tpu.memory_space<vmem>>, %arg4: memref<512x64xf32, #tpu.memory_space<vmem>>, %arg5: memref<192x1024xbf16, #tpu.memory_space<vmem>>, %arg6: memref<8x1024xf32, #tpu.memory_space<vmem>>, %arg7: memref<1x1x1024xf32, #tpu.memory_space<vmem>>) attributes {dimension_semantics = [#tpu.dimension_semantics<arbitrary>, #tpu.dimension_semantics<arbitrary>], iteration_bounds = array<i64: 4, 8>, scalar_prefetch = 0 : i64, scratch_operands = 0 : i64, tpu.core_type = #tpu.core_type<tc>, window_params = [{transform_indices = @transform_0, window_bounds = array<i64: 512, 64>}, {transform_indices = @transform_1, window_bounds = array<i64: 512, 64>}, {transform_indices = @transform_2, window_bounds = array<i64: 512, 64>}, {pipeline_mode = #tpu.pipeline_mode<synchronous>, transform_indices = @transform_3, window_bounds = array<i64: 192, 1024>}, {pipeline_mode = #tpu.pipeline_mode<synchronous>, transform_indices = @transform_4, window_bounds = array<i64: 8, 1024>}, {transform_indices = @transform_5, window_bounds = array<i64: 1, 1, 1024>}]} {
    %get3A = arith.constant 0 : index
    %get3A_0 = arith.constant 0 : index
    %get3A_1 = vector.load %arg2[%get3A, %get3A_0] : memref<512x64xf32, #tpu.memory_space<vmem>>, vector<512x64xf32>
    %get3A_2 = arith.constant 0 : index
    %get3A_3 = arith.constant 0 : index
    %get3A_4 = vector.load %arg3[%get3A_2, %get3A_3] : memref<512x64xf32, #tpu.memory_space<vmem>>, vector<512x64xf32>
    %get3A_5 = arith.constant 0 : index
    %get3A_6 = arith.constant 0 : index
    %get3A_7 = vector.load %arg4[%get3A_5, %get3A_6] : memref<512x64xf32, #tpu.memory_space<vmem>>, vector<512x64xf32>
    %concatenate3A = tpu.concatenate %get3A_1, %get3A_4, %get3A_7 in 1 : vector<512x64xf32>, vector<512x64xf32>, vector<512x64xf32> -> vector<512x192xf32>
    %convert_element_type3A = arith.truncf %concatenate3A : vector<512x192xf32> to vector<512x192xbf16>
    %get3A_8 = arith.constant 0 : index
    %get3A_9 = arith.constant 0 : index
    %get3A_10 = vector.load %arg5[%get3A_8, %get3A_9] : memref<192x1024xbf16, #tpu.memory_space<vmem>>, vector<192x1024xbf16>
    %dot_general3A = arith.constant dense<0.000000e+00> : vector<512x1024xf32>
    %dot_general3A_11 = tpu.matmul %convert_element_type3A, %get3A_10, %dot_general3A {dimension_numbers = #tpu.dot_dimension_numbers<[1], [0], [0], [1], [0, 0, 1, 1], [], []>, transpose_lhs_hint = false} : vector<512x192xbf16>, vector<192x1024xbf16>, vector<512x1024xf32> -> vector<512x1024xf32>
    %eq3A = arith.constant 0 : i32
    %eq3A_12 = arith.cmpi eq, %arg0, %eq3A : i32
    %eq3A_13 = arith.constant 0 : i32
    %eq3A_14 = arith.cmpi eq, %arg1, %eq3A_13 : i32
    %and3A = arith.andi %eq3A_12, %eq3A_14 : i1
    %reduce_sum3A = arith.constant dense<0.000000e+00> : vector<1024xf32>
    %reduce_sum3A_15 = vector.multi_reduction <add>, %dot_general3A_11, %reduce_sum3A [0] : vector<512x1024xf32> to vector<1024xf32>
    %mul3A = arith.mulf %dot_general3A_11, %dot_general3A_11 : vector<512x1024xf32>
    %reduce_sum3A_16 = arith.constant dense<0.000000e+00> : vector<1024xf32>
    %reduce_sum3A_17 = vector.multi_reduction <add>, %mul3A, %reduce_sum3A_16 [0] : vector<512x1024xf32> to vector<1024xf32>
    %iota3A = tpu.iota {dimensions = array<i32: 0>} : vector<8x1024xi32>
    %eq3A_18 = arith.constant 0 : i32
    %eq3A_19 = vector.broadcast %eq3A_18 : i32 to vector<8x1024xi32>
    %eq3A_20 = arith.cmpi eq, %iota3A, %eq3A_19 : vector<8x1024xi32>
    %broadcast_in_dim3A = vector.shape_cast %reduce_sum3A_15 : vector<1024xf32> to vector<1x1024xf32>
    %jit3A = arith.constant 0.000000e+00 : f32
    %broadcast_in_dim3A_21 = vector.shape_cast %broadcast_in_dim3A : vector<1x1024xf32> to vector<1x1024xf32>
    %broadcast_in_dim3A_22 = vector.broadcast %broadcast_in_dim3A_21 : vector<1x1024xf32> to vector<8x1024xf32>
    %broadcast_in_dim3A_23 = vector.broadcast %jit3A : f32 to vector<8x1024xf32>
    %select_n3A = arith.select %eq3A_20, %broadcast_in_dim3A_22, %broadcast_in_dim3A_23 : vector<8x1024xi1>, vector<8x1024xf32>
    %eq3A_24 = arith.constant 1 : i32
    %eq3A_25 = vector.broadcast %eq3A_24 : i32 to vector<8x1024xi32>
    %eq3A_26 = arith.cmpi eq, %iota3A, %eq3A_25 : vector<8x1024xi32>
    %broadcast_in_dim3A_27 = vector.shape_cast %reduce_sum3A_17 : vector<1024xf32> to vector<1x1024xf32>
    %jit3A_28 = arith.constant 0.000000e+00 : f32
    %broadcast_in_dim3A_29 = vector.shape_cast %broadcast_in_dim3A_27 : vector<1x1024xf32> to vector<1x1024xf32>
    %broadcast_in_dim3A_30 = vector.broadcast %broadcast_in_dim3A_29 : vector<1x1024xf32> to vector<8x1024xf32>
    %broadcast_in_dim3A_31 = vector.broadcast %jit3A_28 : f32 to vector<8x1024xf32>
    %select_n3A_32 = arith.select %eq3A_26, %broadcast_in_dim3A_30, %broadcast_in_dim3A_31 : vector<8x1024xi1>, vector<8x1024xf32>
    %add3A = arith.addf %select_n3A, %select_n3A_32 : vector<8x1024xf32>
    %convert_element_type3A_33 = arith.extui %and3A : i1 to i32
    %cond3A = arith.constant 0 : i32
    %cond3A_34 = arith.cmpi ne, %convert_element_type3A_33, %cond3A : i32
    scf.if %cond3A_34 {
      %broadcast_in_dim3A_52 = arith.constant 0.000000e+00 : f32
      %broadcast_in_dim3A_53 = vector.broadcast %broadcast_in_dim3A_52 : f32 to vector<8x1024xf32>
      %swap3A_54 = arith.constant 0 : index
      %swap3A_55 = arith.constant 0 : index
      %swap3A_56 = vector.load %arg6[%swap3A_54, %swap3A_55] : memref<8x1024xf32, #tpu.memory_space<vmem>>, vector<8x1024xf32>
      tpu.vector_store %arg6[%swap3A_54, %swap3A_55], %broadcast_in_dim3A_53 {strides = array<i32>} : memref<8x1024xf32, #tpu.memory_space<vmem>>, vector<8x1024xf32>,
    } else {
    }
    %get3A_35 = arith.constant 0 : index
    %get3A_36 = arith.constant 0 : index
    %get3A_37 = vector.load %arg6[%get3A_35, %get3A_36] : memref<8x1024xf32, #tpu.memory_space<vmem>>, vector<8x1024xf32>
    %add3A_38 = arith.addf %get3A_37, %add3A : vector<8x1024xf32>
    %swap3A = arith.constant 0 : index
    %swap3A_39 = arith.constant 0 : index
    %swap3A_40 = vector.load %arg6[%swap3A, %swap3A_39] : memref<8x1024xf32, #tpu.memory_space<vmem>>, vector<8x1024xf32>
    tpu.vector_store %arg6[%swap3A, %swap3A_39], %add3A_38 {strides = array<i32>} : memref<8x1024xf32, #tpu.memory_space<vmem>>, vector<8x1024xf32>,
    %reduce_max3A = arith.constant dense<0xFF800000> : vector<1024xf32>
    %reduce_max3A_41 = vector.multi_reduction <maximumf>, %dot_general3A_11, %reduce_max3A [0] : vector<512x1024xf32> to vector<1024xf32>
    %broadcast_in_dim3A_42 = vector.shape_cast %reduce_max3A_41 : vector<1024xf32> to vector<1x1x1024xf32>
    %eq3A_43 = arith.constant 0 : i32
    %eq3A_44 = arith.cmpi eq, %arg1, %eq3A_43 : i32
    %convert_element_type3A_45 = arith.extui %eq3A_44 : i1 to i32
    %cond3A_46 = arith.constant 0 : i32
    %cond3A_47 = arith.cmpi ne, %convert_element_type3A_45, %cond3A_46 : i32
    scf.if %cond3A_47 {
      %swap3A_52 = arith.constant 0 : index
      %swap3A_53 = arith.constant 0 : index
      %swap3A_54 = arith.constant 0 : index
      %swap3A_55 = vector.load %arg7[%swap3A_52, %swap3A_53, %swap3A_54] : memref<1x1x1024xf32, #tpu.memory_space<vmem>>, vector<1x1x1024xf32>
      tpu.vector_store %arg7[%swap3A_52, %swap3A_53, %swap3A_54], %broadcast_in_dim3A_42 {strides = array<i32>} : memref<1x1x1024xf32, #tpu.memory_space<vmem>>, vector<1x1x1024xf32>,
    } else {
    }
    %gt3A = arith.constant 0 : i32
    %gt3A_48 = arith.cmpi sgt, %arg1, %gt3A : i32
    %convert_element_type3A_49 = arith.extui %gt3A_48 : i1 to i32
    %cond3A_50 = arith.constant 0 : i32
    %cond3A_51 = arith.cmpi ne, %convert_element_type3A_49, %cond3A_50 : i32
    scf.if %cond3A_51 {
      %get3A_52 = arith.constant 0 : index
      %get3A_53 = arith.constant 0 : index
      %get3A_54 = arith.constant 0 : index
      %get3A_55 = vector.load %arg7[%get3A_52, %get3A_53, %get3A_54] : memref<1x1x1024xf32, #tpu.memory_space<vmem>>, vector<1x1x1024xf32>
      %max3A = arith.maximumf %get3A_55, %broadcast_in_dim3A_42 : vector<1x1x1024xf32>
      %swap3A_56 = arith.constant 0 : index
      %swap3A_57 = arith.constant 0 : index
      %swap3A_58 = arith.constant 0 : index
      %swap3A_59 = vector.load %arg7[%swap3A_56, %swap3A_57, %swap3A_58] : memref<1x1x1024xf32, #tpu.memory_space<vmem>>, vector<1x1x1024xf32>
      tpu.vector_store %arg7[%swap3A_56, %swap3A_57, %swap3A_58], %max3A {strides = array<i32>} : memref<1x1x1024xf32, #tpu.memory_space<vmem>>, vector<1x1x1024xf32>,
    } else {
    }
    return
  }
  func.func @transform_0(%arg0: i32, %arg1: i32) -> (i32, i32) {
    %mul3A = arith.constant 8 : i32
    %mul3A_0 = arith.muli %arg0, %mul3A : i32
    %add3A = arith.addi %mul3A_0, %arg1 : i32
    %c0_i32 = arith.constant 0 : i32
    %c0_i32_1 = arith.constant 0 : i32
    return %add3A, %c0_i32 : i32, i32
  }
  func.func @transform_1(%arg0: i32, %arg1: i32) -> (i32, i32) {
    %mul3A = arith.constant 8 : i32
    %mul3A_0 = arith.muli %arg0, %mul3A : i32
    %add3A = arith.addi %mul3A_0, %arg1 : i32
    %c0_i32 = arith.constant 0 : i32
    %c0_i32_1 = arith.constant 0 : i32
    return %add3A, %c0_i32 : i32, i32
  }
  func.func @transform_2(%arg0: i32, %arg1: i32) -> (i32, i32) {
    %mul3A = arith.constant 8 : i32
    %mul3A_0 = arith.muli %arg0, %mul3A : i32
    %add3A = arith.addi %mul3A_0, %arg1 : i32
    %c0_i32 = arith.constant 0 : i32
    %c0_i32_1 = arith.constant 0 : i32
    return %add3A, %c0_i32 : i32, i32
  }
  func.func @transform_3(%arg0: i32, %arg1: i32) -> (i32, i32) {
    %c0_i32 = arith.constant 0 : i32
    %c0_i32_0 = arith.constant 0 : i32
    %c0_i32_1 = arith.constant 0 : i32
    return %c0_i32, %c0_i32_0 : i32, i32
  }
  func.func @transform_4(%arg0: i32, %arg1: i32) -> (i32, i32) {
    %c0_i32 = arith.constant 0 : i32
    %c0_i32_0 = arith.constant 0 : i32
    %c0_i32_1 = arith.constant 0 : i32
    return %c0_i32, %c0_i32_0 : i32, i32
  }
  func.func @transform_5(%arg0: i32, %arg1: i32) -> (i32, i32, i32) {
    %c0_i32 = arith.constant 0 : i32
    %c0_i32_0 = arith.constant 0 : i32
    %c0_i32_1 = arith.constant 0 : i32
    return %arg0, %c0_i32, %c0_i32_0 : i32, i32, i32
  }
}

module attributes {stable_mosaic.version = 14 : i64} {
  func.func @body(%arg0: memref<8x1024xf32, #tpu.memory_space<vmem>>, %arg1: memref<1x1024xf32, #tpu.memory_space<vmem>>, %arg2: memref<1x1024xf32, #tpu.memory_space<vmem>>, %arg3: memref<1x1024xf32, #tpu.memory_space<vmem>>, %arg4: memref<1x1024xf32, #tpu.memory_space<vmem>>, %arg5: memref<8x16xf32, #tpu.memory_space<vmem>>, %arg6: memref<16x64xbf16, #tpu.memory_space<vmem>>, %arg7: memref<1x64xf32, #tpu.memory_space<vmem>>, %arg8: memref<1x64xf32, #tpu.memory_space<vmem>>, %arg9: memref<1024x256xbf16, #tpu.memory_space<vmem>>, %arg10: memref<64x256xbf16, #tpu.memory_space<vmem>>, %arg11: memref<8x256xf32, #tpu.memory_space<vmem>>) attributes {dimension_semantics = [], scalar_prefetch = 0 : i64, scratch_operands = 0 : i64, tpu.core_type = #tpu.core_type<tc>} {
    %get3A = arith.constant 0 : index
    %get3A_0 = arith.constant 0 : index
    %get3A_1 = vector.load %arg0[%get3A, %get3A_0] : memref<8x1024xf32, #tpu.memory_space<vmem>>, vector<8x1024xf32>
    %get3A_2 = arith.constant 0 : index
    %get3A_3 = arith.constant 0 : index
    %get3A_4 = vector.load %arg1[%get3A_2, %get3A_3] : memref<1x1024xf32, #tpu.memory_space<vmem>>, vector<1x1024xf32>
    %get3A_5 = vector.shape_cast %get3A_4 : vector<1x1024xf32> to vector<1024xf32>
    %get3A_6 = arith.constant 0 : index
    %get3A_7 = arith.constant 0 : index
    %get3A_8 = vector.load %arg2[%get3A_6, %get3A_7] : memref<1x1024xf32, #tpu.memory_space<vmem>>, vector<1x1024xf32>
    %get3A_9 = vector.shape_cast %get3A_8 : vector<1x1024xf32> to vector<1024xf32>
    %get3A_10 = arith.constant 0 : index
    %get3A_11 = arith.constant 0 : index
    %get3A_12 = vector.load %arg3[%get3A_10, %get3A_11] : memref<1x1024xf32, #tpu.memory_space<vmem>>, vector<1x1024xf32>
    %get3A_13 = vector.shape_cast %get3A_12 : vector<1x1024xf32> to vector<1024xf32>
    %get3A_14 = arith.constant 0 : index
    %get3A_15 = arith.constant 0 : index
    %get3A_16 = vector.load %arg4[%get3A_14, %get3A_15] : memref<1x1024xf32, #tpu.memory_space<vmem>>, vector<1x1024xf32>
    %get3A_17 = vector.shape_cast %get3A_16 : vector<1x1024xf32> to vector<1024xf32>
    %broadcast_in_dim3A = vector.shape_cast %get3A_13 : vector<1024xf32> to vector<1x1024xf32>
    %sub3A = vector.broadcast %broadcast_in_dim3A : vector<1x1024xf32> to vector<8x1024xf32>
    %sub3A_18 = arith.subf %get3A_1, %sub3A : vector<8x1024xf32>
    %broadcast_in_dim3A_19 = vector.shape_cast %get3A_5 : vector<1024xf32> to vector<1x1024xf32>
    %mul3A = vector.broadcast %broadcast_in_dim3A_19 : vector<1x1024xf32> to vector<8x1024xf32>
    %mul3A_20 = arith.mulf %mul3A, %sub3A_18 : vector<8x1024xf32>
    %add3A = arith.constant 9.99999974E-6 : f32
    %add3A_21 = vector.broadcast %add3A : f32 to vector<1024xf32>
    %add3A_22 = arith.addf %get3A_17, %add3A_21 : vector<1024xf32>
    %sqrt3A = math.sqrt %add3A_22 : vector<1024xf32>
    %broadcast_in_dim3A_23 = vector.shape_cast %sqrt3A : vector<1024xf32> to vector<1x1024xf32>
    %div3A = vector.broadcast %broadcast_in_dim3A_23 : vector<1x1024xf32> to vector<8x1024xf32>
    %div3A_24 = arith.divf %mul3A_20, %div3A : vector<8x1024xf32>
    %broadcast_in_dim3A_25 = vector.shape_cast %get3A_9 : vector<1024xf32> to vector<1x1024xf32>
    %add3A_26 = vector.broadcast %broadcast_in_dim3A_25 : vector<1x1024xf32> to vector<8x1024xf32>
    %add3A_27 = arith.addf %div3A_24, %add3A_26 : vector<8x1024xf32>
    %jit3A = arith.constant 2.000000e-01 : f32
    %ge3A = arith.constant 0.000000e+00 : f32
    %ge3A_28 = vector.broadcast %ge3A : f32 to vector<8x1024xf32>
    %ge3A_29 = arith.cmpf oge, %add3A_27, %ge3A_28 : vector<8x1024xf32>
    %mul3A_30 = vector.broadcast %jit3A : f32 to vector<8x1024xf32>
    %mul3A_31 = arith.mulf %mul3A_30, %add3A_27 : vector<8x1024xf32>
    %select_n3A = arith.select %ge3A_29, %add3A_27, %mul3A_31 : vector<8x1024xi1>, vector<8x1024xf32>
    %get3A_32 = arith.constant 0 : index
    %get3A_33 = arith.constant 0 : index
    %get3A_34 = vector.load %arg5[%get3A_32, %get3A_33] : memref<8x16xf32, #tpu.memory_space<vmem>>, vector<8x16xf32>
    %convert_element_type3A = arith.truncf %get3A_34 : vector<8x16xf32> to vector<8x16xbf16>
    %get3A_35 = arith.constant 0 : index
    %get3A_36 = arith.constant 0 : index
    %get3A_37 = vector.load %arg6[%get3A_35, %get3A_36] : memref<16x64xbf16, #tpu.memory_space<vmem>>, vector<16x64xbf16>
    %dot_general3A = arith.constant dense<0.000000e+00> : vector<8x64xf32>
    %dot_general3A_38 = tpu.matmul %convert_element_type3A, %get3A_37, %dot_general3A {dimension_numbers = #tpu.dot_dimension_numbers<[1], [0], [0], [1], [0, 0, 1, 1], [], []>, transpose_lhs_hint = false} : vector<8x16xbf16>, vector<16x64xbf16>, vector<8x64xf32> -> vector<8x64xf32>
    %iota3A = tpu.iota {dimensions = array<i32: 0>} : vector<8x64xi32>
    %lt3A = arith.constant 4 : i32
    %lt3A_39 = vector.broadcast %lt3A : i32 to vector<8x64xi32>
    %lt3A_40 = arith.cmpi slt, %iota3A, %lt3A_39 : vector<8x64xi32>
    %jit3A_41 = arith.constant 0.000000e+00 : f32
    %broadcast_in_dim3A_42 = vector.broadcast %jit3A_41 : f32 to vector<8x64xf32>
    %select_n3A_43 = arith.select %lt3A_40, %dot_general3A_38, %broadcast_in_dim3A_42 : vector<8x64xi1>, vector<8x64xf32>
    %reduce_sum3A = arith.constant dense<0.000000e+00> : vector<64xf32>
    %reduce_sum3A_44 = vector.multi_reduction <add>, %select_n3A_43, %reduce_sum3A [0] : vector<8x64xf32> to vector<64xf32>
    %div3A_45 = arith.constant 4.000000e+00 : f32
    %div3A_46 = vector.broadcast %div3A_45 : f32 to vector<64xf32>
    %div3A_47 = arith.divf %reduce_sum3A_44, %div3A_46 : vector<64xf32>
    %broadcast_in_dim3A_48 = vector.shape_cast %div3A_47 : vector<64xf32> to vector<1x64xf32>
    %sub3A_49 = vector.broadcast %broadcast_in_dim3A_48 : vector<1x64xf32> to vector<8x64xf32>
    %sub3A_50 = arith.subf %dot_general3A_38, %sub3A_49 : vector<8x64xf32>
    %integer_pow3A = arith.mulf %sub3A_50, %sub3A_50 : vector<8x64xf32>
    %jit3A_51 = arith.constant 0.000000e+00 : f32
    %broadcast_in_dim3A_52 = vector.broadcast %jit3A_51 : f32 to vector<8x64xf32>
    %select_n3A_53 = arith.select %lt3A_40, %integer_pow3A, %broadcast_in_dim3A_52 : vector<8x64xi1>, vector<8x64xf32>
    %reduce_sum3A_54 = arith.constant dense<0.000000e+00> : vector<64xf32>
    %reduce_sum3A_55 = vector.multi_reduction <add>, %select_n3A_53, %reduce_sum3A_54 [0] : vector<8x64xf32> to vector<64xf32>
    %div3A_56 = arith.constant 4.000000e+00 : f32
    %div3A_57 = vector.broadcast %div3A_56 : f32 to vector<64xf32>
    %div3A_58 = arith.divf %reduce_sum3A_55, %div3A_57 : vector<64xf32>
    %get3A_59 = arith.constant 0 : index
    %get3A_60 = arith.constant 0 : index
    %get3A_61 = vector.load %arg7[%get3A_59, %get3A_60] : memref<1x64xf32, #tpu.memory_space<vmem>>, vector<1x64xf32>
    %get3A_62 = vector.shape_cast %get3A_61 : vector<1x64xf32> to vector<64xf32>
    %broadcast_in_dim3A_63 = vector.shape_cast %div3A_47 : vector<64xf32> to vector<1x64xf32>
    %sub3A_64 = vector.broadcast %broadcast_in_dim3A_63 : vector<1x64xf32> to vector<8x64xf32>
    %sub3A_65 = arith.subf %dot_general3A_38, %sub3A_64 : vector<8x64xf32>
    %broadcast_in_dim3A_66 = vector.shape_cast %get3A_62 : vector<64xf32> to vector<1x64xf32>
    %mul3A_67 = vector.broadcast %broadcast_in_dim3A_66 : vector<1x64xf32> to vector<8x64xf32>
    %mul3A_68 = arith.mulf %mul3A_67, %sub3A_65 : vector<8x64xf32>
    %broadcast_in_dim3A_69 = vector.shape_cast %div3A_58 : vector<64xf32> to vector<1x64xf32>
    %add3A_70 = arith.constant 9.99999974E-6 : f32
    %add3A_71 = vector.broadcast %add3A_70 : f32 to vector<1x64xf32>
    %add3A_72 = arith.addf %broadcast_in_dim3A_69, %add3A_71 : vector<1x64xf32>
    %sqrt3A_73 = math.sqrt %add3A_72 : vector<1x64xf32>
    %div3A_74 = vector.broadcast %sqrt3A_73 : vector<1x64xf32> to vector<8x64xf32>
    %div3A_75 = arith.divf %mul3A_68, %div3A_74 : vector<8x64xf32>
    %get3A_76 = arith.constant 0 : index
    %get3A_77 = arith.constant 0 : index
    %get3A_78 = vector.load %arg8[%get3A_76, %get3A_77] : memref<1x64xf32, #tpu.memory_space<vmem>>, vector<1x64xf32>
    %get3A_79 = vector.shape_cast %get3A_78 : vector<1x64xf32> to vector<64xf32>
    %broadcast_in_dim3A_80 = vector.shape_cast %get3A_79 : vector<64xf32> to vector<1x64xf32>
    %add3A_81 = vector.broadcast %broadcast_in_dim3A_80 : vector<1x64xf32> to vector<8x64xf32>
    %add3A_82 = arith.addf %div3A_75, %add3A_81 : vector<8x64xf32>
    %jit3A_83 = arith.constant 2.000000e-01 : f32
    %ge3A_84 = arith.constant 0.000000e+00 : f32
    %ge3A_85 = vector.broadcast %ge3A_84 : f32 to vector<8x64xf32>
    %ge3A_86 = arith.cmpf oge, %add3A_82, %ge3A_85 : vector<8x64xf32>
    %mul3A_87 = vector.broadcast %jit3A_83 : f32 to vector<8x64xf32>
    %mul3A_88 = arith.mulf %mul3A_87, %add3A_82 : vector<8x64xf32>
    %select_n3A_89 = arith.select %ge3A_86, %add3A_82, %mul3A_88 : vector<8x64xi1>, vector<8x64xf32>
    %convert_element_type3A_90 = arith.truncf %select_n3A : vector<8x1024xf32> to vector<8x1024xbf16>
    %get3A_91 = arith.constant 0 : index
    %get3A_92 = arith.constant 0 : index
    %get3A_93 = vector.load %arg9[%get3A_91, %get3A_92] : memref<1024x256xbf16, #tpu.memory_space<vmem>>, vector<1024x256xbf16>
    %dot_general3A_94 = arith.constant dense<0.000000e+00> : vector<8x256xf32>
    %dot_general3A_95 = tpu.matmul %convert_element_type3A_90, %get3A_93, %dot_general3A_94 {dimension_numbers = #tpu.dot_dimension_numbers<[1], [0], [0], [1], [0, 0, 1, 1], [], []>, transpose_lhs_hint = false} : vector<8x1024xbf16>, vector<1024x256xbf16>, vector<8x256xf32> -> vector<8x256xf32>
    %convert_element_type3A_96 = arith.truncf %select_n3A_89 : vector<8x64xf32> to vector<8x64xbf16>
    %get3A_97 = arith.constant 0 : index
    %get3A_98 = arith.constant 0 : index
    %get3A_99 = vector.load %arg10[%get3A_97, %get3A_98] : memref<64x256xbf16, #tpu.memory_space<vmem>>, vector<64x256xbf16>
    %dot_general3A_100 = arith.constant dense<0.000000e+00> : vector<8x256xf32>
    %dot_general3A_101 = tpu.matmul %convert_element_type3A_96, %get3A_99, %dot_general3A_100 {dimension_numbers = #tpu.dot_dimension_numbers<[1], [0], [0], [1], [0, 0, 1, 1], [], []>, transpose_lhs_hint = false} : vector<8x64xbf16>, vector<64x256xbf16>, vector<8x256xf32> -> vector<8x256xf32>
    %add3A_102 = arith.addf %dot_general3A_95, %dot_general3A_101 : vector<8x256xf32>
    %swap3A = arith.constant 0 : index
    %swap3A_103 = arith.constant 0 : index
    %swap3A_104 = vector.load %arg11[%swap3A, %swap3A_103] : memref<8x256xf32, #tpu.memory_space<vmem>>, vector<8x256xf32>
    tpu.vector_store %arg11[%swap3A, %swap3A_103], %add3A_102 {strides = array<i32>} : memref<8x256xf32, #tpu.memory_space<vmem>>, vector<8x256xf32>,
    return
  }
}

module attributes {stable_mosaic.version = 14 : i64} {
  func.func @body(%arg0: i32, %arg1: i32, %arg2: memref<512x64xf32, #tpu.memory_space<vmem>>, %arg3: memref<512x64xf32, #tpu.memory_space<vmem>>, %arg4: memref<512x64xf32, #tpu.memory_space<vmem>>, %arg5: memref<192x256xbf16, #tpu.memory_space<vmem>>, %arg6: memref<1x1x256xf32, #tpu.memory_space<vmem>>, %arg7: memref<512x256xf32, #tpu.memory_space<vmem>>, %arg8: memref<8x256xf32, #tpu.memory_space<vmem>>) attributes {dimension_semantics = [#tpu.dimension_semantics<arbitrary>, #tpu.dimension_semantics<arbitrary>], iteration_bounds = array<i64: 4, 8>, scalar_prefetch = 0 : i64, scratch_operands = 0 : i64, tpu.core_type = #tpu.core_type<tc>, window_params = [{transform_indices = @transform_0, window_bounds = array<i64: 512, 64>}, {transform_indices = @transform_1, window_bounds = array<i64: 512, 64>}, {transform_indices = @transform_2, window_bounds = array<i64: 512, 64>}, {pipeline_mode = #tpu.pipeline_mode<synchronous>, transform_indices = @transform_3, window_bounds = array<i64: 192, 256>}, {transform_indices = @transform_4, window_bounds = array<i64: 1, 1, 256>}, {transform_indices = @transform_5, window_bounds = array<i64: 512, 256>}, {pipeline_mode = #tpu.pipeline_mode<synchronous>, transform_indices = @transform_6, window_bounds = array<i64: 8, 256>}]} {
    %get3A = arith.constant 0 : index
    %get3A_0 = arith.constant 0 : index
    %get3A_1 = vector.load %arg2[%get3A, %get3A_0] : memref<512x64xf32, #tpu.memory_space<vmem>>, vector<512x64xf32>
    %get3A_2 = arith.constant 0 : index
    %get3A_3 = arith.constant 0 : index
    %get3A_4 = vector.load %arg3[%get3A_2, %get3A_3] : memref<512x64xf32, #tpu.memory_space<vmem>>, vector<512x64xf32>
    %get3A_5 = arith.constant 0 : index
    %get3A_6 = arith.constant 0 : index
    %get3A_7 = vector.load %arg4[%get3A_5, %get3A_6] : memref<512x64xf32, #tpu.memory_space<vmem>>, vector<512x64xf32>
    %concatenate3A = tpu.concatenate %get3A_1, %get3A_4, %get3A_7 in 1 : vector<512x64xf32>, vector<512x64xf32>, vector<512x64xf32> -> vector<512x192xf32>
    %convert_element_type3A = arith.truncf %concatenate3A : vector<512x192xf32> to vector<512x192xbf16>
    %get3A_8 = arith.constant 0 : index
    %get3A_9 = arith.constant 0 : index
    %get3A_10 = vector.load %arg5[%get3A_8, %get3A_9] : memref<192x256xbf16, #tpu.memory_space<vmem>>, vector<192x256xbf16>
    %dot_general3A = arith.constant dense<0.000000e+00> : vector<512x256xf32>
    %dot_general3A_11 = tpu.matmul %convert_element_type3A, %get3A_10, %dot_general3A {dimension_numbers = #tpu.dot_dimension_numbers<[1], [0], [0], [1], [0, 0, 1, 1], [], []>, transpose_lhs_hint = false} : vector<512x192xbf16>, vector<192x256xbf16>, vector<512x256xf32> -> vector<512x256xf32>
    %get3A_12 = arith.constant 0 : index
    %get3A_13 = arith.constant 0 : index
    %get3A_14 = arith.constant 0 : index
    %get3A_15 = vector.load %arg6[%get3A_12, %get3A_13, %get3A_14] : memref<1x1x256xf32, #tpu.memory_space<vmem>>, vector<1x1x256xf32>
    %get3A_16 = vector.shape_cast %get3A_15 : vector<1x1x256xf32> to vector<1x256xf32>
    %add3A = vector.broadcast %get3A_16 : vector<1x256xf32> to vector<512x256xf32>
    %add3A_17 = arith.addf %dot_general3A_11, %add3A : vector<512x256xf32>
    %swap3A = arith.constant 0 : index
    %swap3A_18 = arith.constant 0 : index
    %swap3A_19 = vector.load %arg7[%swap3A, %swap3A_18] : memref<512x256xf32, #tpu.memory_space<vmem>>, vector<512x256xf32>
    tpu.vector_store %arg7[%swap3A, %swap3A_18], %add3A_17 {strides = array<i32>} : memref<512x256xf32, #tpu.memory_space<vmem>>, vector<512x256xf32>,
    %eq3A = arith.constant 0 : i32
    %eq3A_20 = arith.cmpi eq, %arg0, %eq3A : i32
    %eq3A_21 = arith.constant 0 : i32
    %eq3A_22 = arith.cmpi eq, %arg1, %eq3A_21 : i32
    %and3A = arith.andi %eq3A_20, %eq3A_22 : i1
    %reduce_sum3A = arith.constant dense<0.000000e+00> : vector<256xf32>
    %reduce_sum3A_23 = vector.multi_reduction <add>, %add3A_17, %reduce_sum3A [0] : vector<512x256xf32> to vector<256xf32>
    %mul3A = arith.mulf %add3A_17, %add3A_17 : vector<512x256xf32>
    %reduce_sum3A_24 = arith.constant dense<0.000000e+00> : vector<256xf32>
    %reduce_sum3A_25 = vector.multi_reduction <add>, %mul3A, %reduce_sum3A_24 [0] : vector<512x256xf32> to vector<256xf32>
    %iota3A = tpu.iota {dimensions = array<i32: 0>} : vector<8x256xi32>
    %eq3A_26 = arith.constant 0 : i32
    %eq3A_27 = vector.broadcast %eq3A_26 : i32 to vector<8x256xi32>
    %eq3A_28 = arith.cmpi eq, %iota3A, %eq3A_27 : vector<8x256xi32>
    %broadcast_in_dim3A = vector.shape_cast %reduce_sum3A_23 : vector<256xf32> to vector<1x256xf32>
    %jit3A = arith.constant 0.000000e+00 : f32
    %broadcast_in_dim3A_29 = vector.shape_cast %broadcast_in_dim3A : vector<1x256xf32> to vector<1x256xf32>
    %broadcast_in_dim3A_30 = vector.broadcast %broadcast_in_dim3A_29 : vector<1x256xf32> to vector<8x256xf32>
    %broadcast_in_dim3A_31 = vector.broadcast %jit3A : f32 to vector<8x256xf32>
    %select_n3A = arith.select %eq3A_28, %broadcast_in_dim3A_30, %broadcast_in_dim3A_31 : vector<8x256xi1>, vector<8x256xf32>
    %eq3A_32 = arith.constant 1 : i32
    %eq3A_33 = vector.broadcast %eq3A_32 : i32 to vector<8x256xi32>
    %eq3A_34 = arith.cmpi eq, %iota3A, %eq3A_33 : vector<8x256xi32>
    %broadcast_in_dim3A_35 = vector.shape_cast %reduce_sum3A_25 : vector<256xf32> to vector<1x256xf32>
    %jit3A_36 = arith.constant 0.000000e+00 : f32
    %broadcast_in_dim3A_37 = vector.shape_cast %broadcast_in_dim3A_35 : vector<1x256xf32> to vector<1x256xf32>
    %broadcast_in_dim3A_38 = vector.broadcast %broadcast_in_dim3A_37 : vector<1x256xf32> to vector<8x256xf32>
    %broadcast_in_dim3A_39 = vector.broadcast %jit3A_36 : f32 to vector<8x256xf32>
    %select_n3A_40 = arith.select %eq3A_34, %broadcast_in_dim3A_38, %broadcast_in_dim3A_39 : vector<8x256xi1>, vector<8x256xf32>
    %add3A_41 = arith.addf %select_n3A, %select_n3A_40 : vector<8x256xf32>
    %convert_element_type3A_42 = arith.extui %and3A : i1 to i32
    %cond3A = arith.constant 0 : i32
    %cond3A_43 = arith.cmpi ne, %convert_element_type3A_42, %cond3A : i32
    scf.if %cond3A_43 {
      %broadcast_in_dim3A_51 = arith.constant 0.000000e+00 : f32
      %broadcast_in_dim3A_52 = vector.broadcast %broadcast_in_dim3A_51 : f32 to vector<8x256xf32>
      %swap3A_53 = arith.constant 0 : index
      %swap3A_54 = arith.constant 0 : index
      %swap3A_55 = vector.load %arg8[%swap3A_53, %swap3A_54] : memref<8x256xf32, #tpu.memory_space<vmem>>, vector<8x256xf32>
      tpu.vector_store %arg8[%swap3A_53, %swap3A_54], %broadcast_in_dim3A_52 {strides = array<i32>} : memref<8x256xf32, #tpu.memory_space<vmem>>, vector<8x256xf32>,
    } else {
    }
    %get3A_44 = arith.constant 0 : index
    %get3A_45 = arith.constant 0 : index
    %get3A_46 = vector.load %arg8[%get3A_44, %get3A_45] : memref<8x256xf32, #tpu.memory_space<vmem>>, vector<8x256xf32>
    %add3A_47 = arith.addf %get3A_46, %add3A_41 : vector<8x256xf32>
    %swap3A_48 = arith.constant 0 : index
    %swap3A_49 = arith.constant 0 : index
    %swap3A_50 = vector.load %arg8[%swap3A_48, %swap3A_49] : memref<8x256xf32, #tpu.memory_space<vmem>>, vector<8x256xf32>
    tpu.vector_store %arg8[%swap3A_48, %swap3A_49], %add3A_47 {strides = array<i32>} : memref<8x256xf32, #tpu.memory_space<vmem>>, vector<8x256xf32>,
    return
  }
  func.func @transform_0(%arg0: i32, %arg1: i32) -> (i32, i32) {
    %mul3A = arith.constant 8 : i32
    %mul3A_0 = arith.muli %arg0, %mul3A : i32
    %add3A = arith.addi %mul3A_0, %arg1 : i32
    %c0_i32 = arith.constant 0 : i32
    %c0_i32_1 = arith.constant 0 : i32
    return %add3A, %c0_i32 : i32, i32
  }
  func.func @transform_1(%arg0: i32, %arg1: i32) -> (i32, i32) {
    %mul3A = arith.constant 8 : i32
    %mul3A_0 = arith.muli %arg0, %mul3A : i32
    %add3A = arith.addi %mul3A_0, %arg1 : i32
    %c0_i32 = arith.constant 0 : i32
    %c0_i32_1 = arith.constant 0 : i32
    return %add3A, %c0_i32 : i32, i32
  }
  func.func @transform_2(%arg0: i32, %arg1: i32) -> (i32, i32) {
    %mul3A = arith.constant 8 : i32
    %mul3A_0 = arith.muli %arg0, %mul3A : i32
    %add3A = arith.addi %mul3A_0, %arg1 : i32
    %c0_i32 = arith.constant 0 : i32
    %c0_i32_1 = arith.constant 0 : i32
    return %add3A, %c0_i32 : i32, i32
  }
  func.func @transform_3(%arg0: i32, %arg1: i32) -> (i32, i32) {
    %c0_i32 = arith.constant 0 : i32
    %c0_i32_0 = arith.constant 0 : i32
    %c0_i32_1 = arith.constant 0 : i32
    return %c0_i32, %c0_i32_0 : i32, i32
  }
  func.func @transform_4(%arg0: i32, %arg1: i32) -> (i32, i32, i32) {
    %c0_i32 = arith.constant 0 : i32
    %c0_i32_0 = arith.constant 0 : i32
    %c0_i32_1 = arith.constant 0 : i32
    return %arg0, %c0_i32, %c0_i32_0 : i32, i32, i32
  }
  func.func @transform_5(%arg0: i32, %arg1: i32) -> (i32, i32) {
    %mul3A = arith.constant 8 : i32
    %mul3A_0 = arith.muli %arg0, %mul3A : i32
    %add3A = arith.addi %mul3A_0, %arg1 : i32
    %c0_i32 = arith.constant 0 : i32
    %c0_i32_1 = arith.constant 0 : i32
    return %add3A, %c0_i32 : i32, i32
  }
  func.func @transform_6(%arg0: i32, %arg1: i32) -> (i32, i32) {
    %c0_i32 = arith.constant 0 : i32
    %c0_i32_0 = arith.constant 0 : i32
    %c0_i32_1 = arith.constant 0 : i32
    return %c0_i32, %c0_i32_0 : i32, i32
  }
}

module attributes {stable_mosaic.version = 14 : i64} {
  func.func @body(%arg0: i32, %arg1: memref<512x256xf32, #tpu.memory_space<vmem>>, %arg2: memref<1x256xf32, #tpu.memory_space<vmem>>, %arg3: memref<1x256xf32, #tpu.memory_space<vmem>>, %arg4: memref<1x256xf32, #tpu.memory_space<vmem>>, %arg5: memref<1x256xf32, #tpu.memory_space<vmem>>, %arg6: memref<256x256xbf16, #tpu.memory_space<vmem>>, %arg7: memref<512x256xf32, #tpu.memory_space<vmem>>, %arg8: memref<8x256xf32, #tpu.memory_space<vmem>>) attributes {dimension_semantics = [#tpu.dimension_semantics<arbitrary>], iteration_bounds = array<i64: 32>, scalar_prefetch = 0 : i64, scratch_operands = 0 : i64, tpu.core_type = #tpu.core_type<tc>, window_params = [{transform_indices = @transform_0, window_bounds = array<i64: 512, 256>}, {pipeline_mode = #tpu.pipeline_mode<synchronous>, transform_indices = @transform_1, window_bounds = array<i64: 1, 256>}, {pipeline_mode = #tpu.pipeline_mode<synchronous>, transform_indices = @transform_2, window_bounds = array<i64: 1, 256>}, {pipeline_mode = #tpu.pipeline_mode<synchronous>, transform_indices = @transform_3, window_bounds = array<i64: 1, 256>}, {pipeline_mode = #tpu.pipeline_mode<synchronous>, transform_indices = @transform_4, window_bounds = array<i64: 1, 256>}, {pipeline_mode = #tpu.pipeline_mode<synchronous>, transform_indices = @transform_5, window_bounds = array<i64: 256, 256>}, {transform_indices = @transform_6, window_bounds = array<i64: 512, 256>}, {pipeline_mode = #tpu.pipeline_mode<synchronous>, transform_indices = @transform_7, window_bounds = array<i64: 8, 256>}]} {
    %get3A = arith.constant 0 : index
    %get3A_0 = arith.constant 0 : index
    %get3A_1 = vector.load %arg1[%get3A, %get3A_0] : memref<512x256xf32, #tpu.memory_space<vmem>>, vector<512x256xf32>
    %get3A_2 = arith.constant 0 : index
    %get3A_3 = arith.constant 0 : index
    %get3A_4 = vector.load %arg2[%get3A_2, %get3A_3] : memref<1x256xf32, #tpu.memory_space<vmem>>, vector<1x256xf32>
    %get3A_5 = vector.shape_cast %get3A_4 : vector<1x256xf32> to vector<256xf32>
    %get3A_6 = arith.constant 0 : index
    %get3A_7 = arith.constant 0 : index
    %get3A_8 = vector.load %arg3[%get3A_6, %get3A_7] : memref<1x256xf32, #tpu.memory_space<vmem>>, vector<1x256xf32>
    %get3A_9 = vector.shape_cast %get3A_8 : vector<1x256xf32> to vector<256xf32>
    %get3A_10 = arith.constant 0 : index
    %get3A_11 = arith.constant 0 : index
    %get3A_12 = vector.load %arg4[%get3A_10, %get3A_11] : memref<1x256xf32, #tpu.memory_space<vmem>>, vector<1x256xf32>
    %get3A_13 = vector.shape_cast %get3A_12 : vector<1x256xf32> to vector<256xf32>
    %get3A_14 = arith.constant 0 : index
    %get3A_15 = arith.constant 0 : index
    %get3A_16 = vector.load %arg5[%get3A_14, %get3A_15] : memref<1x256xf32, #tpu.memory_space<vmem>>, vector<1x256xf32>
    %get3A_17 = vector.shape_cast %get3A_16 : vector<1x256xf32> to vector<256xf32>
    %broadcast_in_dim3A = vector.shape_cast %get3A_13 : vector<256xf32> to vector<1x256xf32>
    %sub3A = vector.broadcast %broadcast_in_dim3A : vector<1x256xf32> to vector<512x256xf32>
    %sub3A_18 = arith.subf %get3A_1, %sub3A : vector<512x256xf32>
    %broadcast_in_dim3A_19 = vector.shape_cast %get3A_5 : vector<256xf32> to vector<1x256xf32>
    %mul3A = vector.broadcast %broadcast_in_dim3A_19 : vector<1x256xf32> to vector<512x256xf32>
    %mul3A_20 = arith.mulf %mul3A, %sub3A_18 : vector<512x256xf32>
    %add3A = arith.constant 9.99999974E-6 : f32
    %add3A_21 = vector.broadcast %add3A : f32 to vector<256xf32>
    %add3A_22 = arith.addf %get3A_17, %add3A_21 : vector<256xf32>
    %sqrt3A = math.sqrt %add3A_22 : vector<256xf32>
    %broadcast_in_dim3A_23 = vector.shape_cast %sqrt3A : vector<256xf32> to vector<1x256xf32>
    %div3A = vector.broadcast %broadcast_in_dim3A_23 : vector<1x256xf32> to vector<512x256xf32>
    %div3A_24 = arith.divf %mul3A_20, %div3A : vector<512x256xf32>
    %broadcast_in_dim3A_25 = vector.shape_cast %get3A_9 : vector<256xf32> to vector<1x256xf32>
    %add3A_26 = vector.broadcast %broadcast_in_dim3A_25 : vector<1x256xf32> to vector<512x256xf32>
    %add3A_27 = arith.addf %div3A_24, %add3A_26 : vector<512x256xf32>
    %jit3A = arith.constant 2.000000e-01 : f32
    %ge3A = arith.constant 0.000000e+00 : f32
    %ge3A_28 = vector.broadcast %ge3A : f32 to vector<512x256xf32>
    %ge3A_29 = arith.cmpf oge, %add3A_27, %ge3A_28 : vector<512x256xf32>
    %mul3A_30 = vector.broadcast %jit3A : f32 to vector<512x256xf32>
    %mul3A_31 = arith.mulf %mul3A_30, %add3A_27 : vector<512x256xf32>
    %select_n3A = arith.select %ge3A_29, %add3A_27, %mul3A_31 : vector<512x256xi1>, vector<512x256xf32>
    %convert_element_type3A = arith.truncf %select_n3A : vector<512x256xf32> to vector<512x256xbf16>
    %get3A_32 = arith.constant 0 : index
    %get3A_33 = arith.constant 0 : index
    %get3A_34 = vector.load %arg6[%get3A_32, %get3A_33] : memref<256x256xbf16, #tpu.memory_space<vmem>>, vector<256x256xbf16>
    %dot_general3A = arith.constant dense<0.000000e+00> : vector<512x256xf32>
    %dot_general3A_35 = tpu.matmul %convert_element_type3A, %get3A_34, %dot_general3A {dimension_numbers = #tpu.dot_dimension_numbers<[1], [0], [0], [1], [0, 0, 1, 1], [], []>, transpose_lhs_hint = false} : vector<512x256xbf16>, vector<256x256xbf16>, vector<512x256xf32> -> vector<512x256xf32>
    %swap3A = arith.constant 0 : index
    %swap3A_36 = arith.constant 0 : index
    %swap3A_37 = vector.load %arg7[%swap3A, %swap3A_36] : memref<512x256xf32, #tpu.memory_space<vmem>>, vector<512x256xf32>
    tpu.vector_store %arg7[%swap3A, %swap3A_36], %dot_general3A_35 {strides = array<i32>} : memref<512x256xf32, #tpu.memory_space<vmem>>, vector<512x256xf32>,
    %eq3A = arith.constant 0 : i32
    %eq3A_38 = arith.cmpi eq, %arg0, %eq3A : i32
    %reduce_sum3A = arith.constant dense<0.000000e+00> : vector<256xf32>
    %reduce_sum3A_39 = vector.multi_reduction <add>, %dot_general3A_35, %reduce_sum3A [0] : vector<512x256xf32> to vector<256xf32>
    %mul3A_40 = arith.mulf %dot_general3A_35, %dot_general3A_35 : vector<512x256xf32>
    %reduce_sum3A_41 = arith.constant dense<0.000000e+00> : vector<256xf32>
    %reduce_sum3A_42 = vector.multi_reduction <add>, %mul3A_40, %reduce_sum3A_41 [0] : vector<512x256xf32> to vector<256xf32>
    %iota3A = tpu.iota {dimensions = array<i32: 0>} : vector<8x256xi32>
    %eq3A_43 = arith.constant 0 : i32
    %eq3A_44 = vector.broadcast %eq3A_43 : i32 to vector<8x256xi32>
    %eq3A_45 = arith.cmpi eq, %iota3A, %eq3A_44 : vector<8x256xi32>
    %broadcast_in_dim3A_46 = vector.shape_cast %reduce_sum3A_39 : vector<256xf32> to vector<1x256xf32>
    %jit3A_47 = arith.constant 0.000000e+00 : f32
    %broadcast_in_dim3A_48 = vector.shape_cast %broadcast_in_dim3A_46 : vector<1x256xf32> to vector<1x256xf32>
    %broadcast_in_dim3A_49 = vector.broadcast %broadcast_in_dim3A_48 : vector<1x256xf32> to vector<8x256xf32>
    %broadcast_in_dim3A_50 = vector.broadcast %jit3A_47 : f32 to vector<8x256xf32>
    %select_n3A_51 = arith.select %eq3A_45, %broadcast_in_dim3A_49, %broadcast_in_dim3A_50 : vector<8x256xi1>, vector<8x256xf32>
    %eq3A_52 = arith.constant 1 : i32
    %eq3A_53 = vector.broadcast %eq3A_52 : i32 to vector<8x256xi32>
    %eq3A_54 = arith.cmpi eq, %iota3A, %eq3A_53 : vector<8x256xi32>
    %broadcast_in_dim3A_55 = vector.shape_cast %reduce_sum3A_42 : vector<256xf32> to vector<1x256xf32>
    %jit3A_56 = arith.constant 0.000000e+00 : f32
    %broadcast_in_dim3A_57 = vector.shape_cast %broadcast_in_dim3A_55 : vector<1x256xf32> to vector<1x256xf32>
    %broadcast_in_dim3A_58 = vector.broadcast %broadcast_in_dim3A_57 : vector<1x256xf32> to vector<8x256xf32>
    %broadcast_in_dim3A_59 = vector.broadcast %jit3A_56 : f32 to vector<8x256xf32>
    %select_n3A_60 = arith.select %eq3A_54, %broadcast_in_dim3A_58, %broadcast_in_dim3A_59 : vector<8x256xi1>, vector<8x256xf32>
    %add3A_61 = arith.addf %select_n3A_51, %select_n3A_60 : vector<8x256xf32>
    %convert_element_type3A_62 = arith.extui %eq3A_38 : i1 to i32
    %cond3A = arith.constant 0 : i32
    %cond3A_63 = arith.cmpi ne, %convert_element_type3A_62, %cond3A : i32
    scf.if %cond3A_63 {
      %broadcast_in_dim3A_71 = arith.constant 0.000000e+00 : f32
      %broadcast_in_dim3A_72 = vector.broadcast %broadcast_in_dim3A_71 : f32 to vector<8x256xf32>
      %swap3A_73 = arith.constant 0 : index
      %swap3A_74 = arith.constant 0 : index
      %swap3A_75 = vector.load %arg8[%swap3A_73, %swap3A_74] : memref<8x256xf32, #tpu.memory_space<vmem>>, vector<8x256xf32>
      tpu.vector_store %arg8[%swap3A_73, %swap3A_74], %broadcast_in_dim3A_72 {strides = array<i32>} : memref<8x256xf32, #tpu.memory_space<vmem>>, vector<8x256xf32>,
    } else {
    }
    %get3A_64 = arith.constant 0 : index
    %get3A_65 = arith.constant 0 : index
    %get3A_66 = vector.load %arg8[%get3A_64, %get3A_65] : memref<8x256xf32, #tpu.memory_space<vmem>>, vector<8x256xf32>
    %add3A_67 = arith.addf %get3A_66, %add3A_61 : vector<8x256xf32>
    %swap3A_68 = arith.constant 0 : index
    %swap3A_69 = arith.constant 0 : index
    %swap3A_70 = vector.load %arg8[%swap3A_68, %swap3A_69] : memref<8x256xf32, #tpu.memory_space<vmem>>, vector<8x256xf32>
    tpu.vector_store %arg8[%swap3A_68, %swap3A_69], %add3A_67 {strides = array<i32>} : memref<8x256xf32, #tpu.memory_space<vmem>>, vector<8x256xf32>,
    return
  }
  func.func @transform_0(%arg0: i32) -> (i32, i32) {
    %c0_i32 = arith.constant 0 : i32
    %c0_i32_0 = arith.constant 0 : i32
    return %arg0, %c0_i32 : i32, i32
  }
  func.func @transform_1(%arg0: i32) -> (i32, i32) {
    %c0_i32 = arith.constant 0 : i32
    %c0_i32_0 = arith.constant 0 : i32
    %c0_i32_1 = arith.constant 0 : i32
    return %c0_i32, %c0_i32_0 : i32, i32
  }
  func.func @transform_2(%arg0: i32) -> (i32, i32) {
    %c0_i32 = arith.constant 0 : i32
    %c0_i32_0 = arith.constant 0 : i32
    %c0_i32_1 = arith.constant 0 : i32
    return %c0_i32, %c0_i32_0 : i32, i32
  }
  func.func @transform_3(%arg0: i32) -> (i32, i32) {
    %c0_i32 = arith.constant 0 : i32
    %c0_i32_0 = arith.constant 0 : i32
    %c0_i32_1 = arith.constant 0 : i32
    return %c0_i32, %c0_i32_0 : i32, i32
  }
  func.func @transform_4(%arg0: i32) -> (i32, i32) {
    %c0_i32 = arith.constant 0 : i32
    %c0_i32_0 = arith.constant 0 : i32
    %c0_i32_1 = arith.constant 0 : i32
    return %c0_i32, %c0_i32_0 : i32, i32
  }
  func.func @transform_5(%arg0: i32) -> (i32, i32) {
    %c0_i32 = arith.constant 0 : i32
    %c0_i32_0 = arith.constant 0 : i32
    %c0_i32_1 = arith.constant 0 : i32
    return %c0_i32, %c0_i32_0 : i32, i32
  }
  func.func @transform_6(%arg0: i32) -> (i32, i32) {
    %c0_i32 = arith.constant 0 : i32
    %c0_i32_0 = arith.constant 0 : i32
    return %arg0, %c0_i32 : i32, i32
  }
  func.func @transform_7(%arg0: i32) -> (i32, i32) {
    %c0_i32 = arith.constant 0 : i32
    %c0_i32_0 = arith.constant 0 : i32
    %c0_i32_1 = arith.constant 0 : i32
    return %c0_i32, %c0_i32_0 : i32, i32
  }
}

module attributes {stable_mosaic.version = 14 : i64} {
  func.func @body(%arg0: i32, %arg1: memref<512x256xf32, #tpu.memory_space<vmem>>, %arg2: memref<1x256xf32, #tpu.memory_space<vmem>>, %arg3: memref<1x256xf32, #tpu.memory_space<vmem>>, %arg4: memref<1x256xf32, #tpu.memory_space<vmem>>, %arg5: memref<1x256xf32, #tpu.memory_space<vmem>>, %arg6: memref<256x128xbf16, #tpu.memory_space<vmem>>, %arg7: memref<512x128xf32, #tpu.memory_space<vmem>>, %arg8: memref<8x128xf32, #tpu.memory_space<vmem>>) attributes {dimension_semantics = [#tpu.dimension_semantics<arbitrary>], iteration_bounds = array<i64: 32>, scalar_prefetch = 0 : i64, scratch_operands = 0 : i64, tpu.core_type = #tpu.core_type<tc>, window_params = [{transform_indices = @transform_0, window_bounds = array<i64: 512, 256>}, {pipeline_mode = #tpu.pipeline_mode<synchronous>, transform_indices = @transform_1, window_bounds = array<i64: 1, 256>}, {pipeline_mode = #tpu.pipeline_mode<synchronous>, transform_indices = @transform_2, window_bounds = array<i64: 1, 256>}, {pipeline_mode = #tpu.pipeline_mode<synchronous>, transform_indices = @transform_3, window_bounds = array<i64: 1, 256>}, {pipeline_mode = #tpu.pipeline_mode<synchronous>, transform_indices = @transform_4, window_bounds = array<i64: 1, 256>}, {pipeline_mode = #tpu.pipeline_mode<synchronous>, transform_indices = @transform_5, window_bounds = array<i64: 256, 128>}, {transform_indices = @transform_6, window_bounds = array<i64: 512, 128>}, {pipeline_mode = #tpu.pipeline_mode<synchronous>, transform_indices = @transform_7, window_bounds = array<i64: 8, 128>}]} {
    %get3A = arith.constant 0 : index
    %get3A_0 = arith.constant 0 : index
    %get3A_1 = vector.load %arg1[%get3A, %get3A_0] : memref<512x256xf32, #tpu.memory_space<vmem>>, vector<512x256xf32>
    %get3A_2 = arith.constant 0 : index
    %get3A_3 = arith.constant 0 : index
    %get3A_4 = vector.load %arg2[%get3A_2, %get3A_3] : memref<1x256xf32, #tpu.memory_space<vmem>>, vector<1x256xf32>
    %get3A_5 = vector.shape_cast %get3A_4 : vector<1x256xf32> to vector<256xf32>
    %get3A_6 = arith.constant 0 : index
    %get3A_7 = arith.constant 0 : index
    %get3A_8 = vector.load %arg3[%get3A_6, %get3A_7] : memref<1x256xf32, #tpu.memory_space<vmem>>, vector<1x256xf32>
    %get3A_9 = vector.shape_cast %get3A_8 : vector<1x256xf32> to vector<256xf32>
    %get3A_10 = arith.constant 0 : index
    %get3A_11 = arith.constant 0 : index
    %get3A_12 = vector.load %arg4[%get3A_10, %get3A_11] : memref<1x256xf32, #tpu.memory_space<vmem>>, vector<1x256xf32>
    %get3A_13 = vector.shape_cast %get3A_12 : vector<1x256xf32> to vector<256xf32>
    %get3A_14 = arith.constant 0 : index
    %get3A_15 = arith.constant 0 : index
    %get3A_16 = vector.load %arg5[%get3A_14, %get3A_15] : memref<1x256xf32, #tpu.memory_space<vmem>>, vector<1x256xf32>
    %get3A_17 = vector.shape_cast %get3A_16 : vector<1x256xf32> to vector<256xf32>
    %broadcast_in_dim3A = vector.shape_cast %get3A_13 : vector<256xf32> to vector<1x256xf32>
    %sub3A = vector.broadcast %broadcast_in_dim3A : vector<1x256xf32> to vector<512x256xf32>
    %sub3A_18 = arith.subf %get3A_1, %sub3A : vector<512x256xf32>
    %broadcast_in_dim3A_19 = vector.shape_cast %get3A_5 : vector<256xf32> to vector<1x256xf32>
    %mul3A = vector.broadcast %broadcast_in_dim3A_19 : vector<1x256xf32> to vector<512x256xf32>
    %mul3A_20 = arith.mulf %mul3A, %sub3A_18 : vector<512x256xf32>
    %add3A = arith.constant 9.99999974E-6 : f32
    %add3A_21 = vector.broadcast %add3A : f32 to vector<256xf32>
    %add3A_22 = arith.addf %get3A_17, %add3A_21 : vector<256xf32>
    %sqrt3A = math.sqrt %add3A_22 : vector<256xf32>
    %broadcast_in_dim3A_23 = vector.shape_cast %sqrt3A : vector<256xf32> to vector<1x256xf32>
    %div3A = vector.broadcast %broadcast_in_dim3A_23 : vector<1x256xf32> to vector<512x256xf32>
    %div3A_24 = arith.divf %mul3A_20, %div3A : vector<512x256xf32>
    %broadcast_in_dim3A_25 = vector.shape_cast %get3A_9 : vector<256xf32> to vector<1x256xf32>
    %add3A_26 = vector.broadcast %broadcast_in_dim3A_25 : vector<1x256xf32> to vector<512x256xf32>
    %add3A_27 = arith.addf %div3A_24, %add3A_26 : vector<512x256xf32>
    %jit3A = arith.constant 2.000000e-01 : f32
    %ge3A = arith.constant 0.000000e+00 : f32
    %ge3A_28 = vector.broadcast %ge3A : f32 to vector<512x256xf32>
    %ge3A_29 = arith.cmpf oge, %add3A_27, %ge3A_28 : vector<512x256xf32>
    %mul3A_30 = vector.broadcast %jit3A : f32 to vector<512x256xf32>
    %mul3A_31 = arith.mulf %mul3A_30, %add3A_27 : vector<512x256xf32>
    %select_n3A = arith.select %ge3A_29, %add3A_27, %mul3A_31 : vector<512x256xi1>, vector<512x256xf32>
    %convert_element_type3A = arith.truncf %select_n3A : vector<512x256xf32> to vector<512x256xbf16>
    %get3A_32 = arith.constant 0 : index
    %get3A_33 = arith.constant 0 : index
    %get3A_34 = vector.load %arg6[%get3A_32, %get3A_33] : memref<256x128xbf16, #tpu.memory_space<vmem>>, vector<256x128xbf16>
    %dot_general3A = arith.constant dense<0.000000e+00> : vector<512x128xf32>
    %dot_general3A_35 = tpu.matmul %convert_element_type3A, %get3A_34, %dot_general3A {dimension_numbers = #tpu.dot_dimension_numbers<[1], [0], [0], [1], [0, 0, 1, 1], [], []>, transpose_lhs_hint = false} : vector<512x256xbf16>, vector<256x128xbf16>, vector<512x128xf32> -> vector<512x128xf32>
    %swap3A = arith.constant 0 : index
    %swap3A_36 = arith.constant 0 : index
    %swap3A_37 = vector.load %arg7[%swap3A, %swap3A_36] : memref<512x128xf32, #tpu.memory_space<vmem>>, vector<512x128xf32>
    tpu.vector_store %arg7[%swap3A, %swap3A_36], %dot_general3A_35 {strides = array<i32>} : memref<512x128xf32, #tpu.memory_space<vmem>>, vector<512x128xf32>,
    %eq3A = arith.constant 0 : i32
    %eq3A_38 = arith.cmpi eq, %arg0, %eq3A : i32
    %reduce_sum3A = arith.constant dense<0.000000e+00> : vector<128xf32>
    %reduce_sum3A_39 = vector.multi_reduction <add>, %dot_general3A_35, %reduce_sum3A [0] : vector<512x128xf32> to vector<128xf32>
    %mul3A_40 = arith.mulf %dot_general3A_35, %dot_general3A_35 : vector<512x128xf32>
    %reduce_sum3A_41 = arith.constant dense<0.000000e+00> : vector<128xf32>
    %reduce_sum3A_42 = vector.multi_reduction <add>, %mul3A_40, %reduce_sum3A_41 [0] : vector<512x128xf32> to vector<128xf32>
    %iota3A = tpu.iota {dimensions = array<i32: 0>} : vector<8x128xi32>
    %eq3A_43 = arith.constant 0 : i32
    %eq3A_44 = vector.broadcast %eq3A_43 : i32 to vector<8x128xi32>
    %eq3A_45 = arith.cmpi eq, %iota3A, %eq3A_44 : vector<8x128xi32>
    %broadcast_in_dim3A_46 = vector.shape_cast %reduce_sum3A_39 : vector<128xf32> to vector<1x128xf32>
    %jit3A_47 = arith.constant 0.000000e+00 : f32
    %broadcast_in_dim3A_48 = vector.shape_cast %broadcast_in_dim3A_46 : vector<1x128xf32> to vector<1x128xf32>
    %broadcast_in_dim3A_49 = vector.broadcast %broadcast_in_dim3A_48 : vector<1x128xf32> to vector<8x128xf32>
    %broadcast_in_dim3A_50 = vector.broadcast %jit3A_47 : f32 to vector<8x128xf32>
    %select_n3A_51 = arith.select %eq3A_45, %broadcast_in_dim3A_49, %broadcast_in_dim3A_50 : vector<8x128xi1>, vector<8x128xf32>
    %eq3A_52 = arith.constant 1 : i32
    %eq3A_53 = vector.broadcast %eq3A_52 : i32 to vector<8x128xi32>
    %eq3A_54 = arith.cmpi eq, %iota3A, %eq3A_53 : vector<8x128xi32>
    %broadcast_in_dim3A_55 = vector.shape_cast %reduce_sum3A_42 : vector<128xf32> to vector<1x128xf32>
    %jit3A_56 = arith.constant 0.000000e+00 : f32
    %broadcast_in_dim3A_57 = vector.shape_cast %broadcast_in_dim3A_55 : vector<1x128xf32> to vector<1x128xf32>
    %broadcast_in_dim3A_58 = vector.broadcast %broadcast_in_dim3A_57 : vector<1x128xf32> to vector<8x128xf32>
    %broadcast_in_dim3A_59 = vector.broadcast %jit3A_56 : f32 to vector<8x128xf32>
    %select_n3A_60 = arith.select %eq3A_54, %broadcast_in_dim3A_58, %broadcast_in_dim3A_59 : vector<8x128xi1>, vector<8x128xf32>
    %add3A_61 = arith.addf %select_n3A_51, %select_n3A_60 : vector<8x128xf32>
    %convert_element_type3A_62 = arith.extui %eq3A_38 : i1 to i32
    %cond3A = arith.constant 0 : i32
    %cond3A_63 = arith.cmpi ne, %convert_element_type3A_62, %cond3A : i32
    scf.if %cond3A_63 {
      %broadcast_in_dim3A_71 = arith.constant 0.000000e+00 : f32
      %broadcast_in_dim3A_72 = vector.broadcast %broadcast_in_dim3A_71 : f32 to vector<8x128xf32>
      %swap3A_73 = arith.constant 0 : index
      %swap3A_74 = arith.constant 0 : index
      %swap3A_75 = vector.load %arg8[%swap3A_73, %swap3A_74] : memref<8x128xf32, #tpu.memory_space<vmem>>, vector<8x128xf32>
      tpu.vector_store %arg8[%swap3A_73, %swap3A_74], %broadcast_in_dim3A_72 {strides = array<i32>} : memref<8x128xf32, #tpu.memory_space<vmem>>, vector<8x128xf32>,
    } else {
    }
    %get3A_64 = arith.constant 0 : index
    %get3A_65 = arith.constant 0 : index
    %get3A_66 = vector.load %arg8[%get3A_64, %get3A_65] : memref<8x128xf32, #tpu.memory_space<vmem>>, vector<8x128xf32>
    %add3A_67 = arith.addf %get3A_66, %add3A_61 : vector<8x128xf32>
    %swap3A_68 = arith.constant 0 : index
    %swap3A_69 = arith.constant 0 : index
    %swap3A_70 = vector.load %arg8[%swap3A_68, %swap3A_69] : memref<8x128xf32, #tpu.memory_space<vmem>>, vector<8x128xf32>
    tpu.vector_store %arg8[%swap3A_68, %swap3A_69], %add3A_67 {strides = array<i32>} : memref<8x128xf32, #tpu.memory_space<vmem>>, vector<8x128xf32>,
    return
  }
  func.func @transform_0(%arg0: i32) -> (i32, i32) {
    %c0_i32 = arith.constant 0 : i32
    %c0_i32_0 = arith.constant 0 : i32
    return %arg0, %c0_i32 : i32, i32
  }
  func.func @transform_1(%arg0: i32) -> (i32, i32) {
    %c0_i32 = arith.constant 0 : i32
    %c0_i32_0 = arith.constant 0 : i32
    %c0_i32_1 = arith.constant 0 : i32
    return %c0_i32, %c0_i32_0 : i32, i32
  }
  func.func @transform_2(%arg0: i32) -> (i32, i32) {
    %c0_i32 = arith.constant 0 : i32
    %c0_i32_0 = arith.constant 0 : i32
    %c0_i32_1 = arith.constant 0 : i32
    return %c0_i32, %c0_i32_0 : i32, i32
  }
  func.func @transform_3(%arg0: i32) -> (i32, i32) {
    %c0_i32 = arith.constant 0 : i32
    %c0_i32_0 = arith.constant 0 : i32
    %c0_i32_1 = arith.constant 0 : i32
    return %c0_i32, %c0_i32_0 : i32, i32
  }
  func.func @transform_4(%arg0: i32) -> (i32, i32) {
    %c0_i32 = arith.constant 0 : i32
    %c0_i32_0 = arith.constant 0 : i32
    %c0_i32_1 = arith.constant 0 : i32
    return %c0_i32, %c0_i32_0 : i32, i32
  }
  func.func @transform_5(%arg0: i32) -> (i32, i32) {
    %c0_i32 = arith.constant 0 : i32
    %c0_i32_0 = arith.constant 0 : i32
    %c0_i32_1 = arith.constant 0 : i32
    return %c0_i32, %c0_i32_0 : i32, i32
  }
  func.func @transform_6(%arg0: i32) -> (i32, i32) {
    %c0_i32 = arith.constant 0 : i32
    %c0_i32_0 = arith.constant 0 : i32
    return %arg0, %c0_i32 : i32, i32
  }
  func.func @transform_7(%arg0: i32) -> (i32, i32) {
    %c0_i32 = arith.constant 0 : i32
    %c0_i32_0 = arith.constant 0 : i32
    %c0_i32_1 = arith.constant 0 : i32
    return %c0_i32, %c0_i32_0 : i32, i32
  }
}

module attributes {stable_mosaic.version = 14 : i64} {
  func.func @body(%arg0: i32, %arg1: memref<512x128xf32, #tpu.memory_space<vmem>>, %arg2: memref<1x128xf32, #tpu.memory_space<vmem>>, %arg3: memref<1x128xf32, #tpu.memory_space<vmem>>, %arg4: memref<1x128xf32, #tpu.memory_space<vmem>>, %arg5: memref<1x128xf32, #tpu.memory_space<vmem>>, %arg6: memref<128x8xbf16, #tpu.memory_space<vmem>>, %arg7: memref<512x8xf32, #tpu.memory_space<vmem>>) attributes {dimension_semantics = [#tpu.dimension_semantics<arbitrary>], iteration_bounds = array<i64: 32>, scalar_prefetch = 0 : i64, scratch_operands = 0 : i64, tpu.core_type = #tpu.core_type<tc>, window_params = [{transform_indices = @transform_0, window_bounds = array<i64: 512, 128>}, {pipeline_mode = #tpu.pipeline_mode<synchronous>, transform_indices = @transform_1, window_bounds = array<i64: 1, 128>}, {pipeline_mode = #tpu.pipeline_mode<synchronous>, transform_indices = @transform_2, window_bounds = array<i64: 1, 128>}, {pipeline_mode = #tpu.pipeline_mode<synchronous>, transform_indices = @transform_3, window_bounds = array<i64: 1, 128>}, {pipeline_mode = #tpu.pipeline_mode<synchronous>, transform_indices = @transform_4, window_bounds = array<i64: 1, 128>}, {pipeline_mode = #tpu.pipeline_mode<synchronous>, transform_indices = @transform_5, window_bounds = array<i64: 128, 8>}, {transform_indices = @transform_6, window_bounds = array<i64: 512, 8>}]} {
    %get3A = arith.constant 0 : index
    %get3A_0 = arith.constant 0 : index
    %get3A_1 = vector.load %arg1[%get3A, %get3A_0] : memref<512x128xf32, #tpu.memory_space<vmem>>, vector<512x128xf32>
    %get3A_2 = arith.constant 0 : index
    %get3A_3 = arith.constant 0 : index
    %get3A_4 = vector.load %arg2[%get3A_2, %get3A_3] : memref<1x128xf32, #tpu.memory_space<vmem>>, vector<1x128xf32>
    %get3A_5 = vector.shape_cast %get3A_4 : vector<1x128xf32> to vector<128xf32>
    %get3A_6 = arith.constant 0 : index
    %get3A_7 = arith.constant 0 : index
    %get3A_8 = vector.load %arg3[%get3A_6, %get3A_7] : memref<1x128xf32, #tpu.memory_space<vmem>>, vector<1x128xf32>
    %get3A_9 = vector.shape_cast %get3A_8 : vector<1x128xf32> to vector<128xf32>
    %get3A_10 = arith.constant 0 : index
    %get3A_11 = arith.constant 0 : index
    %get3A_12 = vector.load %arg4[%get3A_10, %get3A_11] : memref<1x128xf32, #tpu.memory_space<vmem>>, vector<1x128xf32>
    %get3A_13 = vector.shape_cast %get3A_12 : vector<1x128xf32> to vector<128xf32>
    %get3A_14 = arith.constant 0 : index
    %get3A_15 = arith.constant 0 : index
    %get3A_16 = vector.load %arg5[%get3A_14, %get3A_15] : memref<1x128xf32, #tpu.memory_space<vmem>>, vector<1x128xf32>
    %get3A_17 = vector.shape_cast %get3A_16 : vector<1x128xf32> to vector<128xf32>
    %broadcast_in_dim3A = vector.shape_cast %get3A_13 : vector<128xf32> to vector<1x128xf32>
    %sub3A = vector.broadcast %broadcast_in_dim3A : vector<1x128xf32> to vector<512x128xf32>
    %sub3A_18 = arith.subf %get3A_1, %sub3A : vector<512x128xf32>
    %broadcast_in_dim3A_19 = vector.shape_cast %get3A_5 : vector<128xf32> to vector<1x128xf32>
    %mul3A = vector.broadcast %broadcast_in_dim3A_19 : vector<1x128xf32> to vector<512x128xf32>
    %mul3A_20 = arith.mulf %mul3A, %sub3A_18 : vector<512x128xf32>
    %add3A = arith.constant 9.99999974E-6 : f32
    %add3A_21 = vector.broadcast %add3A : f32 to vector<128xf32>
    %add3A_22 = arith.addf %get3A_17, %add3A_21 : vector<128xf32>
    %sqrt3A = math.sqrt %add3A_22 : vector<128xf32>
    %broadcast_in_dim3A_23 = vector.shape_cast %sqrt3A : vector<128xf32> to vector<1x128xf32>
    %div3A = vector.broadcast %broadcast_in_dim3A_23 : vector<1x128xf32> to vector<512x128xf32>
    %div3A_24 = arith.divf %mul3A_20, %div3A : vector<512x128xf32>
    %broadcast_in_dim3A_25 = vector.shape_cast %get3A_9 : vector<128xf32> to vector<1x128xf32>
    %add3A_26 = vector.broadcast %broadcast_in_dim3A_25 : vector<1x128xf32> to vector<512x128xf32>
    %add3A_27 = arith.addf %div3A_24, %add3A_26 : vector<512x128xf32>
    %jit3A = arith.constant 2.000000e-01 : f32
    %ge3A = arith.constant 0.000000e+00 : f32
    %ge3A_28 = vector.broadcast %ge3A : f32 to vector<512x128xf32>
    %ge3A_29 = arith.cmpf oge, %add3A_27, %ge3A_28 : vector<512x128xf32>
    %mul3A_30 = vector.broadcast %jit3A : f32 to vector<512x128xf32>
    %mul3A_31 = arith.mulf %mul3A_30, %add3A_27 : vector<512x128xf32>
    %select_n3A = arith.select %ge3A_29, %add3A_27, %mul3A_31 : vector<512x128xi1>, vector<512x128xf32>
    %convert_element_type3A = arith.truncf %select_n3A : vector<512x128xf32> to vector<512x128xbf16>
    %get3A_32 = arith.constant 0 : index
    %get3A_33 = arith.constant 0 : index
    %get3A_34 = vector.load %arg6[%get3A_32, %get3A_33] : memref<128x8xbf16, #tpu.memory_space<vmem>>, vector<128x8xbf16>
    %dot_general3A = arith.constant dense<0.000000e+00> : vector<512x8xf32>
    %dot_general3A_35 = tpu.matmul %convert_element_type3A, %get3A_34, %dot_general3A {dimension_numbers = #tpu.dot_dimension_numbers<[1], [0], [0], [1], [0, 0, 1, 1], [], []>, transpose_lhs_hint = false} : vector<512x128xbf16>, vector<128x8xbf16>, vector<512x8xf32> -> vector<512x8xf32>
    %swap3A = arith.constant 0 : index
    %swap3A_36 = arith.constant 0 : index
    %swap3A_37 = vector.load %arg7[%swap3A, %swap3A_36] : memref<512x8xf32, #tpu.memory_space<vmem>>, vector<512x8xf32>
    tpu.vector_store %arg7[%swap3A, %swap3A_36], %dot_general3A_35 {strides = array<i32>} : memref<512x8xf32, #tpu.memory_space<vmem>>, vector<512x8xf32>,
    return
  }
  func.func @transform_0(%arg0: i32) -> (i32, i32) {
    %c0_i32 = arith.constant 0 : i32
    %c0_i32_0 = arith.constant 0 : i32
    return %arg0, %c0_i32 : i32, i32
  }
  func.func @transform_1(%arg0: i32) -> (i32, i32) {
    %c0_i32 = arith.constant 0 : i32
    %c0_i32_0 = arith.constant 0 : i32
    %c0_i32_1 = arith.constant 0 : i32
    return %c0_i32, %c0_i32_0 : i32, i32
  }
  func.func @transform_2(%arg0: i32) -> (i32, i32) {
    %c0_i32 = arith.constant 0 : i32
    %c0_i32_0 = arith.constant 0 : i32
    %c0_i32_1 = arith.constant 0 : i32
    return %c0_i32, %c0_i32_0 : i32, i32
  }
  func.func @transform_3(%arg0: i32) -> (i32, i32) {
    %c0_i32 = arith.constant 0 : i32
    %c0_i32_0 = arith.constant 0 : i32
    %c0_i32_1 = arith.constant 0 : i32
    return %c0_i32, %c0_i32_0 : i32, i32
  }
  func.func @transform_4(%arg0: i32) -> (i32, i32) {
    %c0_i32 = arith.constant 0 : i32
    %c0_i32_0 = arith.constant 0 : i32
    %c0_i32_1 = arith.constant 0 : i32
    return %c0_i32, %c0_i32_0 : i32, i32
  }
  func.func @transform_5(%arg0: i32) -> (i32, i32) {
    %c0_i32 = arith.constant 0 : i32
    %c0_i32_0 = arith.constant 0 : i32
    %c0_i32_1 = arith.constant 0 : i32
    return %c0_i32, %c0_i32_0 : i32, i32
  }
  func.func @transform_6(%arg0: i32) -> (i32, i32) {
    %c0_i32 = arith.constant 0 : i32
    %c0_i32_0 = arith.constant 0 : i32
    return %arg0, %c0_i32 : i32, i32
  }
}

</mosaic_0001>

<sc_bundles>
// kernel: kernel.27.cloned.1.call-start
scs
__scs_entry_jumppad:
0x0: {  	(pc) =	sbr.rel $0x88, $3  }
0x1: {  	(tag) =	ssettag $0x0;
	lr =	simm.s32 $0x1  }
0x2: {  	[smem:$0x3F80] =	sst lr;
	_ =	strace $0xD0000000  }
0x3: {  	_ = 	snop  }
0x4: {  	_ = 	snop  }
0x5: {  	_ = 	snop  }
0x6: {  	_ = 	snop  }
0x7: {  	_ = 	snop  }
__scs_overlays_trampoline_lowered:
0x8: {  	[smem:$0x3F8F] =	sst s0  }
0x9: {  	[smem:$0x3F90] =	sst s1  }
0xa: {  	[smem:$0x3F91] =	sst s2  }
0xb: {  	[smem:$0x3F92] =	sst s3  }
0xc: {  	[smem:$0x3F93] =	sst s4  }
0xd: {  	[smem:$0x3F94] =	sst s5  }
0xe: {  	[smem:$0x3F95] =	sst s6  }
0xf: {  	[smem:$0x3F96] =	sst s7  }
0x10: {  	[smem:$0x3F97] =	sst s8  }
0x11: {  	[smem:$0x3F98] =	sst s9;
	s0 =	simm.s32 @!p0 $0x0  }
0x12: {  	s1 =	sld [smem:$0x3F7E];
	s0 =	simm.s32 @p0 $0x1  }
0x13: {  	[smem:$0x3F99] =	sst s0;
	s0 =	simm.s32 @!p1 $0x0  }
0x14: {  	s2 =	sld [smem:$0x3F7D];
	s0 =	simm.s32 @p1 $0x1  }
0x15: {  	[smem:$0x3F9A] =	sst s0;
	s0 =	simm.s32 @!p2 $0x0  }
0x16: {  	s3 =	sld [smem:$0x3FDB];
	s0 =	simm.s32 @p2 $0x1  }
0x17: {  	s4 =	simm.s32 $0x1BF5;
	[smem:$0x3F9C] =	sst s0  }
0x18: {  	s0 =	sld [smem:$0x3F7F];
	_ =	swait.ge [sflag:s4], $0x0  }
0x19: {  	s7 =	sld [smem:$0x3F80]  }
0x1a: {  	s8 =	sadd.s32 $0xFFFFE003, lr  }
0x1b: {  	s9 =	sadd.s32 $0xFFFFFEF7, lr;
	s5 =	simm.s32 $0xFFFFFFFF;
	p2 =	slt.u32 s8, $0xFFFFF086  }
0x1c: {  	p1 =	slt.u32 s9, $0xF7A;
	s5 =	simm.s32 @!p2 $0x0  }
0x1d: {  	s5 =	simm.s32 @p1 $0x1;
	p0 =	seq.s32 s7, s2  }
0x1e: {  	s7 =	smul.u32 @!p0 $0xF7A, s2;
	p2 =	seq.s32 @!p0 s5, $0x0  }
0x1f: {  	s9 =	smul.u32 $0xF7A, s1;
	s8 =	simm.s32 @!p0 $0x1BF5;
	p2 =	por !p2, p0  }
0x20: {  	[sflag:s8] =	ssyncset.s32 @!p0 $0xFFFFF086;
	s6 =	sadd.s32 @!p0 s3, s7;
	s7 =	simm.s32 @!p0 $0x108  }
0x21: {  	s3 =	sadd.s32 s3, s9;
	s6 =	sadd.s32 @!p0 $0x88, s6;
	s7 =	simm.s32 @p2 $0x1082  }
0x22: {  	[simem:s7], [sflag:s8] =	dma.local @!p0 [hbm:s6], $0xF7A  }
0x23: {  	s9 =	sor.u32 $0xD0000000, s2;
	s6 =	simm.s32 $0x108;
	_ =	swait.ge @!p0 [sflag:s8], $0x0  }
0x24: {  	s3 =	sadd.s32 $0x88, s3;
	s6 =	simm.s32 @!p1 $0x1082;
	[sflag:s4] =	ssyncset.s32 $0xFFFFF086  }
0x25: {  	[simem:s6], [sflag:s4] =	dma.local [hbm:s3], $0xF7A  }
0x26: {  	[smem:$0x3F80] =	sst s1;
	(tag) =	ssettag s2;
	_ =	strace s9  }
0x27: {  	s1 =	sld [smem:$0x3F90]  }
0x28: {  	s2 =	sld [smem:$0x3F91]  }
0x29: {  	s4 =	sld [smem:$0x3F93]  }
0x2a: {  	p0 =	seq.s32 s5, $0x0;
	s5 =	sld [smem:$0x3F94]  }
0x2b: {  	s6 =	sld [smem:$0x3F95]  }
0x2c: {  	s7 =	sld [smem:$0x3F96]  }
0x2d: {  	s3 =	simm.s32 $0x108;
	s8 =	sld [smem:$0x3F97]  }
0x2e: {  	s3 =	simm.s32 @!p0 $0x1082;
	s9 =	sld [smem:$0x3F98]  }
0x2f: {  	lr =	sadd.s32 s0, s3;
	s0 =	sld [smem:$0x3F8F]  }
0x30: {  	s3 =	sld [smem:$0x3F92]  }
0x31: {  	[smem:$0x3F9B] =	sst s10  }
0x32: {  	s10 =	sld [smem:$0x3F99];
	_ =	sdelay $0x3  }
0x33: {  	p0 =	seq.s32 s10, $0x1;
	s10 =	sld [smem:$0x3F9B];
	_ =	sdelay $0x3  }
0x34: {  	[smem:$0x3F9B] =	sst s10  }
0x35: {  	s10 =	sld [smem:$0x3F9A];
	_ =	sdelay $0x3  }
0x36: {  	p1 =	seq.s32 s10, $0x1;
	s10 =	sld [smem:$0x3F9B];
	_ =	sdelay $0x3  }
0x37: {  	[smem:$0x3F9B] =	sst s10  }
0x38: {  	s10 =	sld [smem:$0x3F9C]  }
0x39: {  	_ = 	snop;
	(pc) =	sbr.ind lr, $3  }
0x3a: {  	_ = 	snop  }
0x3b: {  	_ = 	snop  }
0x3c: {  	p2 =	seq.s32 s10, $0x1;
	s10 =	sld [smem:$0x3F9B]  }
0x3d: {  	_ =	shalt  }
0x3e: {  	_ =	shalt  }
0x3f: {  	_ =	shalt  }
0x40: {  	_ =	shalt  }
0x41: {  	_ =	shalt  }
0x42: {  	_ =	shalt  }
0x43: {  	_ =	shalt  }
0x44: {  	_ =	shalt  }
0x45: {  	_ =	shalt  }
0x46: {  	_ =	shalt  }
0x47: {  	_ =	shalt  }
0x48: {  	_ =	shalt  }
0x49: {  	_ =	shalt  }
0x4a: {  	_ =	shalt  }
0x4b: {  	_ =	shalt  }
0x4c: {  	_ =	shalt  }
0x4d: {  	_ =	shalt  }
0x4e: {  	_ =	shalt  }
0x4f: {  	_ =	shalt  }
0x50: {  	_ =	shalt  }
0x51: {  	_ =	shalt  }
0x52: {  	_ =	shalt  }
0x53: {  	_ =	shalt  }
0x54: {  	_ =	shalt  }
0x55: {  	_ =	shalt  }
0x56: {  	_ =	shalt  }
0x57: {  	_ =	shalt  }
0x58: {  	_ =	shalt  }
0x59: {  	_ =	shalt  }
0x5a: {  	_ =	shalt  }
0x5b: {  	_ =	shalt  }
0x5c: {  	_ =	shalt  }
0x5d: {  	_ =	shalt  }
0x5e: {  	_ =	shalt  }
0x5f: {  	_ =	shalt  }
0x60: {  	_ =	shalt  }
0x61: {  	_ =	shalt  }
0x62: {  	_ =	shalt  }
0x63: {  	_ =	shalt  }
0x64: {  	_ =	shalt  }
0x65: {  	_ =	shalt  }
0x66: {  	_ =	shalt  }
0x67: {  	_ =	shalt  }
0x68: {  	_ =	shalt  }
0x69: {  	_ =	shalt  }
0x6a: {  	_ =	shalt  }
0x6b: {  	_ =	shalt  }
0x6c: {  	_ =	shalt  }
0x6d: {  	_ =	shalt  }
0x6e: {  	_ =	shalt  }
0x6f: {  	_ =	shalt  }
0x70: {  	_ =	shalt  }
0x71: {  	_ =	shalt  }
0x72: {  	_ =	shalt  }
0x73: {  	_ =	shalt  }
0x74: {  	_ =	shalt  }
0x75: {  	_ =	shalt  }
0x76: {  	_ =	shalt  }
0x77: {  	_ =	shalt  }
0x78: {  	_ =	shalt  }
0x79: {  	_ =	shalt  }
0x7a: {  	_ =	shalt  }
0x7b: {  	_ =	shalt  }
0x7c: {  	_ =	shalt  }
0x7d: {  	_ =	shalt  }
0x7e: {  	_ =	shalt  }
0x7f: {  	_ =	shalt  }
0x80: {  	_ =	shalt  }
0x81: {  	_ =	shalt  }
0x82: {  	_ =	shalt  }
0x83: {  	_ =	shalt  }
0x84: {  	_ =	shalt  }
0x85: {  	_ =	shalt  }
0x86: {  	_ =	shalt  }
0x87: {  	_ =	shalt  }
.Lfunc_end0:
.L_simem_size_0:
called_computation_lowered:
.L_overlay_start_0:
0x88: {  	s2 =	sld [smem:$0x3FD9]  }
0x89: {  	s3 =	sld [smem:$0x3FFE];
	_ =	sdelay $0x1  }
0x8a: {  	s1 =	srdreg.scid  }
0x8b: {  	s0 =	sand.u32 $0x1, s1  }
0x8c: {  	s16 =	sshll.u32 s0, $0xA;
	s2 =	sadd.s32 s3, s2  }
0x8d: {  	s2 =	sadd.s32 s2, s16  }
0x8e: {  	[smem:$0x3FA7] =	sst s2  }
0x8f: {  	_ = 	snop  }
0x90: {  	(tm) =	ssettm $0x1  }
0x91: {  	s17 =	sld [smem:$0x3FFB];
	_ =	sdelay $0x3  }
0x92: {  	_ =	strace s17  }
0x93: {  	s2 =	sld [smem:$0x3FFC];
	_ =	sdelay $0x3  }
0x94: {  	_ =	strace s2  }
0x95: {  	s2 =	sld [smem:$0x3FFD];
	_ =	sdelay $0x3  }
0x96: {  	_ =	strace s2  }
0x97: {  	_ =	strace $0x8FFFFFFF  }
0x98: {  	s18 =	sld [smem:$0x3FDB];
	_ =	sdelay $0x1  }
0x99: {  	s19 =	simm.s32 $_scs_section_size  }
0x9a: {  	s4 =	simm.s32 $_size__tile_overlayer_lowered;
	s5 =	simm.s32 $_tile_overlayer_lowered  }
0x9b: {  	s22 =	simm.s32 $0x1BFF;
	s21 =	sshll.u32 s5, $0x1;
	s2 =	sadd.s32 s19, s18  }
0x9c: {  	s6 =	simm.s32 $0x0;
	s20 =	sshll.u32 s4, $0x1;
	s4 =	sadd.s32 s21, s2  }
0x9d: {  	[timem:s6], [sflag:s22] =	dma.local [hbm:s4], s20  }
0x9e: {  	_ =	swait.ge [sflag:s22], s20  }
0x9f: {  	s3 =	ssub.s32 $0x0, s20;
	[sflag:s22] =	ssyncset.done $0x0  }
0xa0: {  	[sflag:s22] =	ssyncadd.s32 s3;
	_ =	sdelay $0x1  }
0xa1: {  	s23 =	simm.s32 $0x1B8B  }
0xa2: {  	_ =	swait.ge [sflag:s23], $0x1  }
0xa3: {  	[sflag:s23] =	ssyncset.done $0x0  }
0xa4: {  	s25 =	simm.s32 $0x1B8E;
	s24 =	sld [smem:$0x3FFE];
	[sflag:s23] =	ssyncadd.s32 $0xFFFFFFFF  }
0xa5: {  	s26 =	simm.s32 $execute0_lowered;
	[smem:$0x3FD2] =	sst s25  }
0xa6: {  	s4 =	sshll.u32 s26, $0x1;
	_ =	strace $0x80000046;
	[dreg:$0x1] =	wrdreg $0xFFFFFFFF  }
0xa7: {  	s28 =	simm.s32 $_size_execute0_lowered;
	s2 =	sadd.s32 s2, s4;
	[dreg:$0x0] =	wrdreg $0x0  }
0xa8: {  	s4 =	sshll.u32 s28, $0x1;
	[dreg:$0x2] =	wrdreg s2  }
0xa9: {  	[dreg:$0x3] =	wrdreg s4  }
0xaa: {  	[dreg:$0x4] =	wrdreg $0xC0  }
0xab: {  	_ =	task [dreg:s6], $0x5FFFF  }
0xac: {  	[dreg:$0x1] =	wrdreg $0xFFFFFFFF  }
0xad: {  	[dreg:$0x0] =	wrdreg $0x60  }
0xae: {  	[dreg:$0x2] =	wrdreg s24  }
0xaf: {  	[dreg:$0x3] =	wrdreg $0x9  }
0xb0: {  	_ =	task.clear_ibuf [dreg:s6], $0x4FFFF;
	_ =	strace $0x90000046  }
0xb1: {  	s29 =	simm.s32 $0x9;
	_ =	strace $0x80000048  }
0xb2: {  	_ =	swait.ge [sflag:s29], $0x1  }
0xb3: {  	[sflag:s29] =	ssyncadd.s32 $0xFFFFFFFF  }
0xb4: {  	_ =	strace $0x90000048  }
0xb5: {  	_ =	sfence  }
0xb6: {  	s30 =	sld [smem:$0x0];
	_ =	sdelay $0x2  }
0xb7: {  	s31 =	sshll.u32 s1, $0xD;
	s1 =	sshrl.u32 s1, $0x2  }
0xb8: {  	s3 =	sand.u32 $0x4000, s31;
	s1 =	sadd.s32 s1, s30  }
0xb9: {  	s0 =	sor.u32 s3, s0;
	s1 =	sshll.u32 s1, $0x11  }
0xba: {  	s0 =	sor.u32 s1, s0  }
0xbb: {  	s0 =	sadd.s32 $0x8F2B, s0  }
0xbc: {  	[sflag:s0] =	ssyncadd.remote.s32 $0x1  }
0xbd: {  	_ =	sfence.sel $0xFFFF  }
0xbe: {  	[dreg:$0x0] =	wrdreg $0xFFFFFFFF;
	(pc) =	sbr.abs _section_cstart, $3  }
0xbf: {  	[dreg:$0x1] =	wrdreg $0xFFFFFFFF  }
0xc0: {  	_ =	task.clear_ibuf [dreg:s6], $0x2FFFF;
	_ =	strace $0x9FFFFFFF  }
0xc1: {  	(tm) =	ssettm $0x7FFFFFFF  }
tec
execute0_lowered:
.L_overlay_start_1:
0x0: {  	(tag) =	ssettag $0x1  }
0x1: {  	s4 =	rddreg [dreg:$0x0]  }
0x2: {  	s0 =	rddreg [dreg:$0x1];
	s2 =	simm.s32 $0x0;
	s1 =	stileid.u32  }
0x3: {  	s3 =	srdreg.scid;
	s10 =	simm.s32 $0x0;
	s6 =	smul.u32 $0x2800, s1  }
0x4: {  	[smem:$0x7FF] =	sst s2;
	s5 =	sand.u32 $0x1, s3;
	s8 =	smul.u32 $0x5000, s1  }
0x5: {  	s3 =	sadd.s32 $0xAE00, s4;
	s7 =	smul.u32 $0x1400, s5;
	s9 =	ssub.s32 $0x2, s5  }
0x6: {  	_ =	strace $0x80000047;
	s5 =	smul.u32 $0x2800, s5;
	s31 =	sshrl.u32 s9, $0x1  }
0x7: {  	s8 =	sadd.s32 s8, s4;
	s6 =	sadd.s32 s7, s6;
	s7 =	ssub.s32 s9, s31  }
0x8: {  	s5 =	sadd.s32 s5, s8;
	s8 =	simm.s32 $0x200;
	s6 =	sshrl.u32 s6, $0x3  }
0x9: {  	s9 =	simm.s32 $0x1;
	s5 =	sadd.s32 $0x12E00, s5;
	s6 =	sadd.s32 s6, s4  }
0xa: {  	s4 =	smax.u32 s7, $0x1;
	s7 =	simm.s32 $0x2;
	s6 =	sadd.s32 $0x5E00, s6  }
.LBB2_1:
0xb: {  	s11 =	sadd.s32 $0x0, s6  }
0xc: {  	[tilespmem:s2], [sflag:$0x2] =	stream.linear.gather [hbm4b:s11+s2], $0x200, $0x38;
	[tilespmem:$0x2200] =	vst v63  }
0xd: {  	_ =	swait.ge [sflag:s7], $0x200  }
0xe: {  	[sflag:s7] =	ssyncset.done $0x0  }
0xf: {  	[sflag:s7] =	ssyncadd.s32 $0xFFFFFE00  }
0x10: {  	[tilespmem:s8], [sflag:$0x1] =	stream.indirect.gather [hbm4b:s3+s8], $0x10, s2, s8, $0xb8;
	[tilespmem:$0x2200] =	vst v63  }
0x11: {  	_ =	swait.ge [sflag:s9], $0x2000  }
0x12: {  	[sflag:s9] =	ssyncset.done $0x0  }
0x13: {  	[sflag:s9] =	ssyncadd.s32 $0xFFFFE000  }
0x14: {  	[hbm4b:s5+s2] =	stream.linear.scatter [tilespmem:s8], [sflag:$0x2], $0x2000, $0x38;
	[tilespmem:$0x2200] =	vst v63  }
0x15: {  	s12 =	simm.s32 $0x40;
	_ =	swait.ge [sflag:s7], $0x2000  }
0x16: {  	s13 =	simm.s32 $0x80;
	s11 =	sadd.s32 $0x400, s5;
	[sflag:s7] =	ssyncset.done $0x0  }
.LBB2_2:
0x17: {  	s14 =	sadd.s32 s12, s6  }
0x18: {  	[sflag:s7] =	ssyncadd.s32 $0xFFFFE000;
	s12 =	smov.u32 s13;
	s15 =	sadd.s32 $0x40, s13  }
0x19: {  	[tilespmem:s2], [sflag:$0x2] =	stream.linear.gather [hbm4b:s14+s2], $0x200, $0x38;
	[tilespmem:$0x2200] =	vst v63  }
0x1a: {  	p0 =	sne.s32 s13, $0x240;
	_ =	swait.ge [sflag:s7], $0x200  }
0x1b: {  	[sflag:s7] =	ssyncset.done $0x0  }
0x1c: {  	[sflag:s7] =	ssyncadd.s32 $0xFFFFFE00  }
0x1d: {  	[tilespmem:s8], [sflag:$0x1] =	stream.indirect.gather [hbm4b:s3+s8], $0x10, s2, s8, $0xb8;
	[tilespmem:$0x2200] =	vst v63  }
0x1e: {  	_ =	swait.ge [sflag:s9], $0x2000  }
.Ltmp0:
0x1f: {  	[sflag:s9] =	ssyncset.done $0x0;
	(pc) =	sbr.rel @p0 .LBB2_2-.Ltmp0, $4  }
0x20: {  	[sflag:s9] =	ssyncadd.s32 $0xFFFFE000  }
0x21: {  	[hbm4b:s11+s2] =	stream.linear.scatter [tilespmem:s8], [sflag:$0x2], $0x2000, $0x38;
	[tilespmem:$0x2200] =	vst v63  }
0x22: {  	_ =	swait.ge [sflag:s7], $0x2000  }
0x23: {  	s13 =	smov.u32 s15;
	s11 =	sadd.s32 $0x400, s11;
	[sflag:s7] =	ssyncset.done $0x0  }
0x24: {  	s12 =	sadd.s32 s12, s6;
	[sflag:s7] =	ssyncadd.s32 $0xFFFFE000  }
0x25: {  	[tilespmem:s2], [sflag:$0x2] =	stream.linear.gather [hbm4b:s12+s2], $0x200, $0x38;
	[tilespmem:$0x2200] =	vst v63  }
0x26: {  	_ =	swait.ge [sflag:s7], $0x200  }
0x27: {  	[sflag:s7] =	ssyncset.done $0x0  }
0x28: {  	[sflag:s7] =	ssyncadd.s32 $0xFFFFFE00  }
0x29: {  	[tilespmem:s8], [sflag:$0x1] =	stream.indirect.gather [hbm4b:s3+s8], $0x10, s2, s8, $0xb8;
	[tilespmem:$0x2200] =	vst v63  }
0x2a: {  	s10 =	sadd.s32 $0x1, s10;
	_ =	swait.ge [sflag:s9], $0x2000  }
0x2b: {  	p0 =	sne.s32 s10, s4;
	[sflag:s9] =	ssyncset.done $0x0  }
.Ltmp1:
0x2c: {  	[sflag:s9] =	ssyncadd.s32 $0xFFFFE000;
	(pc) =	sbr.rel @p0 .LBB2_1-.Ltmp1, $4  }
0x2d: {  	[hbm4b:s11+s2] =	stream.linear.scatter [tilespmem:s8], [sflag:$0x2], $0x2000, $0x38;
	[tilespmem:$0x2200] =	vst v63  }
0x2e: {  	_ =	swait.ge [sflag:s7], $0x2000  }
0x2f: {  	[sflag:s7] =	ssyncset.done $0x0  }
0x30: {  	[sflag:s7] =	ssyncadd.s32 $0xFFFFE000  }
0x31: {  	_ =	sfence.sel $0x180000  }
0x32: {  	[bflag:$0x0] =	sbarrier.arrive $0xFFFF  }
0x33: {  	p0 =	sne.s32 s1, $0x0;
	_ =	strace $0x90000047  }
0x34: {  	s0 =	sadd.s32 @!p0 $0x100000, s0;
	[bflag:$0x2] =	sbarrier.arrive $0xFFFF  }
0x35: {  	[sflag:s0] =	ssyncadd.tile.s32 @!p0 $0x1;
	_ =	shalt  }
.Lfunc_end2:
_tile_overlayer_lowered:
.L_overlay_start_2:
0x36: {  	(tag) =	ssettag $0x2  }
0x37: {  	s0 =	rddreg [dreg:$0x0];
	s2 =	stileid.u32  }
0x38: {  	s1 =	rddreg [dreg:$0x1];
	p0 =	sne.s32 s2, $0x0  }
0x39: {  	s3 =	rddreg [dreg:$0x2];
	[bflag:$0x3] =	sbarrier.arrive $0xFFFF;
	s2 =	simm.s32 @!p0 $0x1C02  }
0x3a: {  	[timem:s3], [sflag:s2] =	dma.local @!p0 [hbm:s0], s1  }
0x3b: {  	s0 =	simm.s32 @!p0 $0x2  }
0x3c: {  	_ =	swait.ge @!p0 [sflag:s0], s1  }
0x3d: {  	s1 =	ssub.s32 @!p0 $0x0, s1;
	[sflag:s0] =	ssyncset.done @!p0 $0x0  }
0x3e: {  	[sflag:s0] =	ssyncadd.s32 @!p0 s1  }
0x3f: {  	[bflag:$0x3] =	sbarrier.arrive $0xFFFF  }
0x40: {  	_ =	shalt  }

// kernel: kernel.30.cloned.1.call-start
scs
__scs_entry_jumppad:
0x0: {  	(pc) =	sbr.rel $0x88, $3  }
0x1: {  	(tag) =	ssettag $0x0;
	lr =	simm.s32 $0x1  }
0x2: {  	[smem:$0x3F80] =	sst lr;
	_ =	strace $0xD0000000  }
0x3: {  	_ = 	snop  }
0x4: {  	_ = 	snop  }
0x5: {  	_ = 	snop  }
0x6: {  	_ = 	snop  }
0x7: {  	_ = 	snop  }
__scs_overlays_trampoline_lowered:
0x8: {  	[smem:$0x3F8F] =	sst s0  }
0x9: {  	[smem:$0x3F90] =	sst s1  }
0xa: {  	[smem:$0x3F91] =	sst s2  }
0xb: {  	[smem:$0x3F92] =	sst s3  }
0xc: {  	[smem:$0x3F93] =	sst s4  }
0xd: {  	[smem:$0x3F94] =	sst s5  }
0xe: {  	[smem:$0x3F95] =	sst s6  }
0xf: {  	[smem:$0x3F96] =	sst s7  }
0x10: {  	[smem:$0x3F97] =	sst s8  }
0x11: {  	[smem:$0x3F98] =	sst s9;
	s0 =	simm.s32 @!p0 $0x0  }
0x12: {  	s1 =	sld [smem:$0x3F7E];
	s0 =	simm.s32 @p0 $0x1  }
0x13: {  	[smem:$0x3F99] =	sst s0;
	s0 =	simm.s32 @!p1 $0x0  }
0x14: {  	s2 =	sld [smem:$0x3F7D];
	s0 =	simm.s32 @p1 $0x1  }
0x15: {  	[smem:$0x3F9A] =	sst s0;
	s0 =	simm.s32 @!p2 $0x0  }
0x16: {  	s3 =	sld [smem:$0x3FDB];
	s0 =	simm.s32 @p2 $0x1  }
0x17: {  	s4 =	simm.s32 $0x1BF5;
	[smem:$0x3F9C] =	sst s0  }
0x18: {  	s0 =	sld [smem:$0x3F7F];
	_ =	swait.ge [sflag:s4], $0x0  }
0x19: {  	s7 =	sld [smem:$0x3F80]  }
0x1a: {  	s8 =	sadd.s32 $0xFFFFE003, lr  }
0x1b: {  	s9 =	sadd.s32 $0xFFFFFEF7, lr;
	s5 =	simm.s32 $0xFFFFFFFF;
	p2 =	slt.u32 s8, $0xFFFFF086  }
0x1c: {  	p1 =	slt.u32 s9, $0xF7A;
	s5 =	simm.s32 @!p2 $0x0  }
0x1d: {  	s5 =	simm.s32 @p1 $0x1;
	p0 =	seq.s32 s7, s2  }
0x1e: {  	s7 =	smul.u32 @!p0 $0xF7A, s2;
	p2 =	seq.s32 @!p0 s5, $0x0  }
0x1f: {  	s9 =	smul.u32 $0xF7A, s1;
	s8 =	simm.s32 @!p0 $0x1BF5;
	p2 =	por !p2, p0  }
0x20: {  	[sflag:s8] =	ssyncset.s32 @!p0 $0xFFFFF086;
	s6 =	sadd.s32 @!p0 s3, s7;
	s7 =	simm.s32 @!p0 $0x108  }
0x21: {  	s3 =	sadd.s32 s3, s9;
	s6 =	sadd.s32 @!p0 $0x88, s6;
	s7 =	simm.s32 @p2 $0x1082  }
0x22: {  	[simem:s7], [sflag:s8] =	dma.local @!p0 [hbm:s6], $0xF7A  }
0x23: {  	s9 =	sor.u32 $0xD0000000, s2;
	s6 =	simm.s32 $0x108;
	_ =	swait.ge @!p0 [sflag:s8], $0x0  }
0x24: {  	s3 =	sadd.s32 $0x88, s3;
	s6 =	simm.s32 @!p1 $0x1082;
	[sflag:s4] =	ssyncset.s32 $0xFFFFF086  }
0x25: {  	[simem:s6], [sflag:s4] =	dma.local [hbm:s3], $0xF7A  }
0x26: {  	[smem:$0x3F80] =	sst s1;
	(tag) =	ssettag s2;
	_ =	strace s9  }
0x27: {  	s1 =	sld [smem:$0x3F90]  }
0x28: {  	s2 =	sld [smem:$0x3F91]  }
0x29: {  	s4 =	sld [smem:$0x3F93]  }
0x2a: {  	p0 =	seq.s32 s5, $0x0;
	s5 =	sld [smem:$0x3F94]  }
0x2b: {  	s6 =	sld [smem:$0x3F95]  }
0x2c: {  	s7 =	sld [smem:$0x3F96]  }
0x2d: {  	s3 =	simm.s32 $0x108;
	s8 =	sld [smem:$0x3F97]  }
0x2e: {  	s3 =	simm.s32 @!p0 $0x1082;
	s9 =	sld [smem:$0x3F98]  }
0x2f: {  	lr =	sadd.s32 s0, s3;
	s0 =	sld [smem:$0x3F8F]  }
0x30: {  	s3 =	sld [smem:$0x3F92]  }
0x31: {  	[smem:$0x3F9B] =	sst s10  }
0x32: {  	s10 =	sld [smem:$0x3F99];
	_ =	sdelay $0x3  }
0x33: {  	p0 =	seq.s32 s10, $0x1;
	s10 =	sld [smem:$0x3F9B];
	_ =	sdelay $0x3  }
0x34: {  	[smem:$0x3F9B] =	sst s10  }
0x35: {  	s10 =	sld [smem:$0x3F9A];
	_ =	sdelay $0x3  }
0x36: {  	p1 =	seq.s32 s10, $0x1;
	s10 =	sld [smem:$0x3F9B];
	_ =	sdelay $0x3  }
0x37: {  	[smem:$0x3F9B] =	sst s10  }
0x38: {  	s10 =	sld [smem:$0x3F9C]  }
0x39: {  	_ = 	snop;
	(pc) =	sbr.ind lr, $3  }
0x3a: {  	_ = 	snop  }
0x3b: {  	_ = 	snop  }
0x3c: {  	p2 =	seq.s32 s10, $0x1;
	s10 =	sld [smem:$0x3F9B]  }
0x3d: {  	_ =	shalt  }
0x3e: {  	_ =	shalt  }
0x3f: {  	_ =	shalt  }
0x40: {  	_ =	shalt  }
0x41: {  	_ =	shalt  }
0x42: {  	_ =	shalt  }
0x43: {  	_ =	shalt  }
0x44: {  	_ =	shalt  }
0x45: {  	_ =	shalt  }
0x46: {  	_ =	shalt  }
0x47: {  	_ =	shalt  }
0x48: {  	_ =	shalt  }
0x49: {  	_ =	shalt  }
0x4a: {  	_ =	shalt  }
0x4b: {  	_ =	shalt  }
0x4c: {  	_ =	shalt  }
0x4d: {  	_ =	shalt  }
0x4e: {  	_ =	shalt  }
0x4f: {  	_ =	shalt  }
0x50: {  	_ =	shalt  }
0x51: {  	_ =	shalt  }
0x52: {  	_ =	shalt  }
0x53: {  	_ =	shalt  }
0x54: {  	_ =	shalt  }
0x55: {  	_ =	shalt  }
0x56: {  	_ =	shalt  }
0x57: {  	_ =	shalt  }
0x58: {  	_ =	shalt  }
0x59: {  	_ =	shalt  }
0x5a: {  	_ =	shalt  }
0x5b: {  	_ =	shalt  }
0x5c: {  	_ =	shalt  }
0x5d: {  	_ =	shalt  }
0x5e: {  	_ =	shalt  }
0x5f: {  	_ =	shalt  }
0x60: {  	_ =	shalt  }
0x61: {  	_ =	shalt  }
0x62: {  	_ =	shalt  }
0x63: {  	_ =	shalt  }
0x64: {  	_ =	shalt  }
0x65: {  	_ =	shalt  }
0x66: {  	_ =	shalt  }
0x67: {  	_ =	shalt  }
0x68: {  	_ =	shalt  }
0x69: {  	_ =	shalt  }
0x6a: {  	_ =	shalt  }
0x6b: {  	_ =	shalt  }
0x6c: {  	_ =	shalt  }
0x6d: {  	_ =	shalt  }
0x6e: {  	_ =	shalt  }
0x6f: {  	_ =	shalt  }
0x70: {  	_ =	shalt  }
0x71: {  	_ =	shalt  }
0x72: {  	_ =	shalt  }
0x73: {  	_ =	shalt  }
0x74: {  	_ =	shalt  }
0x75: {  	_ =	shalt  }
0x76: {  	_ =	shalt  }
0x77: {  	_ =	shalt  }
0x78: {  	_ =	shalt  }
0x79: {  	_ =	shalt  }
0x7a: {  	_ =	shalt  }
0x7b: {  	_ =	shalt  }
0x7c: {  	_ =	shalt  }
0x7d: {  	_ =	shalt  }
0x7e: {  	_ =	shalt  }
0x7f: {  	_ =	shalt  }
0x80: {  	_ =	shalt  }
0x81: {  	_ =	shalt  }
0x82: {  	_ =	shalt  }
0x83: {  	_ =	shalt  }
0x84: {  	_ =	shalt  }
0x85: {  	_ =	shalt  }
0x86: {  	_ =	shalt  }
0x87: {  	_ =	shalt  }
.Lfunc_end0:
.L_simem_size_0:
called_computation.1_lowered:
.L_overlay_start_0:
0x88: {  	s2 =	sld [smem:$0x3FD9]  }
0x89: {  	s3 =	sld [smem:$0x3FFE];
	_ =	sdelay $0x1  }
0x8a: {  	s1 =	srdreg.scid  }
0x8b: {  	s0 =	sand.u32 $0x1, s1  }
0x8c: {  	s16 =	sshll.u32 s0, $0xA;
	s2 =	sadd.s32 s3, s2  }
0x8d: {  	s2 =	sadd.s32 s2, s16  }
0x8e: {  	[smem:$0x3FA7] =	sst s2  }
0x8f: {  	_ = 	snop  }
0x90: {  	(tm) =	ssettm $0x1  }
0x91: {  	s17 =	sld [smem:$0x3FFB];
	_ =	sdelay $0x3  }
0x92: {  	_ =	strace s17  }
0x93: {  	s2 =	sld [smem:$0x3FFC];
	_ =	sdelay $0x3  }
0x94: {  	_ =	strace s2  }
0x95: {  	s2 =	sld [smem:$0x3FFD];
	_ =	sdelay $0x3  }
0x96: {  	_ =	strace s2  }
0x97: {  	_ =	strace $0x8FFFFFFF  }
0x98: {  	s18 =	sld [smem:$0x3FDB];
	_ =	sdelay $0x1  }
0x99: {  	s19 =	simm.s32 $_scs_section_size  }
0x9a: {  	s4 =	simm.s32 $_size__tile_overlayer_lowered;
	s5 =	simm.s32 $_tile_overlayer_lowered  }
0x9b: {  	s22 =	simm.s32 $0x1BFF;
	s21 =	sshll.u32 s5, $0x1;
	s2 =	sadd.s32 s19, s18  }
0x9c: {  	s6 =	simm.s32 $0x0;
	s20 =	sshll.u32 s4, $0x1;
	s4 =	sadd.s32 s21, s2  }
0x9d: {  	[timem:s6], [sflag:s22] =	dma.local [hbm:s4], s20  }
0x9e: {  	_ =	swait.ge [sflag:s22], s20  }
0x9f: {  	s3 =	ssub.s32 $0x0, s20;
	[sflag:s22] =	ssyncset.done $0x0  }
0xa0: {  	[sflag:s22] =	ssyncadd.s32 s3;
	_ =	sdelay $0x1  }
0xa1: {  	s23 =	simm.s32 $0x1B8B  }
0xa2: {  	_ =	swait.ge [sflag:s23], $0x1  }
0xa3: {  	[sflag:s23] =	ssyncset.done $0x0  }
0xa4: {  	s25 =	simm.s32 $0x1B8E;
	s24 =	sld [smem:$0x3FFE];
	[sflag:s23] =	ssyncadd.s32 $0xFFFFFFFF  }
0xa5: {  	s26 =	simm.s32 $execute0_lowered;
	[smem:$0x3FD2] =	sst s25  }
0xa6: {  	s4 =	sshll.u32 s26, $0x1;
	_ =	strace $0x80000049;
	[dreg:$0x1] =	wrdreg $0xFFFFFFFF  }
0xa7: {  	s28 =	simm.s32 $_size_execute0_lowered;
	s2 =	sadd.s32 s2, s4;
	[dreg:$0x0] =	wrdreg $0x0  }
0xa8: {  	s4 =	sshll.u32 s28, $0x1;
	[dreg:$0x2] =	wrdreg s2  }
0xa9: {  	[dreg:$0x3] =	wrdreg s4  }
0xaa: {  	[dreg:$0x4] =	wrdreg $0xC0  }
0xab: {  	_ =	task [dreg:s6], $0x5FFFF  }
0xac: {  	[dreg:$0x1] =	wrdreg $0xFFFFFFFF  }
0xad: {  	[dreg:$0x0] =	wrdreg $0x60  }
0xae: {  	[dreg:$0x2] =	wrdreg s24  }
0xaf: {  	[dreg:$0x3] =	wrdreg $0x9  }
0xb0: {  	_ =	task.clear_ibuf [dreg:s6], $0x4FFFF;
	_ =	strace $0x90000049  }
0xb1: {  	s29 =	simm.s32 $0x9;
	_ =	strace $0x8000004B  }
0xb2: {  	_ =	swait.ge [sflag:s29], $0x1  }
0xb3: {  	[sflag:s29] =	ssyncadd.s32 $0xFFFFFFFF  }
0xb4: {  	_ =	strace $0x9000004B  }
0xb5: {  	_ =	sfence  }
0xb6: {  	s30 =	sld [smem:$0x0];
	_ =	sdelay $0x2  }
0xb7: {  	s31 =	sshll.u32 s1, $0xD;
	s1 =	sshrl.u32 s1, $0x2  }
0xb8: {  	s3 =	sand.u32 $0x4000, s31;
	s1 =	sadd.s32 s1, s30  }
0xb9: {  	s0 =	sor.u32 s3, s0;
	s1 =	sshll.u32 s1, $0x11  }
0xba: {  	s0 =	sor.u32 s1, s0  }
0xbb: {  	s0 =	sadd.s32 $0x8F2B, s0  }
0xbc: {  	[sflag:s0] =	ssyncadd.remote.s32 $0x1  }
0xbd: {  	_ =	sfence.sel $0xFFFF  }
0xbe: {  	[dreg:$0x0] =	wrdreg $0xFFFFFFFF;
	(pc) =	sbr.abs _section_cstart, $3  }
0xbf: {  	[dreg:$0x1] =	wrdreg $0xFFFFFFFF  }
0xc0: {  	_ =	task.clear_ibuf [dreg:s6], $0x2FFFF;
	_ =	strace $0x9FFFFFFF  }
0xc1: {  	(tm) =	ssettm $0x7FFFFFFF  }
tec
execute0_lowered:
.L_overlay_start_1:
0x0: {  	(tag) =	ssettag $0x1  }
0x1: {  	s4 =	rddreg [dreg:$0x0]  }
0x2: {  	s0 =	rddreg [dreg:$0x1];
	s2 =	simm.s32 $0x0;
	s1 =	stileid.u32  }
0x3: {  	s3 =	srdreg.scid;
	s10 =	simm.s32 $0x0;
	s6 =	smul.u32 $0x2800, s1  }
0x4: {  	[smem:$0x7FF] =	sst s2;
	s5 =	sand.u32 $0x1, s3;
	s8 =	smul.u32 $0x14000, s1  }
0x5: {  	s3 =	sadd.s32 $0x45E00, s4;
	s7 =	smul.u32 $0x1400, s5;
	s9 =	ssub.s32 $0x2, s5  }
0x6: {  	_ =	strace $0x8000004A;
	s5 =	smul.u32 $0xA000, s5;
	s31 =	sshrl.u32 s9, $0x1  }
0x7: {  	s8 =	sadd.s32 s8, s4;
	s6 =	sadd.s32 s7, s6;
	s7 =	ssub.s32 s9, s31  }
0x8: {  	s5 =	sadd.s32 s5, s8;
	s8 =	simm.s32 $0x200;
	s6 =	sshrl.u32 s6, $0x3  }
0x9: {  	s9 =	simm.s32 $0x1;
	s5 =	sadd.s32 $0x6AE00, s5;
	s6 =	sadd.s32 s6, s4  }
0xa: {  	s4 =	smax.u32 s7, $0x1;
	s7 =	simm.s32 $0x2;
	s6 =	sadd.s32 $0x65E00, s6  }
.LBB2_1:
0xb: {  	s11 =	sadd.s32 $0x0, s6  }
0xc: {  	[tilespmem:s2], [sflag:$0x2] =	stream.linear.gather [hbm4b:s11+s2], $0x200, $0x38;
	[tilespmem:$0x8200] =	vst v63  }
0xd: {  	_ =	swait.ge [sflag:s7], $0x200  }
0xe: {  	[sflag:s7] =	ssyncset.done $0x0  }
0xf: {  	[sflag:s7] =	ssyncadd.s32 $0xFFFFFE00  }
0x10: {  	[tilespmem:s8], [sflag:$0x1] =	stream.indirect.gather [hbm4b:s3+s8], $0x40, s2, s8, $0xb8;
	[tilespmem:$0x8200] =	vst v63  }
0x11: {  	_ =	swait.ge [sflag:s9], $0x8000  }
0x12: {  	[sflag:s9] =	ssyncset.done $0x0  }
0x13: {  	[sflag:s9] =	ssyncadd.s32 $0xFFFF8000  }
0x14: {  	[hbm4b:s5+s2] =	stream.linear.scatter [tilespmem:s8], [sflag:$0x2], $0x8000, $0x38;
	[tilespmem:$0x8200] =	vst v63  }
0x15: {  	s12 =	simm.s32 $0x40;
	_ =	swait.ge [sflag:s7], $0x8000  }
0x16: {  	s13 =	simm.s32 $0x80;
	s11 =	sadd.s32 $0x1000, s5;
	[sflag:s7] =	ssyncset.done $0x0  }
.LBB2_2:
0x17: {  	s14 =	sadd.s32 s12, s6  }
0x18: {  	[sflag:s7] =	ssyncadd.s32 $0xFFFF8000;
	s12 =	smov.u32 s13;
	s15 =	sadd.s32 $0x40, s13  }
0x19: {  	[tilespmem:s2], [sflag:$0x2] =	stream.linear.gather [hbm4b:s14+s2], $0x200, $0x38;
	[tilespmem:$0x8200] =	vst v63  }
0x1a: {  	p0 =	sne.s32 s13, $0x240;
	_ =	swait.ge [sflag:s7], $0x200  }
0x1b: {  	[sflag:s7] =	ssyncset.done $0x0  }
0x1c: {  	[sflag:s7] =	ssyncadd.s32 $0xFFFFFE00  }
0x1d: {  	[tilespmem:s8], [sflag:$0x1] =	stream.indirect.gather [hbm4b:s3+s8], $0x40, s2, s8, $0xb8;
	[tilespmem:$0x8200] =	vst v63  }
0x1e: {  	_ =	swait.ge [sflag:s9], $0x8000  }
.Ltmp0:
0x1f: {  	[sflag:s9] =	ssyncset.done $0x0;
	(pc) =	sbr.rel @p0 .LBB2_2-.Ltmp0, $4  }
0x20: {  	[sflag:s9] =	ssyncadd.s32 $0xFFFF8000  }
0x21: {  	[hbm4b:s11+s2] =	stream.linear.scatter [tilespmem:s8], [sflag:$0x2], $0x8000, $0x38;
	[tilespmem:$0x8200] =	vst v63  }
0x22: {  	_ =	swait.ge [sflag:s7], $0x8000  }
0x23: {  	s13 =	smov.u32 s15;
	s11 =	sadd.s32 $0x1000, s11;
	[sflag:s7] =	ssyncset.done $0x0  }
0x24: {  	s12 =	sadd.s32 s12, s6;
	[sflag:s7] =	ssyncadd.s32 $0xFFFF8000  }
0x25: {  	[tilespmem:s2], [sflag:$0x2] =	stream.linear.gather [hbm4b:s12+s2], $0x200, $0x38;
	[tilespmem:$0x8200] =	vst v63  }
0x26: {  	_ =	swait.ge [sflag:s7], $0x200  }
0x27: {  	[sflag:s7] =	ssyncset.done $0x0  }
0x28: {  	[sflag:s7] =	ssyncadd.s32 $0xFFFFFE00  }
0x29: {  	[tilespmem:s8], [sflag:$0x1] =	stream.indirect.gather [hbm4b:s3+s8], $0x40, s2, s8, $0xb8;
	[tilespmem:$0x8200] =	vst v63  }
0x2a: {  	s10 =	sadd.s32 $0x1, s10;
	_ =	swait.ge [sflag:s9], $0x8000  }
0x2b: {  	p0 =	sne.s32 s10, s4;
	[sflag:s9] =	ssyncset.done $0x0  }
.Ltmp1:
0x2c: {  	[sflag:s9] =	ssyncadd.s32 $0xFFFF8000;
	(pc) =	sbr.rel @p0 .LBB2_1-.Ltmp1, $4  }
0x2d: {  	[hbm4b:s11+s2] =	stream.linear.scatter [tilespmem:s8], [sflag:$0x2], $0x8000, $0x38;
	[tilespmem:$0x8200] =	vst v63  }
0x2e: {  	_ =	swait.ge [sflag:s7], $0x8000  }
0x2f: {  	[sflag:s7] =	ssyncset.done $0x0  }
0x30: {  	[sflag:s7] =	ssyncadd.s32 $0xFFFF8000  }
0x31: {  	_ =	sfence.sel $0x180000  }
0x32: {  	[bflag:$0x0] =	sbarrier.arrive $0xFFFF  }
0x33: {  	p0 =	sne.s32 s1, $0x0;
	_ =	strace $0x9000004A  }
0x34: {  	s0 =	sadd.s32 @!p0 $0x100000, s0;
	[bflag:$0x2] =	sbarrier.arrive $0xFFFF  }
0x35: {  	[sflag:s0] =	ssyncadd.tile.s32 @!p0 $0x1;
	_ =	shalt  }
.Lfunc_end2:
_tile_overlayer_lowered:
.L_overlay_start_2:
0x36: {  	(tag) =	ssettag $0x2  }
0x37: {  	s0 =	rddreg [dreg:$0x0];
	s2 =	stileid.u32  }
0x38: {  	s1 =	rddreg [dreg:$0x1];
	p0 =	sne.s32 s2, $0x0  }
0x39: {  	s3 =	rddreg [dreg:$0x2];
	[bflag:$0x3] =	sbarrier.arrive $0xFFFF;
	s2 =	simm.s32 @!p0 $0x1C02  }
0x3a: {  	[timem:s3], [sflag:s2] =	dma.local @!p0 [hbm:s0], s1  }
0x3b: {  	s0 =	simm.s32 @!p0 $0x2  }
0x3c: {  	_ =	swait.ge @!p0 [sflag:s0], s1  }
0x3d: {  	s1 =	ssub.s32 @!p0 $0x0, s1;
	[sflag:s0] =	ssyncset.done @!p0 $0x0  }
0x3e: {  	[sflag:s0] =	ssyncadd.s32 @!p0 s1  }
0x3f: {  	[bflag:$0x3] =	sbarrier.arrive $0xFFFF  }
0x40: {  	_ =	shalt  }

// kernel: kernel.33.cloned.1.call-start
scs
__scs_entry_jumppad:
0x0: {  	(pc) =	sbr.rel $0x88, $3  }
0x1: {  	(tag) =	ssettag $0x0;
	lr =	simm.s32 $0x1  }
0x2: {  	[smem:$0x3F80] =	sst lr;
	_ =	strace $0xD0000000  }
0x3: {  	_ = 	snop  }
0x4: {  	_ = 	snop  }
0x5: {  	_ = 	snop  }
0x6: {  	_ = 	snop  }
0x7: {  	_ = 	snop  }
__scs_overlays_trampoline_lowered:
0x8: {  	[smem:$0x3F8F] =	sst s0  }
0x9: {  	[smem:$0x3F90] =	sst s1  }
0xa: {  	[smem:$0x3F91] =	sst s2  }
0xb: {  	[smem:$0x3F92] =	sst s3  }
0xc: {  	[smem:$0x3F93] =	sst s4  }
0xd: {  	[smem:$0x3F94] =	sst s5  }
0xe: {  	[smem:$0x3F95] =	sst s6  }
0xf: {  	[smem:$0x3F96] =	sst s7  }
0x10: {  	[smem:$0x3F97] =	sst s8  }
0x11: {  	[smem:$0x3F98] =	sst s9;
	s0 =	simm.s32 @!p0 $0x0  }
0x12: {  	s1 =	sld [smem:$0x3F7E];
	s0 =	simm.s32 @p0 $0x1  }
0x13: {  	[smem:$0x3F99] =	sst s0;
	s0 =	simm.s32 @!p1 $0x0  }
0x14: {  	s2 =	sld [smem:$0x3F7D];
	s0 =	simm.s32 @p1 $0x1  }
0x15: {  	[smem:$0x3F9A] =	sst s0;
	s0 =	simm.s32 @!p2 $0x0  }
0x16: {  	s3 =	sld [smem:$0x3FDB];
	s0 =	simm.s32 @p2 $0x1  }
0x17: {  	s4 =	simm.s32 $0x1BF5;
	[smem:$0x3F9C] =	sst s0  }
0x18: {  	s0 =	sld [smem:$0x3F7F];
	_ =	swait.ge [sflag:s4], $0x0  }
0x19: {  	s7 =	sld [smem:$0x3F80]  }
0x1a: {  	s8 =	sadd.s32 $0xFFFFE003, lr  }
0x1b: {  	s9 =	sadd.s32 $0xFFFFFEF7, lr;
	s5 =	simm.s32 $0xFFFFFFFF;
	p2 =	slt.u32 s8, $0xFFFFF086  }
0x1c: {  	p1 =	slt.u32 s9, $0xF7A;
	s5 =	simm.s32 @!p2 $0x0  }
0x1d: {  	s5 =	simm.s32 @p1 $0x1;
	p0 =	seq.s32 s7, s2  }
0x1e: {  	s7 =	smul.u32 @!p0 $0xF7A, s2;
	p2 =	seq.s32 @!p0 s5, $0x0  }
0x1f: {  	s9 =	smul.u32 $0xF7A, s1;
	s8 =	simm.s32 @!p0 $0x1BF5;
	p2 =	por !p2, p0  }
0x20: {  	[sflag:s8] =	ssyncset.s32 @!p0 $0xFFFFF086;
	s6 =	sadd.s32 @!p0 s3, s7;
	s7 =	simm.s32 @!p0 $0x108  }
0x21: {  	s3 =	sadd.s32 s3, s9;
	s6 =	sadd.s32 @!p0 $0x88, s6;
	s7 =	simm.s32 @p2 $0x1082  }
0x22: {  	[simem:s7], [sflag:s8] =	dma.local @!p0 [hbm:s6], $0xF7A  }
0x23: {  	s9 =	sor.u32 $0xD0000000, s2;
	s6 =	simm.s32 $0x108;
	_ =	swait.ge @!p0 [sflag:s8], $0x0  }
0x24: {  	s3 =	sadd.s32 $0x88, s3;
	s6 =	simm.s32 @!p1 $0x1082;
	[sflag:s4] =	ssyncset.s32 $0xFFFFF086  }
0x25: {  	[simem:s6], [sflag:s4] =	dma.local [hbm:s3], $0xF7A  }
0x26: {  	[smem:$0x3F80] =	sst s1;
	(tag) =	ssettag s2;
	_ =	strace s9  }
0x27: {  	s1 =	sld [smem:$0x3F90]  }
0x28: {  	s2 =	sld [smem:$0x3F91]  }
0x29: {  	s4 =	sld [smem:$0x3F93]  }
0x2a: {  	p0 =	seq.s32 s5, $0x0;
	s5 =	sld [smem:$0x3F94]  }
0x2b: {  	s6 =	sld [smem:$0x3F95]  }
0x2c: {  	s7 =	sld [smem:$0x3F96]  }
0x2d: {  	s3 =	simm.s32 $0x108;
	s8 =	sld [smem:$0x3F97]  }
0x2e: {  	s3 =	simm.s32 @!p0 $0x1082;
	s9 =	sld [smem:$0x3F98]  }
0x2f: {  	lr =	sadd.s32 s0, s3;
	s0 =	sld [smem:$0x3F8F]  }
0x30: {  	s3 =	sld [smem:$0x3F92]  }
0x31: {  	[smem:$0x3F9B] =	sst s10  }
0x32: {  	s10 =	sld [smem:$0x3F99];
	_ =	sdelay $0x3  }
0x33: {  	p0 =	seq.s32 s10, $0x1;
	s10 =	sld [smem:$0x3F9B];
	_ =	sdelay $0x3  }
0x34: {  	[smem:$0x3F9B] =	sst s10  }
0x35: {  	s10 =	sld [smem:$0x3F9A];
	_ =	sdelay $0x3  }
0x36: {  	p1 =	seq.s32 s10, $0x1;
	s10 =	sld [smem:$0x3F9B];
	_ =	sdelay $0x3  }
0x37: {  	[smem:$0x3F9B] =	sst s10  }
0x38: {  	s10 =	sld [smem:$0x3F9C]  }
0x39: {  	_ = 	snop;
	(pc) =	sbr.ind lr, $3  }
0x3a: {  	_ = 	snop  }
0x3b: {  	_ = 	snop  }
0x3c: {  	p2 =	seq.s32 s10, $0x1;
	s10 =	sld [smem:$0x3F9B]  }
0x3d: {  	_ =	shalt  }
0x3e: {  	_ =	shalt  }
0x3f: {  	_ =	shalt  }
0x40: {  	_ =	shalt  }
0x41: {  	_ =	shalt  }
0x42: {  	_ =	shalt  }
0x43: {  	_ =	shalt  }
0x44: {  	_ =	shalt  }
0x45: {  	_ =	shalt  }
0x46: {  	_ =	shalt  }
0x47: {  	_ =	shalt  }
0x48: {  	_ =	shalt  }
0x49: {  	_ =	shalt  }
0x4a: {  	_ =	shalt  }
0x4b: {  	_ =	shalt  }
0x4c: {  	_ =	shalt  }
0x4d: {  	_ =	shalt  }
0x4e: {  	_ =	shalt  }
0x4f: {  	_ =	shalt  }
0x50: {  	_ =	shalt  }
0x51: {  	_ =	shalt  }
0x52: {  	_ =	shalt  }
0x53: {  	_ =	shalt  }
0x54: {  	_ =	shalt  }
0x55: {  	_ =	shalt  }
0x56: {  	_ =	shalt  }
0x57: {  	_ =	shalt  }
0x58: {  	_ =	shalt  }
0x59: {  	_ =	shalt  }
0x5a: {  	_ =	shalt  }
0x5b: {  	_ =	shalt  }
0x5c: {  	_ =	shalt  }
0x5d: {  	_ =	shalt  }
0x5e: {  	_ =	shalt  }
0x5f: {  	_ =	shalt  }
0x60: {  	_ =	shalt  }
0x61: {  	_ =	shalt  }
0x62: {  	_ =	shalt  }
0x63: {  	_ =	shalt  }
0x64: {  	_ =	shalt  }
0x65: {  	_ =	shalt  }
0x66: {  	_ =	shalt  }
0x67: {  	_ =	shalt  }
0x68: {  	_ =	shalt  }
0x69: {  	_ =	shalt  }
0x6a: {  	_ =	shalt  }
0x6b: {  	_ =	shalt  }
0x6c: {  	_ =	shalt  }
0x6d: {  	_ =	shalt  }
0x6e: {  	_ =	shalt  }
0x6f: {  	_ =	shalt  }
0x70: {  	_ =	shalt  }
0x71: {  	_ =	shalt  }
0x72: {  	_ =	shalt  }
0x73: {  	_ =	shalt  }
0x74: {  	_ =	shalt  }
0x75: {  	_ =	shalt  }
0x76: {  	_ =	shalt  }
0x77: {  	_ =	shalt  }
0x78: {  	_ =	shalt  }
0x79: {  	_ =	shalt  }
0x7a: {  	_ =	shalt  }
0x7b: {  	_ =	shalt  }
0x7c: {  	_ =	shalt  }
0x7d: {  	_ =	shalt  }
0x7e: {  	_ =	shalt  }
0x7f: {  	_ =	shalt  }
0x80: {  	_ =	shalt  }
0x81: {  	_ =	shalt  }
0x82: {  	_ =	shalt  }
0x83: {  	_ =	shalt  }
0x84: {  	_ =	shalt  }
0x85: {  	_ =	shalt  }
0x86: {  	_ =	shalt  }
0x87: {  	_ =	shalt  }
.Lfunc_end0:
.L_simem_size_0:
called_computation.2_lowered:
.L_overlay_start_0:
0x88: {  	s2 =	sld [smem:$0x3FD9]  }
0x89: {  	s3 =	sld [smem:$0x3FFE];
	_ =	sdelay $0x1  }
0x8a: {  	s1 =	srdreg.scid  }
0x8b: {  	s0 =	sand.u32 $0x1, s1  }
0x8c: {  	s16 =	sshll.u32 s0, $0xA;
	s2 =	sadd.s32 s3, s2  }
0x8d: {  	s2 =	sadd.s32 s2, s16  }
0x8e: {  	[smem:$0x3FA7] =	sst s2  }
0x8f: {  	_ = 	snop  }
0x90: {  	(tm) =	ssettm $0x1  }
0x91: {  	s17 =	sld [smem:$0x3FFB];
	_ =	sdelay $0x3  }
0x92: {  	_ =	strace s17  }
0x93: {  	s2 =	sld [smem:$0x3FFC];
	_ =	sdelay $0x3  }
0x94: {  	_ =	strace s2  }
0x95: {  	s2 =	sld [smem:$0x3FFD];
	_ =	sdelay $0x3  }
0x96: {  	_ =	strace s2  }
0x97: {  	_ =	strace $0x8FFFFFFF  }
0x98: {  	s18 =	sld [smem:$0x3FDB];
	_ =	sdelay $0x1  }
0x99: {  	s19 =	simm.s32 $_scs_section_size  }
0x9a: {  	s4 =	simm.s32 $_size__tile_overlayer_lowered;
	s5 =	simm.s32 $_tile_overlayer_lowered  }
0x9b: {  	s22 =	simm.s32 $0x1BFF;
	s21 =	sshll.u32 s5, $0x1;
	s2 =	sadd.s32 s19, s18  }
0x9c: {  	s6 =	simm.s32 $0x0;
	s20 =	sshll.u32 s4, $0x1;
	s4 =	sadd.s32 s21, s2  }
0x9d: {  	[timem:s6], [sflag:s22] =	dma.local [hbm:s4], s20  }
0x9e: {  	_ =	swait.ge [sflag:s22], s20  }
0x9f: {  	s3 =	ssub.s32 $0x0, s20;
	[sflag:s22] =	ssyncset.done $0x0  }
0xa0: {  	[sflag:s22] =	ssyncadd.s32 s3;
	_ =	sdelay $0x1  }
0xa1: {  	s23 =	simm.s32 $0x1B8B  }
0xa2: {  	_ =	swait.ge [sflag:s23], $0x1  }
0xa3: {  	[sflag:s23] =	ssyncset.done $0x0  }
0xa4: {  	s25 =	simm.s32 $0x1B8E;
	s24 =	sld [smem:$0x3FFE];
	[sflag:s23] =	ssyncadd.s32 $0xFFFFFFFF  }
0xa5: {  	s26 =	simm.s32 $execute0_lowered;
	[smem:$0x3FD2] =	sst s25  }
0xa6: {  	s4 =	sshll.u32 s26, $0x1;
	_ =	strace $0x8000004C;
	[dreg:$0x1] =	wrdreg $0xFFFFFFFF  }
0xa7: {  	s28 =	simm.s32 $_size_execute0_lowered;
	s2 =	sadd.s32 s2, s4;
	[dreg:$0x0] =	wrdreg $0x0  }
0xa8: {  	s4 =	sshll.u32 s28, $0x1;
	[dreg:$0x2] =	wrdreg s2  }
0xa9: {  	[dreg:$0x3] =	wrdreg s4  }
0xaa: {  	[dreg:$0x4] =	wrdreg $0xC0  }
0xab: {  	_ =	task [dreg:s6], $0x5FFFF  }
0xac: {  	[dreg:$0x1] =	wrdreg $0xFFFFFFFF  }
0xad: {  	[dreg:$0x0] =	wrdreg $0x60  }
0xae: {  	[dreg:$0x2] =	wrdreg s24  }
0xaf: {  	[dreg:$0x3] =	wrdreg $0x9  }
0xb0: {  	_ =	task.clear_ibuf [dreg:s6], $0x4FFFF;
	_ =	strace $0x9000004C  }
0xb1: {  	s29 =	simm.s32 $0x9;
	_ =	strace $0x8000004E  }
0xb2: {  	_ =	swait.ge [sflag:s29], $0x1  }
0xb3: {  	[sflag:s29] =	ssyncadd.s32 $0xFFFFFFFF  }
0xb4: {  	_ =	strace $0x9000004E  }
0xb5: {  	_ =	sfence  }
0xb6: {  	s30 =	sld [smem:$0x0];
	_ =	sdelay $0x2  }
0xb7: {  	s31 =	sshll.u32 s1, $0xD;
	s1 =	sshrl.u32 s1, $0x2  }
0xb8: {  	s3 =	sand.u32 $0x4000, s31;
	s1 =	sadd.s32 s1, s30  }
0xb9: {  	s0 =	sor.u32 s3, s0;
	s1 =	sshll.u32 s1, $0x11  }
0xba: {  	s0 =	sor.u32 s1, s0  }
0xbb: {  	s0 =	sadd.s32 $0x8F2B, s0  }
0xbc: {  	[sflag:s0] =	ssyncadd.remote.s32 $0x1  }
0xbd: {  	_ =	sfence.sel $0xFFFF  }
0xbe: {  	[dreg:$0x0] =	wrdreg $0xFFFFFFFF;
	(pc) =	sbr.abs _section_cstart, $3  }
0xbf: {  	[dreg:$0x1] =	wrdreg $0xFFFFFFFF  }
0xc0: {  	_ =	task.clear_ibuf [dreg:s6], $0x2FFFF;
	_ =	strace $0x9FFFFFFF  }
0xc1: {  	(tm) =	ssettm $0x7FFFFFFF  }
tec
execute0_lowered:
.L_overlay_start_1:
0x0: {  	(tag) =	ssettag $0x1  }
0x1: {  	s4 =	rddreg [dreg:$0x0]  }
0x2: {  	s0 =	rddreg [dreg:$0x1];
	s2 =	simm.s32 $0x0;
	s1 =	stileid.u32  }
0x3: {  	s3 =	srdreg.scid;
	s10 =	simm.s32 $0x0;
	s6 =	smul.u32 $0x2800, s1  }
0x4: {  	[smem:$0x7FF] =	sst s2;
	s5 =	sand.u32 $0x1, s3;
	s8 =	smul.u32 $0x14000, s1  }
0x5: {  	s3 =	sadd.s32 $0x85E00, s4;
	s7 =	smul.u32 $0x1400, s5;
	s9 =	ssub.s32 $0x2, s5  }
0x6: {  	_ =	strace $0x8000004D;
	s5 =	smul.u32 $0xA000, s5;
	s31 =	sshrl.u32 s9, $0x1  }
0x7: {  	s8 =	sadd.s32 s8, s4;
	s6 =	sadd.s32 s7, s6;
	s7 =	ssub.s32 s9, s31  }
0x8: {  	s5 =	sadd.s32 s5, s8;
	s8 =	simm.s32 $0x200;
	s6 =	sshrl.u32 s6, $0x3  }
0x9: {  	s9 =	simm.s32 $0x1;
	s5 =	sadd.s32 $0xAAE00, s5;
	s6 =	sadd.s32 s6, s4  }
0xa: {  	s4 =	smax.u32 s7, $0x1;
	s7 =	simm.s32 $0x2;
	s6 =	sadd.s32 $0xA5E00, s6  }
.LBB2_1:
0xb: {  	s11 =	sadd.s32 $0x0, s6  }
0xc: {  	[tilespmem:s2], [sflag:$0x2] =	stream.linear.gather [hbm4b:s11+s2], $0x200, $0x38;
	[tilespmem:$0x8200] =	vst v63  }
0xd: {  	_ =	swait.ge [sflag:s7], $0x200  }
0xe: {  	[sflag:s7] =	ssyncset.done $0x0  }
0xf: {  	[sflag:s7] =	ssyncadd.s32 $0xFFFFFE00  }
0x10: {  	[tilespmem:s8], [sflag:$0x1] =	stream.indirect.gather [hbm4b:s3+s8], $0x40, s2, s8, $0xb8;
	[tilespmem:$0x8200] =	vst v63  }
0x11: {  	_ =	swait.ge [sflag:s9], $0x8000  }
0x12: {  	[sflag:s9] =	ssyncset.done $0x0  }
0x13: {  	[sflag:s9] =	ssyncadd.s32 $0xFFFF8000  }
0x14: {  	[hbm4b:s5+s2] =	stream.linear.scatter [tilespmem:s8], [sflag:$0x2], $0x8000, $0x38;
	[tilespmem:$0x8200] =	vst v63  }
0x15: {  	s12 =	simm.s32 $0x40;
	_ =	swait.ge [sflag:s7], $0x8000  }
0x16: {  	s13 =	simm.s32 $0x80;
	s11 =	sadd.s32 $0x1000, s5;
	[sflag:s7] =	ssyncset.done $0x0  }
.LBB2_2:
0x17: {  	s14 =	sadd.s32 s12, s6  }
0x18: {  	[sflag:s7] =	ssyncadd.s32 $0xFFFF8000;
	s12 =	smov.u32 s13;
	s15 =	sadd.s32 $0x40, s13  }
0x19: {  	[tilespmem:s2], [sflag:$0x2] =	stream.linear.gather [hbm4b:s14+s2], $0x200, $0x38;
	[tilespmem:$0x8200] =	vst v63  }
0x1a: {  	p0 =	sne.s32 s13, $0x240;
	_ =	swait.ge [sflag:s7], $0x200  }
0x1b: {  	[sflag:s7] =	ssyncset.done $0x0  }
0x1c: {  	[sflag:s7] =	ssyncadd.s32 $0xFFFFFE00  }
0x1d: {  	[tilespmem:s8], [sflag:$0x1] =	stream.indirect.gather [hbm4b:s3+s8], $0x40, s2, s8, $0xb8;
	[tilespmem:$0x8200] =	vst v63  }
0x1e: {  	_ =	swait.ge [sflag:s9], $0x8000  }
.Ltmp0:
0x1f: {  	[sflag:s9] =	ssyncset.done $0x0;
	(pc) =	sbr.rel @p0 .LBB2_2-.Ltmp0, $4  }
0x20: {  	[sflag:s9] =	ssyncadd.s32 $0xFFFF8000  }
0x21: {  	[hbm4b:s11+s2] =	stream.linear.scatter [tilespmem:s8], [sflag:$0x2], $0x8000, $0x38;
	[tilespmem:$0x8200] =	vst v63  }
0x22: {  	_ =	swait.ge [sflag:s7], $0x8000  }
0x23: {  	s13 =	smov.u32 s15;
	s11 =	sadd.s32 $0x1000, s11;
	[sflag:s7] =	ssyncset.done $0x0  }
0x24: {  	s12 =	sadd.s32 s12, s6;
	[sflag:s7] =	ssyncadd.s32 $0xFFFF8000  }
0x25: {  	[tilespmem:s2], [sflag:$0x2] =	stream.linear.gather [hbm4b:s12+s2], $0x200, $0x38;
	[tilespmem:$0x8200] =	vst v63  }
0x26: {  	_ =	swait.ge [sflag:s7], $0x200  }
0x27: {  	[sflag:s7] =	ssyncset.done $0x0  }
0x28: {  	[sflag:s7] =	ssyncadd.s32 $0xFFFFFE00  }
0x29: {  	[tilespmem:s8], [sflag:$0x1] =	stream.indirect.gather [hbm4b:s3+s8], $0x40, s2, s8, $0xb8;
	[tilespmem:$0x8200] =	vst v63  }
0x2a: {  	s10 =	sadd.s32 $0x1, s10;
	_ =	swait.ge [sflag:s9], $0x8000  }
0x2b: {  	p0 =	sne.s32 s10, s4;
	[sflag:s9] =	ssyncset.done $0x0  }
.Ltmp1:
0x2c: {  	[sflag:s9] =	ssyncadd.s32 $0xFFFF8000;
	(pc) =	sbr.rel @p0 .LBB2_1-.Ltmp1, $4  }
0x2d: {  	[hbm4b:s11+s2] =	stream.linear.scatter [tilespmem:s8], [sflag:$0x2], $0x8000, $0x38;
	[tilespmem:$0x8200] =	vst v63  }
0x2e: {  	_ =	swait.ge [sflag:s7], $0x8000  }
0x2f: {  	[sflag:s7] =	ssyncset.done $0x0  }
0x30: {  	[sflag:s7] =	ssyncadd.s32 $0xFFFF8000  }
0x31: {  	_ =	sfence.sel $0x180000  }
0x32: {  	[bflag:$0x0] =	sbarrier.arrive $0xFFFF  }
0x33: {  	p0 =	sne.s32 s1, $0x0;
	_ =	strace $0x9000004D  }
0x34: {  	s0 =	sadd.s32 @!p0 $0x100000, s0;
	[bflag:$0x2] =	sbarrier.arrive $0xFFFF  }
0x35: {  	[sflag:s0] =	ssyncadd.tile.s32 @!p0 $0x1;
	_ =	shalt  }
.Lfunc_end2:
_tile_overlayer_lowered:
.L_overlay_start_2:
0x36: {  	(tag) =	ssettag $0x2  }
0x37: {  	s0 =	rddreg [dreg:$0x0];
	s2 =	stileid.u32  }
0x38: {  	s1 =	rddreg [dreg:$0x1];
	p0 =	sne.s32 s2, $0x0  }
0x39: {  	s3 =	rddreg [dreg:$0x2];
	[bflag:$0x3] =	sbarrier.arrive $0xFFFF;
	s2 =	simm.s32 @!p0 $0x1C02  }
0x3a: {  	[timem:s3], [sflag:s2] =	dma.local @!p0 [hbm:s0], s1  }
0x3b: {  	s0 =	simm.s32 @!p0 $0x2  }
0x3c: {  	_ =	swait.ge @!p0 [sflag:s0], s1  }
0x3d: {  	s1 =	ssub.s32 @!p0 $0x0, s1;
	[sflag:s0] =	ssyncset.done @!p0 $0x0  }
0x3e: {  	[sflag:s0] =	ssyncadd.s32 @!p0 s1  }
0x3f: {  	[bflag:$0x3] =	sbarrier.arrive $0xFFFF  }
0x40: {  	_ =	shalt  }

</sc_bundles>
